<compile_context>
chip_gen: v7x
topology: tpu7x:2x2x1
jax: 0.10.2.dev20260603
libtpu: 0.0.44.dev20260713+nightly
codegen_flags: <defaults>
</compile_context>

<pallas_src>
import jax
import jax.numpy as jnp
from jax import lax
from jax.experimental import pallas as pl
from jax.experimental.pallas import tpu as pltpu
from jax.experimental.pallas import tpu_sc as plsc

D = 32
_NC = 2
_NS = 16
_NW = _NC * _NS
_JC = 26

_V = 1000000
_TR_FULL = _V // 128
_TAIL = _V - _TR_FULL * 128


def _transpose_chunk(in_ref, out_ref):
    ii = lax.iota(jnp.int32, 16)

    @plsc.parallel_loop(0, 32, 1, unroll=4)
    def _(vrow):
        for h in range(8):
            c_idx = ii + 16 * (h % 2)
            i_idx = jnp.zeros((16,), jnp.int32) + (4 * vrow + h // 2)
            val = plsc.load_gather(in_ref, [c_idx, i_idx])
            out_ref[vrow, pl.ds(16 * h, 16)] = val


def _relayout_body(tabt_hbm, tail_hbm, out_hbm, in_v, out_v, si0, si1, so0, so1):
    wid = lax.axis_index("s") * _NC + lax.axis_index("c")
    sems_in = (si0, si1)
    sems_out = (so0, so1)
    extra = jnp.where(wid < 4, 1, 0)
    n_chunks = 244 + extra
    base = wid * 244 + jnp.minimum(wid, 4)

    def start_in(k, b):
        tr = base + k
        pltpu.async_copy(
            tabt_hbm.at[:, pl.ds(pl.multiple_of(tr * 128, 128), 128)],
            in_v.at[b],
            sems_in[b],
        )

    def wait_in(b):
        pltpu.make_async_copy(
            tabt_hbm.at[:, pl.ds(0, 128)], in_v.at[b], sems_in[b]
        ).wait()

    def start_out(k, b):
        tr = base + k
        pltpu.async_copy(
            out_v.at[b],
            out_hbm.at[pl.ds(pl.multiple_of(tr * 32, 32), 32)],
            sems_out[b],
        )

    def drain_out(b):
        pltpu.make_async_copy(
            out_v.at[b], out_hbm.at[pl.ds(0, 32)], sems_out[b]
        ).wait()

    start_in(0, 0)

    def step(g, carry):
        for b in range(2):
            k = 2 * g + b

            @pl.when(k < n_chunks)
            def _():
                wait_in(b)

                @pl.when(k + 1 < n_chunks)
                def _():
                    start_in(k + 1, 1 - b)

                @pl.when(k >= 2)
                def _():
                    drain_out(b)

                _transpose_chunk(in_v.at[b], out_v.at[b])
                start_out(k, b)

        return carry

    lax.fori_loop(0, 123, step, 0)
    drain_out(0)
    drain_out(1)

    @pl.when(wid == 0)
    def _():
        pltpu.sync_copy(tail_hbm, out_hbm.at[pl.ds(_TR_FULL * 32, 16)])


def _transpose_rows(rows_ref, tout_ref):
    ii = lax.iota(jnp.int32, 16)

    @plsc.parallel_loop(0, 32, 1, unroll=4)
    def _(w):
        tc = w // 8
        c8 = lax.rem(w, 8)
        c_idx = jnp.zeros((16,), jnp.int32) + w
        for s in range(8):
            i_idx = ii + 16 * s
            val = plsc.load_gather(rows_ref, [i_idx, c_idx])
            tout_ref[tc, c8, pl.ds(16 * s, 16)] = val


def _gather_body(table_hbm, idx_hbm, out_hbm, idx_v, rows_v, tout_v,
                 si0, si1, so0, so1):
    wid = lax.axis_index("s") * _NC + lax.axis_index("c")
    sems_in = (si0, si1)
    sems_out = (so0, so1)
    i0 = wid * 512
    pltpu.sync_copy(idx_hbm.at[:, pl.ds(pl.multiple_of(i0, 512), 512)], idx_v)

    def start_gather(q, b):
        j = q // 4
        t = lax.rem(q, 4)
        pltpu.async_copy(
            table_hbm.at[idx_v.at[j, pl.ds(pl.multiple_of(128 * t, 128), 128)]],
            rows_v.at[b],
            sems_in[b],
        )

    def wait_gather(b):
        pltpu.make_async_copy(
            table_hbm.at[pl.ds(0, 128)], rows_v.at[b], sems_in[b]
        ).wait()

    def start_out(q, b):
        j = q // 4
        ti = 4 * wid + lax.rem(q, 4)
        pltpu.async_copy(
            tout_v.at[b], out_hbm.at[j, :, ti], sems_out[b]
        )

    def drain_out(b):
        pltpu.make_async_copy(
            tout_v.at[b], out_hbm.at[0, :, 0], sems_out[b]
        ).wait()

    start_gather(0, 0)

    def step(g, carry):
        for b in range(2):
            q = 2 * g + b
            wait_gather(b)

            @pl.when(q + 1 < _JC * 4)
            def _():
                start_gather(q + 1, 1 - b)

            @pl.when(q >= 2)
            def _():
                drain_out(b)

            _transpose_rows(rows_v.at[b], tout_v.at[b])
            start_out(q, b)

        return carry

    lax.fori_loop(0, _JC * 2, step, 0)
    drain_out(0)
    drain_out(1)


def kernel(x, table):
    rows, cols = x.shape
    xi = x.T.astype(jnp.int32)
    mesh = plsc.VectorSubcoreMesh(core_axis_name="c", subcore_axis_name="s")

    relayout = pl.kernel(
        _relayout_body,
        mesh=mesh,
        out_type=jax.ShapeDtypeStruct((_V // 4, 128), jnp.float32),
        scratch_types=[
            pltpu.VMEM((2, 32, 128), jnp.float32),
            pltpu.VMEM((2, 32, 128), jnp.float32),
            pltpu.SemaphoreType.DMA,
            pltpu.SemaphoreType.DMA,
            pltpu.SemaphoreType.DMA,
            pltpu.SemaphoreType.DMA,
        ],
        compiler_params=pltpu.CompilerParams(needs_layout_passes=False),
    )

    gather = pl.kernel(
        _gather_body,
        mesh=mesh,
        out_type=jax.ShapeDtypeStruct((_JC, 4, rows // 128, 8, 128), jnp.float32),
        scratch_types=[
            pltpu.VMEM((_JC, 512), jnp.int32),
            pltpu.VMEM((2, 128, D), jnp.float32),
            pltpu.VMEM((2, 4, 8, 128), jnp.float32),
            pltpu.SemaphoreType.DMA,
            pltpu.SemaphoreType.DMA,
            pltpu.SemaphoreType.DMA,
            pltpu.SemaphoreType.DMA,
        ],
        compiler_params=pltpu.CompilerParams(
            use_tc_tiling_on_sc=False, needs_layout_passes=False
        ),
    )

    tail = table[_TR_FULL * 128:].reshape(16, 128)
    table_lin = relayout(table.T, tail).reshape(_V, D)
    out5 = gather(table_lin, xi)
    return jnp.transpose(out5, (2, 4, 0, 1, 3)).reshape(rows, cols, D)

# --- scband reference (transcript-rebuilt; emitter-appended) ---
"""Pipeline reference for scband-g-39711267619107 (READ-ONLY COPY).

The authoritative reference and input builder live on the scoring server;
editing this copy changes nothing except your own understanding.
"""

import jax, jax.numpy as jnp
import numpy as np

VOCAB = 1000000
D_MODEL = 32

def setup_inputs(seed: int = 0) -> dict:
    key = jax.random.key(seed)
    k_idx, k_tab = jax.random.split(key)
    x = jax.random.randint(k_idx, (16384, 26), 0, VOCAB, dtype=jnp.int64)
    # nn.Embedding default init: N(0, 1)
    table = jax.random.normal(k_tab, (VOCAB, D_MODEL), dtype=jnp.float32)
    return {"x": x, "table": table}

def reference(x, table):
    # forward: self.G.ndata['feat'][x]  -> plain embedding gather
    return jnp.take(table, x, axis=0)

if __name__ == "__main__":
    import jax
    _d = setup_inputs()
    print(jax.jit(kernel)(*tuple(_d.values())))

</pallas_src>

<mosaic_0001>
#map = affine_map<(d0, d1) -> (0, 0)>
module attributes {stable_mosaic.version = 14 : i64} {
  func.func @_relayout_body(%arg0: i32, %arg1: i32, %arg2: memref<32x1000000xf32, #tpu.memory_space<hbm>>, %arg3: memref<16x128xf32, #tpu.memory_space<hbm>>, %arg4: memref<250000x128xf32, #tpu.memory_space<hbm>>, %arg5: memref<2x32x128xf32, #tpu.memory_space<vmem>>, %arg6: memref<2x32x128xf32, #tpu.memory_space<vmem>>, %arg7: memref<!tpu.dma_semaphore, #tpu.memory_space<semaphore_mem>>, %arg8: memref<!tpu.dma_semaphore, #tpu.memory_space<semaphore_mem>>, %arg9: memref<!tpu.dma_semaphore, #tpu.memory_space<semaphore_mem>>, %arg10: memref<!tpu.dma_semaphore, #tpu.memory_space<semaphore_mem>>) attributes {dimension_semantics = [#tpu.dimension_semantics<core_parallel>, #tpu.dimension_semantics<subcore_parallel>], iteration_bounds = array<i64: 2, 16>, scalar_prefetch = 0 : i64, scratch_operands = 6 : i64, tpu.core_type = #tpu.core_type<sc_vector_subcore>, window_params = [{transform_indices = #map}, {transform_indices = #map}, {transform_indices = #map}]} {
    %mul3A = arith.constant 2 : i32
    %mul3A_0 = arith.muli %arg1, %mul3A : i32
    %add3A = arith.addi %mul3A_0, %arg0 : i32
    %lt3A = arith.constant 4 : i32
    %lt3A_1 = arith.cmpi slt, %add3A, %lt3A : i32
    %jit3A = arith.constant 1 : i32
    %jit3A_2 = arith.constant 0 : i32
    %select_n3A = arith.select %lt3A_1, %jit3A, %jit3A_2 : i32
    %add3A_3 = arith.constant 244 : i32
    %add3A_4 = arith.addi %add3A_3, %select_n3A : i32
    %mul3A_5 = arith.constant 244 : i32
    %mul3A_6 = arith.muli %add3A, %mul3A_5 : i32
    %min3A = arith.constant 4 : i32
    %min3A_7 = arith.minsi %add3A, %min3A : i32
    %add3A_8 = arith.addi %mul3A_6, %min3A_7 : i32
    %add3A_9 = arith.constant 0 : i32
    %add3A_10 = arith.addi %add3A_8, %add3A_9 : i32
    %mul3A_11 = arith.constant 128 : i32
    %mul3A_12 = arith.muli %add3A_10, %mul3A_11 : i32
    %multiple_of3A = tpu.assume_multiple %mul3A_12, 128 : i32
    %dma_start3A = arith.constant 0 : i32
    %dma_start3A_13 = arith.constant 0 : i32
    %dma_start3A_14 = arith.constant 0 : i32
    %dma_start3A_15 = tpu.memref_slice %arg5[%dma_start3A, %dma_start3A_13, %dma_start3A_14] : memref<2x32x128xf32, #tpu.memory_space<vmem>> -> memref<1x32x128xf32, #tpu.memory_space<vmem>>
    %dma_start3A_16 = tpu.memref_squeeze %dma_start3A_15 : memref<1x32x128xf32, #tpu.memory_space<vmem>> -> memref<32x128xf32, #tpu.memory_space<vmem>>
    %dma_start3A_17 = arith.constant 0 : i32
    %dma_start3A_18 = tpu.memref_slice %arg2[%dma_start3A_17, %multiple_of3A] : memref<32x1000000xf32, #tpu.memory_space<hbm>> -> memref<32x128xf32, #tpu.memory_space<hbm>>
    %dma_start3A_19 = arith.constant 0 : i32
    %dma_start3A_20 = arith.constant 0 : i32
    %dma_start3A_21 = tpu.memref_slice %arg5[%dma_start3A, %dma_start3A_19, %dma_start3A_20] : memref<2x32x128xf32, #tpu.memory_space<vmem>> -> memref<1x32x128xf32, #tpu.memory_space<vmem>>
    %dma_start3A_22 = tpu.memref_squeeze %dma_start3A_21 : memref<1x32x128xf32, #tpu.memory_space<vmem>> -> memref<32x128xf32, #tpu.memory_space<vmem>>
    %dma_start3A_23 = arith.constant 0 : i32
    %dma_start3A_24 = tpu.memref_slice %arg2[%dma_start3A_23, %multiple_of3A] : memref<32x1000000xf32, #tpu.memory_space<hbm>> -> memref<32x128xf32, #tpu.memory_space<hbm>>
    tpu.enqueue_dma source(%dma_start3A_24 : memref<32x128xf32, #tpu.memory_space<hbm>>) target(%dma_start3A_22 : memref<32x128xf32, #tpu.memory_space<vmem>>) target_semaphore(%arg7 : memref<!tpu.dma_semaphore, #tpu.memory_space<semaphore_mem>>)
    %scan3A = arith.constant 0 : i32
    %scan3A_25 = arith.constant 0 : i32
    %scan3A_26 = arith.constant 123 : i32
    %scan3A_27 = arith.addi %scan3A_25, %scan3A_26 : i32
    %scan3A_28 = arith.constant 1 : i32
    scf.for %scan3A_61 = %scan3A_25 to %scan3A_27 step %scan3A_28  : i32 {
      %mul3A_62 = arith.constant 2 : i32
      %mul3A_63 = arith.muli %mul3A_62, %scan3A_61 : i32
      %add3A_64 = arith.constant 0 : i32
      %add3A_65 = arith.addi %mul3A_63, %add3A_64 : i32
      %lt3A_66 = arith.cmpi slt, %add3A_65, %add3A_4 : i32
      %convert_element_type3A_67 = arith.extui %lt3A_66 : i1 to i32
      %cond3A_68 = arith.constant 0 : i32
      %cond3A_69 = arith.cmpi ne, %convert_element_type3A_67, %cond3A_68 : i32
      scf.if %cond3A_69 {
        %dma_wait3A_78 = arith.constant 0 : i32
        %dma_wait3A_79 = arith.constant 0 : i32
        %dma_wait3A_80 = arith.constant 0 : i32
        %dma_wait3A_81 = tpu.memref_slice %arg5[%dma_wait3A_78, %dma_wait3A_79, %dma_wait3A_80] : memref<2x32x128xf32, #tpu.memory_space<vmem>> -> memref<1x32x128xf32, #tpu.memory_space<vmem>>
        %dma_wait3A_82 = tpu.memref_squeeze %dma_wait3A_81 : memref<1x32x128xf32, #tpu.memory_space<vmem>> -> memref<32x128xf32, #tpu.memory_space<vmem>>
        %dma_wait3A_83 = arith.constant 0 : i32
        %dma_wait3A_84 = arith.constant 0 : i32
        %dma_wait3A_85 = tpu.memref_slice %arg2[%dma_wait3A_83, %dma_wait3A_84] : memref<32x1000000xf32, #tpu.memory_space<hbm>> -> memref<32x128xf32, #tpu.memory_space<hbm>>
        %dma_wait3A_86 = arith.constant 0 : i32
        %dma_wait3A_87 = arith.constant 0 : i32
        %dma_wait3A_88 = tpu.memref_slice %arg5[%dma_wait3A_78, %dma_wait3A_86, %dma_wait3A_87] : memref<2x32x128xf32, #tpu.memory_space<vmem>> -> memref<1x32x128xf32, #tpu.memory_space<vmem>>
        %dma_wait3A_89 = tpu.memref_squeeze %dma_wait3A_88 : memref<1x32x128xf32, #tpu.memory_space<vmem>> -> memref<32x128xf32, #tpu.memory_space<vmem>>
        %dma_wait3A_90 = arith.constant 0 : i32
        %dma_wait3A_91 = arith.constant 0 : i32
        %dma_wait3A_92 = tpu.memref_slice %arg2[%dma_wait3A_90, %dma_wait3A_91] : memref<32x1000000xf32, #tpu.memory_space<hbm>> -> memref<32x128xf32, #tpu.memory_space<hbm>>
        tpu.wait_dma2 semaphore(%arg7 : memref<!tpu.dma_semaphore, #tpu.memory_space<semaphore_mem>>) src(%dma_wait3A_92 : memref<32x128xf32, #tpu.memory_space<hbm>>) dst(%dma_wait3A_89 : memref<32x128xf32, #tpu.memory_space<vmem>>)
        %add3A_93 = arith.constant 1 : i32
        %add3A_94 = arith.addi %add3A_65, %add3A_93 : i32
        %lt3A_95 = arith.cmpi slt, %add3A_94, %add3A_4 : i32
        %convert_element_type3A_96 = arith.extui %lt3A_95 : i1 to i32
        %cond3A_97 = arith.constant 0 : i32
        %cond3A_98 = arith.cmpi ne, %convert_element_type3A_96, %cond3A_97 : i32
        scf.if %cond3A_98 {
          %add3A_124 = arith.constant 1 : i32
          %add3A_125 = arith.addi %add3A_65, %add3A_124 : i32
          %add3A_126 = arith.addi %add3A_8, %add3A_125 : i32
          %mul3A_127 = arith.constant 128 : i32
          %mul3A_128 = arith.muli %add3A_126, %mul3A_127 : i32
          %multiple_of3A_129 = tpu.assume_multiple %mul3A_128, 128 : i32
          %dma_start3A_130 = arith.constant 1 : i32
          %dma_start3A_131 = arith.constant 0 : i32
          %dma_start3A_132 = arith.constant 0 : i32
          %dma_start3A_133 = tpu.memref_slice %arg5[%dma_start3A_130, %dma_start3A_131, %dma_start3A_132] : memref<2x32x128xf32, #tpu.memory_space<vmem>> -> memref<1x32x128xf32, #tpu.memory_space<vmem>>
          %dma_start3A_134 = tpu.memref_squeeze %dma_start3A_133 : memref<1x32x128xf32, #tpu.memory_space<vmem>> -> memref<32x128xf32, #tpu.memory_space<vmem>>
          %dma_start3A_135 = arith.constant 0 : i32
          %dma_start3A_136 = tpu.memref_slice %arg2[%dma_start3A_135, %multiple_of3A_129] : memref<32x1000000xf32, #tpu.memory_space<hbm>> -> memref<32x128xf32, #tpu.memory_space<hbm>>
          %dma_start3A_137 = arith.constant 0 : i32
          %dma_start3A_138 = arith.constant 0 : i32
          %dma_start3A_139 = tpu.memref_slice %arg5[%dma_start3A_130, %dma_start3A_137, %dma_start3A_138] : memref<2x32x128xf32, #tpu.memory_space<vmem>> -> memref<1x32x128xf32, #tpu.memory_space<vmem>>
          %dma_start3A_140 = tpu.memref_squeeze %dma_start3A_139 : memref<1x32x128xf32, #tpu.memory_space<vmem>> -> memref<32x128xf32, #tpu.memory_space<vmem>>
          %dma_start3A_141 = arith.constant 0 : i32
          %dma_start3A_142 = tpu.memref_slice %arg2[%dma_start3A_141, %multiple_of3A_129] : memref<32x1000000xf32, #tpu.memory_space<hbm>> -> memref<32x128xf32, #tpu.memory_space<hbm>>
          tpu.enqueue_dma source(%dma_start3A_142 : memref<32x128xf32, #tpu.memory_space<hbm>>) target(%dma_start3A_140 : memref<32x128xf32, #tpu.memory_space<vmem>>) target_semaphore(%arg8 : memref<!tpu.dma_semaphore, #tpu.memory_space<semaphore_mem>>)
        } else {
        }
        %ge3A = arith.constant 2 : i32
        %ge3A_99 = arith.cmpi sge, %add3A_65, %ge3A : i32
        %convert_element_type3A_100 = arith.extui %ge3A_99 : i1 to i32
        %cond3A_101 = arith.constant 0 : i32
        %cond3A_102 = arith.cmpi ne, %convert_element_type3A_100, %cond3A_101 : i32
        scf.if %cond3A_102 {
          %dma_wait3A_124 = arith.constant 0 : i32
          %dma_wait3A_125 = arith.constant 0 : i32
          %dma_wait3A_126 = arith.constant 0 : i32
          %dma_wait3A_127 = tpu.memref_slice %arg6[%dma_wait3A_124, %dma_wait3A_125, %dma_wait3A_126] : memref<2x32x128xf32, #tpu.memory_space<vmem>> -> memref<1x32x128xf32, #tpu.memory_space<vmem>>
          %dma_wait3A_128 = tpu.memref_squeeze %dma_wait3A_127 : memref<1x32x128xf32, #tpu.memory_space<vmem>> -> memref<32x128xf32, #tpu.memory_space<vmem>>
          %dma_wait3A_129 = arith.constant 0 : i32
          %dma_wait3A_130 = arith.constant 0 : i32
          %dma_wait3A_131 = tpu.memref_slice %arg4[%dma_wait3A_129, %dma_wait3A_130] : memref<250000x128xf32, #tpu.memory_space<hbm>> -> memref<32x128xf32, #tpu.memory_space<hbm>>
          %dma_wait3A_132 = arith.constant 0 : i32
          %dma_wait3A_133 = arith.constant 0 : i32
          %dma_wait3A_134 = tpu.memref_slice %arg4[%dma_wait3A_132, %dma_wait3A_133] : memref<250000x128xf32, #tpu.memory_space<hbm>> -> memref<32x128xf32, #tpu.memory_space<hbm>>
          %dma_wait3A_135 = arith.constant 0 : i32
          %dma_wait3A_136 = arith.constant 0 : i32
          %dma_wait3A_137 = tpu.memref_slice %arg6[%dma_wait3A_124, %dma_wait3A_135, %dma_wait3A_136] : memref<2x32x128xf32, #tpu.memory_space<vmem>> -> memref<1x32x128xf32, #tpu.memory_space<vmem>>
          %dma_wait3A_138 = tpu.memref_squeeze %dma_wait3A_137 : memref<1x32x128xf32, #tpu.memory_space<vmem>> -> memref<32x128xf32, #tpu.memory_space<vmem>>
          tpu.wait_dma2 semaphore(%arg9 : memref<!tpu.dma_semaphore, #tpu.memory_space<semaphore_mem>>) src(%dma_wait3A_138 : memref<32x128xf32, #tpu.memory_space<vmem>>) dst(%dma_wait3A_134 : memref<32x128xf32, #tpu.memory_space<hbm>>)
        } else {
        }
        %iota3A = tpu.iota {dimensions = array<i32: 0>} : vector<16xi32>
        %parallel_loop3A = arith.constant 0 : i32
        %parallel_loop3A_103 = arith.constant 32 : i32
        %parallel_loop3A_104 = arith.constant 1 : i32
        %parallel_loop3A_105 = arith.constant 0 : i32
        %parallel_loop3A_106 = arith.constant 0 : i32
        scf.for %parallel_loop3A_124 = %parallel_loop3A to %parallel_loop3A_103 step %parallel_loop3A_104  : i32 {
          %parallel_loop3A_125 = arith.constant 0 : i32
          %parallel_loop3A_126 = vector.broadcast %parallel_loop3A_125 : i32 to vector<16xi32>
          %parallel_loop3A_127 = arith.addi %iota3A, %parallel_loop3A_126 : vector<16xi32>
          %parallel_loop3A_128 = arith.constant 0 : i32
          %parallel_loop3A_129 = vector.broadcast %parallel_loop3A_128 : i32 to vector<16xi32>
          %parallel_loop3A_130 = arith.constant 4 : i32
          %parallel_loop3A_131 = arith.muli %parallel_loop3A_130, %parallel_loop3A_124 : i32
          %parallel_loop3A_132 = arith.constant 0 : i32
          %parallel_loop3A_133 = arith.addi %parallel_loop3A_131, %parallel_loop3A_132 : i32
          %parallel_loop3A_134 = vector.broadcast %parallel_loop3A_133 : i32 to vector<16xi32>
          %parallel_loop3A_135 = arith.addi %parallel_loop3A_129, %parallel_loop3A_134 : vector<16xi32>
          %parallel_loop3A_136 = arith.constant 0 : i32
          %parallel_loop3A_137 = arith.constant 0 : i32
          %parallel_loop3A_138 = tpu.memref_slice %arg5[%parallel_loop3A_105, %parallel_loop3A_136, %parallel_loop3A_137] : memref<2x32x128xf32, #tpu.memory_space<vmem>> -> memref<1x32x128xf32, #tpu.memory_space<vmem>>
          %parallel_loop3A_139 = tpu.memref_squeeze %parallel_loop3A_138 : memref<1x32x128xf32, #tpu.memory_space<vmem>> -> memref<32x128xf32, #tpu.memory_space<vmem>>
          %parallel_loop3A_140 = tpu.vector_load_idx %parallel_loop3A_139[%parallel_loop3A_127, %parallel_loop3A_135] : memref<32x128xf32, #tpu.memory_space<vmem>>[vector<16xi32>, vector<16xi32>], vector<16xf32>,
          %parallel_loop3A_141 = arith.constant 0 : i32
          %parallel_loop3A_142 = arith.constant 0 : i32
          %parallel_loop3A_143 = tpu.memref_slice %arg6[%parallel_loop3A_106, %parallel_loop3A_141, %parallel_loop3A_142] : memref<2x32x128xf32, #tpu.memory_space<vmem>> -> memref<1x32x128xf32, #tpu.memory_space<vmem>>
          %parallel_loop3A_144 = tpu.memref_squeeze %parallel_loop3A_143 : memref<1x32x128xf32, #tpu.memory_space<vmem>> -> memref<32x128xf32, #tpu.memory_space<vmem>>
          %parallel_loop3A_145 = arith.index_cast %parallel_loop3A_124 : i32 to index
          %parallel_loop3A_146 = arith.constant 0 : index
          %parallel_loop3A_147 = tpu.vector_load %parallel_loop3A_144[%parallel_loop3A_145, %parallel_loop3A_146] {strides = array<i32>} : memref<32x128xf32, #tpu.memory_space<vmem>>, vector<16xf32>,
          tpu.vector_store %parallel_loop3A_144[%parallel_loop3A_145, %parallel_loop3A_146], %parallel_loop3A_140 {strides = array<i32>} : memref<32x128xf32, #tpu.memory_space<vmem>>, vector<16xf32>,
          %parallel_loop3A_148 = arith.constant 16 : i32
          %parallel_loop3A_149 = vector.broadcast %parallel_loop3A_148 : i32 to vector<16xi32>
          %parallel_loop3A_150 = arith.addi %iota3A, %parallel_loop3A_149 : vector<16xi32>
          %parallel_loop3A_151 = arith.constant 0 : i32
          %parallel_loop3A_152 = vector.broadcast %parallel_loop3A_151 : i32 to vector<16xi32>
          %parallel_loop3A_153 = arith.constant 4 : i32
          %parallel_loop3A_154 = arith.muli %parallel_loop3A_153, %parallel_loop3A_124 : i32
          %parallel_loop3A_155 = arith.constant 0 : i32
          %parallel_loop3A_156 = arith.addi %parallel_loop3A_154, %parallel_loop3A_155 : i32
          %parallel_loop3A_157 = vector.broadcast %parallel_loop3A_156 : i32 to vector<16xi32>
          %parallel_loop3A_158 = arith.addi %parallel_loop3A_152, %parallel_loop3A_157 : vector<16xi32>
          %parallel_loop3A_159 = arith.constant 0 : i32
          %parallel_loop3A_160 = arith.constant 0 : i32
          %parallel_loop3A_161 = tpu.memref_slice %arg5[%parallel_loop3A_105, %parallel_loop3A_159, %parallel_loop3A_160] : memref<2x32x128xf32, #tpu.memory_space<vmem>> -> memref<1x32x128xf32, #tpu.memory_space<vmem>>
          %parallel_loop3A_162 = tpu.memref_squeeze %parallel_loop3A_161 : memref<1x32x128xf32, #tpu.memory_space<vmem>> -> memref<32x128xf32, #tpu.memory_space<vmem>>
          %parallel_loop3A_163 = tpu.vector_load_idx %parallel_loop3A_162[%parallel_loop3A_150, %parallel_loop3A_158] : memref<32x128xf32, #tpu.memory_space<vmem>>[vector<16xi32>, vector<16xi32>], vector<16xf32>,
          %parallel_loop3A_164 = arith.constant 0 : i32
          %parallel_loop3A_165 = arith.constant 0 : i32
          %parallel_loop3A_166 = tpu.memref_slice %arg6[%parallel_loop3A_106, %parallel_loop3A_164, %parallel_loop3A_165] : memref<2x32x128xf32, #tpu.memory_space<vmem>> -> memref<1x32x128xf32, #tpu.memory_space<vmem>>
          %parallel_loop3A_167 = tpu.memref_squeeze %parallel_loop3A_166 : memref<1x32x128xf32, #tpu.memory_space<vmem>> -> memref<32x128xf32, #tpu.memory_space<vmem>>
          %parallel_loop3A_168 = arith.index_cast %parallel_loop3A_124 : i32 to index
          %parallel_loop3A_169 = arith.constant 16 : index
          %parallel_loop3A_170 = tpu.vector_load %parallel_loop3A_167[%parallel_loop3A_168, %parallel_loop3A_169] {strides = array<i32>} : memref<32x128xf32, #tpu.memory_space<vmem>>, vector<16xf32>,
          tpu.vector_store %parallel_loop3A_167[%parallel_loop3A_168, %parallel_loop3A_169], %parallel_loop3A_163 {strides = array<i32>} : memref<32x128xf32, #tpu.memory_space<vmem>>, vector<16xf32>,
          %parallel_loop3A_171 = arith.constant 0 : i32
          %parallel_loop3A_172 = vector.broadcast %parallel_loop3A_171 : i32 to vector<16xi32>
          %parallel_loop3A_173 = arith.addi %iota3A, %parallel_loop3A_172 : vector<16xi32>
          %parallel_loop3A_174 = arith.constant 0 : i32
          %parallel_loop3A_175 = vector.broadcast %parallel_loop3A_174 : i32 to vector<16xi32>
          %parallel_loop3A_176 = arith.constant 4 : i32
          %parallel_loop3A_177 = arith.muli %parallel_loop3A_176, %parallel_loop3A_124 : i32
          %parallel_loop3A_178 = arith.constant 1 : i32
          %parallel_loop3A_179 = arith.addi %parallel_loop3A_177, %parallel_loop3A_178 : i32
          %parallel_loop3A_180 = vector.broadcast %parallel_loop3A_179 : i32 to vector<16xi32>
          %parallel_loop3A_181 = arith.addi %parallel_loop3A_175, %parallel_loop3A_180 : vector<16xi32>
          %parallel_loop3A_182 = arith.constant 0 : i32
          %parallel_loop3A_183 = arith.constant 0 : i32
          %parallel_loop3A_184 = tpu.memref_slice %arg5[%parallel_loop3A_105, %parallel_loop3A_182, %parallel_loop3A_183] : memref<2x32x128xf32, #tpu.memory_space<vmem>> -> memref<1x32x128xf32, #tpu.memory_space<vmem>>
          %parallel_loop3A_185 = tpu.memref_squeeze %parallel_loop3A_184 : memref<1x32x128xf32, #tpu.memory_space<vmem>> -> memref<32x128xf32, #tpu.memory_space<vmem>>
          %parallel_loop3A_186 = tpu.vector_load_idx %parallel_loop3A_185[%parallel_loop3A_173, %parallel_loop3A_181] : memref<32x128xf32, #tpu.memory_space<vmem>>[vector<16xi32>, vector<16xi32>], vector<16xf32>,
          %parallel_loop3A_187 = arith.constant 0 : i32
          %parallel_loop3A_188 = arith.constant 0 : i32
          %parallel_loop3A_189 = tpu.memref_slice %arg6[%parallel_loop3A_106, %parallel_loop3A_187, %parallel_loop3A_188] : memref<2x32x128xf32, #tpu.memory_space<vmem>> -> memref<1x32x128xf32, #tpu.memory_space<vmem>>
          %parallel_loop3A_190 = tpu.memref_squeeze %parallel_loop3A_189 : memref<1x32x128xf32, #tpu.memory_space<vmem>> -> memref<32x128xf32, #tpu.memory_space<vmem>>
          %parallel_loop3A_191 = arith.index_cast %parallel_loop3A_124 : i32 to index
          %parallel_loop3A_192 = arith.constant 32 : index
          %parallel_loop3A_193 = tpu.vector_load %parallel_loop3A_190[%parallel_loop3A_191, %parallel_loop3A_192] {strides = array<i32>} : memref<32x128xf32, #tpu.memory_space<vmem>>, vector<16xf32>,
          tpu.vector_store %parallel_loop3A_190[%parallel_loop3A_191, %parallel_loop3A_192], %parallel_loop3A_186 {strides = array<i32>} : memref<32x128xf32, #tpu.memory_space<vmem>>, vector<16xf32>,
          %parallel_loop3A_194 = arith.constant 16 : i32
          %parallel_loop3A_195 = vector.broadcast %parallel_loop3A_194 : i32 to vector<16xi32>
          %parallel_loop3A_196 = arith.addi %iota3A, %parallel_loop3A_195 : vector<16xi32>
          %parallel_loop3A_197 = arith.constant 0 : i32
          %parallel_loop3A_198 = vector.broadcast %parallel_loop3A_197 : i32 to vector<16xi32>
          %parallel_loop3A_199 = arith.constant 4 : i32
          %parallel_loop3A_200 = arith.muli %parallel_loop3A_199, %parallel_loop3A_124 : i32
          %parallel_loop3A_201 = arith.constant 1 : i32
          %parallel_loop3A_202 = arith.addi %parallel_loop3A_200, %parallel_loop3A_201 : i32
          %parallel_loop3A_203 = vector.broadcast %parallel_loop3A_202 : i32 to vector<16xi32>
          %parallel_loop3A_204 = arith.addi %parallel_loop3A_198, %parallel_loop3A_203 : vector<16xi32>
          %parallel_loop3A_205 = arith.constant 0 : i32
          %parallel_loop3A_206 = arith.constant 0 : i32
          %parallel_loop3A_207 = tpu.memref_slice %arg5[%parallel_loop3A_105, %parallel_loop3A_205, %parallel_loop3A_206] : memref<2x32x128xf32, #tpu.memory_space<vmem>> -> memref<1x32x128xf32, #tpu.memory_space<vmem>>
          %parallel_loop3A_208 = tpu.memref_squeeze %parallel_loop3A_207 : memref<1x32x128xf32, #tpu.memory_space<vmem>> -> memref<32x128xf32, #tpu.memory_space<vmem>>
          %parallel_loop3A_209 = tpu.vector_load_idx %parallel_loop3A_208[%parallel_loop3A_196, %parallel_loop3A_204] : memref<32x128xf32, #tpu.memory_space<vmem>>[vector<16xi32>, vector<16xi32>], vector<16xf32>,
          %parallel_loop3A_210 = arith.constant 0 : i32
          %parallel_loop3A_211 = arith.constant 0 : i32
          %parallel_loop3A_212 = tpu.memref_slice %arg6[%parallel_loop3A_106, %parallel_loop3A_210, %parallel_loop3A_211] : memref<2x32x128xf32, #tpu.memory_space<vmem>> -> memref<1x32x128xf32, #tpu.memory_space<vmem>>
          %parallel_loop3A_213 = tpu.memref_squeeze %parallel_loop3A_212 : memref<1x32x128xf32, #tpu.memory_space<vmem>> -> memref<32x128xf32, #tpu.memory_space<vmem>>
          %parallel_loop3A_214 = arith.index_cast %parallel_loop3A_124 : i32 to index
          %parallel_loop3A_215 = arith.constant 48 : index
          %parallel_loop3A_216 = tpu.vector_load %parallel_loop3A_213[%parallel_loop3A_214, %parallel_loop3A_215] {strides = array<i32>} : memref<32x128xf32, #tpu.memory_space<vmem>>, vector<16xf32>,
          tpu.vector_store %parallel_loop3A_213[%parallel_loop3A_214, %parallel_loop3A_215], %parallel_loop3A_209 {strides = array<i32>} : memref<32x128xf32, #tpu.memory_space<vmem>>, vector<16xf32>,
          %parallel_loop3A_217 = arith.constant 0 : i32
          %parallel_loop3A_218 = vector.broadcast %parallel_loop3A_217 : i32 to vector<16xi32>
          %parallel_loop3A_219 = arith.addi %iota3A, %parallel_loop3A_218 : vector<16xi32>
          %parallel_loop3A_220 = arith.constant 0 : i32
          %parallel_loop3A_221 = vector.broadcast %parallel_loop3A_220 : i32 to vector<16xi32>
          %parallel_loop3A_222 = arith.constant 4 : i32
          %parallel_loop3A_223 = arith.muli %parallel_loop3A_222, %parallel_loop3A_124 : i32
          %parallel_loop3A_224 = arith.constant 2 : i32
          %parallel_loop3A_225 = arith.addi %parallel_loop3A_223, %parallel_loop3A_224 : i32
          %parallel_loop3A_226 = vector.broadcast %parallel_loop3A_225 : i32 to vector<16xi32>
          %parallel_loop3A_227 = arith.addi %parallel_loop3A_221, %parallel_loop3A_226 : vector<16xi32>
          %parallel_loop3A_228 = arith.constant 0 : i32
          %parallel_loop3A_229 = arith.constant 0 : i32
          %parallel_loop3A_230 = tpu.memref_slice %arg5[%parallel_loop3A_105, %parallel_loop3A_228, %parallel_loop3A_229] : memref<2x32x128xf32, #tpu.memory_space<vmem>> -> memref<1x32x128xf32, #tpu.memory_space<vmem>>
          %parallel_loop3A_231 = tpu.memref_squeeze %parallel_loop3A_230 : memref<1x32x128xf32, #tpu.memory_space<vmem>> -> memref<32x128xf32, #tpu.memory_space<vmem>>
          %parallel_loop3A_232 = tpu.vector_load_idx %parallel_loop3A_231[%parallel_loop3A_219, %parallel_loop3A_227] : memref<32x128xf32, #tpu.memory_space<vmem>>[vector<16xi32>, vector<16xi32>], vector<16xf32>,
          %parallel_loop3A_233 = arith.constant 0 : i32
          %parallel_loop3A_234 = arith.constant 0 : i32
          %parallel_loop3A_235 = tpu.memref_slice %arg6[%parallel_loop3A_106, %parallel_loop3A_233, %parallel_loop3A_234] : memref<2x32x128xf32, #tpu.memory_space<vmem>> -> memref<1x32x128xf32, #tpu.memory_space<vmem>>
          %parallel_loop3A_236 = tpu.memref_squeeze %parallel_loop3A_235 : memref<1x32x128xf32, #tpu.memory_space<vmem>> -> memref<32x128xf32, #tpu.memory_space<vmem>>
          %parallel_loop3A_237 = arith.index_cast %parallel_loop3A_124 : i32 to index
          %parallel_loop3A_238 = arith.constant 64 : index
          %parallel_loop3A_239 = tpu.vector_load %parallel_loop3A_236[%parallel_loop3A_237, %parallel_loop3A_238] {strides = array<i32>} : memref<32x128xf32, #tpu.memory_space<vmem>>, vector<16xf32>,
          tpu.vector_store %parallel_loop3A_236[%parallel_loop3A_237, %parallel_loop3A_238], %parallel_loop3A_232 {strides = array<i32>} : memref<32x128xf32, #tpu.memory_space<vmem>>, vector<16xf32>,
          %parallel_loop3A_240 = arith.constant 16 : i32
          %parallel_loop3A_241 = vector.broadcast %parallel_loop3A_240 : i32 to vector<16xi32>
          %parallel_loop3A_242 = arith.addi %iota3A, %parallel_loop3A_241 : vector<16xi32>
          %parallel_loop3A_243 = arith.constant 0 : i32
          %parallel_loop3A_244 = vector.broadcast %parallel_loop3A_243 : i32 to vector<16xi32>
          %parallel_loop3A_245 = arith.constant 4 : i32
          %parallel_loop3A_246 = arith.muli %parallel_loop3A_245, %parallel_loop3A_124 : i32
          %parallel_loop3A_247 = arith.constant 2 : i32
          %parallel_loop3A_248 = arith.addi %parallel_loop3A_246, %parallel_loop3A_247 : i32
          %parallel_loop3A_249 = vector.broadcast %parallel_loop3A_248 : i32 to vector<16xi32>
          %parallel_loop3A_250 = arith.addi %parallel_loop3A_244, %parallel_loop3A_249 : vector<16xi32>
          %parallel_loop3A_251 = arith.constant 0 : i32
          %parallel_loop3A_252 = arith.constant 0 : i32
          %parallel_loop3A_253 = tpu.memref_slice %arg5[%parallel_loop3A_105, %parallel_loop3A_251, %parallel_loop3A_252] : memref<2x32x128xf32, #tpu.memory_space<vmem>> -> memref<1x32x128xf32, #tpu.memory_space<vmem>>
          %parallel_loop3A_254 = tpu.memref_squeeze %parallel_loop3A_253 : memref<1x32x128xf32, #tpu.memory_space<vmem>> -> memref<32x128xf32, #tpu.memory_space<vmem>>
          %parallel_loop3A_255 = tpu.vector_load_idx %parallel_loop3A_254[%parallel_loop3A_242, %parallel_loop3A_250] : memref<32x128xf32, #tpu.memory_space<vmem>>[vector<16xi32>, vector<16xi32>], vector<16xf32>,
          %parallel_loop3A_256 = arith.constant 0 : i32
          %parallel_loop3A_257 = arith.constant 0 : i32
          %parallel_loop3A_258 = tpu.memref_slice %arg6[%parallel_loop3A_106, %parallel_loop3A_256, %parallel_loop3A_257] : memref<2x32x128xf32, #tpu.memory_space<vmem>> -> memref<1x32x128xf32, #tpu.memory_space<vmem>>
          %parallel_loop3A_259 = tpu.memref_squeeze %parallel_loop3A_258 : memref<1x32x128xf32, #tpu.memory_space<vmem>> -> memref<32x128xf32, #tpu.memory_space<vmem>>
          %parallel_loop3A_260 = arith.index_cast %parallel_loop3A_124 : i32 to index
          %parallel_loop3A_261 = arith.constant 80 : index
          %parallel_loop3A_262 = tpu.vector_load %parallel_loop3A_259[%parallel_loop3A_260, %parallel_loop3A_261] {strides = array<i32>} : memref<32x128xf32, #tpu.memory_space<vmem>>, vector<16xf32>,
          tpu.vector_store %parallel_loop3A_259[%parallel_loop3A_260, %parallel_loop3A_261], %parallel_loop3A_255 {strides = array<i32>} : memref<32x128xf32, #tpu.memory_space<vmem>>, vector<16xf32>,
          %parallel_loop3A_263 = arith.constant 0 : i32
          %parallel_loop3A_264 = vector.broadcast %parallel_loop3A_263 : i32 to vector<16xi32>
          %parallel_loop3A_265 = arith.addi %iota3A, %parallel_loop3A_264 : vector<16xi32>
          %parallel_loop3A_266 = arith.constant 0 : i32
          %parallel_loop3A_267 = vector.broadcast %parallel_loop3A_266 : i32 to vector<16xi32>
          %parallel_loop3A_268 = arith.constant 4 : i32
          %parallel_loop3A_269 = arith.muli %parallel_loop3A_268, %parallel_loop3A_124 : i32
          %parallel_loop3A_270 = arith.constant 3 : i32
          %parallel_loop3A_271 = arith.addi %parallel_loop3A_269, %parallel_loop3A_270 : i32
          %parallel_loop3A_272 = vector.broadcast %parallel_loop3A_271 : i32 to vector<16xi32>
          %parallel_loop3A_273 = arith.addi %parallel_loop3A_267, %parallel_loop3A_272 : vector<16xi32>
          %parallel_loop3A_274 = arith.constant 0 : i32
          %parallel_loop3A_275 = arith.constant 0 : i32
          %parallel_loop3A_276 = tpu.memref_slice %arg5[%parallel_loop3A_105, %parallel_loop3A_274, %parallel_loop3A_275] : memref<2x32x128xf32, #tpu.memory_space<vmem>> -> memref<1x32x128xf32, #tpu.memory_space<vmem>>
          %parallel_loop3A_277 = tpu.memref_squeeze %parallel_loop3A_276 : memref<1x32x128xf32, #tpu.memory_space<vmem>> -> memref<32x128xf32, #tpu.memory_space<vmem>>
          %parallel_loop3A_278 = tpu.vector_load_idx %parallel_loop3A_277[%parallel_loop3A_265, %parallel_loop3A_273] : memref<32x128xf32, #tpu.memory_space<vmem>>[vector<16xi32>, vector<16xi32>], vector<16xf32>,
          %parallel_loop3A_279 = arith.constant 0 : i32
          %parallel_loop3A_280 = arith.constant 0 : i32
          %parallel_loop3A_281 = tpu.memref_slice %arg6[%parallel_loop3A_106, %parallel_loop3A_279, %parallel_loop3A_280] : memref<2x32x128xf32, #tpu.memory_space<vmem>> -> memref<1x32x128xf32, #tpu.memory_space<vmem>>
          %parallel_loop3A_282 = tpu.memref_squeeze %parallel_loop3A_281 : memref<1x32x128xf32, #tpu.memory_space<vmem>> -> memref<32x128xf32, #tpu.memory_space<vmem>>
          %parallel_loop3A_283 = arith.index_cast %parallel_loop3A_124 : i32 to index
          %parallel_loop3A_284 = arith.constant 96 : index
          %parallel_loop3A_285 = tpu.vector_load %parallel_loop3A_282[%parallel_loop3A_283, %parallel_loop3A_284] {strides = array<i32>} : memref<32x128xf32, #tpu.memory_space<vmem>>, vector<16xf32>,
          tpu.vector_store %parallel_loop3A_282[%parallel_loop3A_283, %parallel_loop3A_284], %parallel_loop3A_278 {strides = array<i32>} : memref<32x128xf32, #tpu.memory_space<vmem>>, vector<16xf32>,
          %parallel_loop3A_286 = arith.constant 16 : i32
          %parallel_loop3A_287 = vector.broadcast %parallel_loop3A_286 : i32 to vector<16xi32>
          %parallel_loop3A_288 = arith.addi %iota3A, %parallel_loop3A_287 : vector<16xi32>
          %parallel_loop3A_289 = arith.constant 0 : i32
          %parallel_loop3A_290 = vector.broadcast %parallel_loop3A_289 : i32 to vector<16xi32>
          %parallel_loop3A_291 = arith.constant 4 : i32
          %parallel_loop3A_292 = arith.muli %parallel_loop3A_291, %parallel_loop3A_124 : i32
          %parallel_loop3A_293 = arith.constant 3 : i32
          %parallel_loop3A_294 = arith.addi %parallel_loop3A_292, %parallel_loop3A_293 : i32
          %parallel_loop3A_295 = vector.broadcast %parallel_loop3A_294 : i32 to vector<16xi32>
          %parallel_loop3A_296 = arith.addi %parallel_loop3A_290, %parallel_loop3A_295 : vector<16xi32>
          %parallel_loop3A_297 = arith.constant 0 : i32
          %parallel_loop3A_298 = arith.constant 0 : i32
          %parallel_loop3A_299 = tpu.memref_slice %arg5[%parallel_loop3A_105, %parallel_loop3A_297, %parallel_loop3A_298] : memref<2x32x128xf32, #tpu.memory_space<vmem>> -> memref<1x32x128xf32, #tpu.memory_space<vmem>>
          %parallel_loop3A_300 = tpu.memref_squeeze %parallel_loop3A_299 : memref<1x32x128xf32, #tpu.memory_space<vmem>> -> memref<32x128xf32, #tpu.memory_space<vmem>>
          %parallel_loop3A_301 = tpu.vector_load_idx %parallel_loop3A_300[%parallel_loop3A_288, %parallel_loop3A_296] : memref<32x128xf32, #tpu.memory_space<vmem>>[vector<16xi32>, vector<16xi32>], vector<16xf32>,
          %parallel_loop3A_302 = arith.constant 0 : i32
          %parallel_loop3A_303 = arith.constant 0 : i32
          %parallel_loop3A_304 = tpu.memref_slice %arg6[%parallel_loop3A_106, %parallel_loop3A_302, %parallel_loop3A_303] : memref<2x32x128xf32, #tpu.memory_space<vmem>> -> memref<1x32x128xf32, #tpu.memory_space<vmem>>
          %parallel_loop3A_305 = tpu.memref_squeeze %parallel_loop3A_304 : memref<1x32x128xf32, #tpu.memory_space<vmem>> -> memref<32x128xf32, #tpu.memory_space<vmem>>
          %parallel_loop3A_306 = arith.index_cast %parallel_loop3A_124 : i32 to index
          %parallel_loop3A_307 = arith.constant 112 : index
          %parallel_loop3A_308 = tpu.vector_load %parallel_loop3A_305[%parallel_loop3A_306, %parallel_loop3A_307] {strides = array<i32>} : memref<32x128xf32, #tpu.memory_space<vmem>>, vector<16xf32>,
          tpu.vector_store %parallel_loop3A_305[%parallel_loop3A_306, %parallel_loop3A_307], %parallel_loop3A_301 {strides = array<i32>} : memref<32x128xf32, #tpu.memory_space<vmem>>, vector<16xf32>,
        } {sc.loop_unroll_factor = 4 : i64, sc.parallel_access}
        %add3A_107 = arith.addi %add3A_8, %add3A_65 : i32
        %mul3A_108 = arith.constant 32 : i32
        %mul3A_109 = arith.muli %add3A_107, %mul3A_108 : i32
        %multiple_of3A_110 = tpu.assume_multiple %mul3A_109, 32 : i32
        %dma_start3A_111 = arith.constant 0 : i32
        %dma_start3A_112 = arith.constant 0 : i32
        %dma_start3A_113 = arith.constant 0 : i32
        %dma_start3A_114 = tpu.memref_slice %arg6[%dma_start3A_111, %dma_start3A_112, %dma_start3A_113] : memref<2x32x128xf32, #tpu.memory_space<vmem>> -> memref<1x32x128xf32, #tpu.memory_space<vmem>>
        %dma_start3A_115 = tpu.memref_squeeze %dma_start3A_114 : memref<1x32x128xf32, #tpu.memory_space<vmem>> -> memref<32x128xf32, #tpu.memory_space<vmem>>
        %dma_start3A_116 = arith.constant 0 : i32
        %dma_start3A_117 = tpu.memref_slice %arg4[%multiple_of3A_110, %dma_start3A_116] : memref<250000x128xf32, #tpu.memory_space<hbm>> -> memref<32x128xf32, #tpu.memory_space<hbm>>
        %dma_start3A_118 = arith.constant 0 : i32
        %dma_start3A_119 = tpu.memref_slice %arg4[%multiple_of3A_110, %dma_start3A_118] : memref<250000x128xf32, #tpu.memory_space<hbm>> -> memref<32x128xf32, #tpu.memory_space<hbm>>
        %dma_start3A_120 = arith.constant 0 : i32
        %dma_start3A_121 = arith.constant 0 : i32
        %dma_start3A_122 = tpu.memref_slice %arg6[%dma_start3A_111, %dma_start3A_120, %dma_start3A_121] : memref<2x32x128xf32, #tpu.memory_space<vmem>> -> memref<1x32x128xf32, #tpu.memory_space<vmem>>
        %dma_start3A_123 = tpu.memref_squeeze %dma_start3A_122 : memref<1x32x128xf32, #tpu.memory_space<vmem>> -> memref<32x128xf32, #tpu.memory_space<vmem>>
        tpu.enqueue_dma source(%dma_start3A_123 : memref<32x128xf32, #tpu.memory_space<vmem>>) target(%dma_start3A_119 : memref<32x128xf32, #tpu.memory_space<hbm>>) target_semaphore(%arg9 : memref<!tpu.dma_semaphore, #tpu.memory_space<semaphore_mem>>)
      } else {
      }
      %mul3A_70 = arith.constant 2 : i32
      %mul3A_71 = arith.muli %mul3A_70, %scan3A_61 : i32
      %add3A_72 = arith.constant 1 : i32
      %add3A_73 = arith.addi %mul3A_71, %add3A_72 : i32
      %lt3A_74 = arith.cmpi slt, %add3A_73, %add3A_4 : i32
      %convert_element_type3A_75 = arith.extui %lt3A_74 : i1 to i32
      %cond3A_76 = arith.constant 0 : i32
      %cond3A_77 = arith.cmpi ne, %convert_element_type3A_75, %cond3A_76 : i32
      scf.if %cond3A_77 {
        %dma_wait3A_78 = arith.constant 1 : i32
        %dma_wait3A_79 = arith.constant 0 : i32
        %dma_wait3A_80 = arith.constant 0 : i32
        %dma_wait3A_81 = tpu.memref_slice %arg5[%dma_wait3A_78, %dma_wait3A_79, %dma_wait3A_80] : memref<2x32x128xf32, #tpu.memory_space<vmem>> -> memref<1x32x128xf32, #tpu.memory_space<vmem>>
        %dma_wait3A_82 = tpu.memref_squeeze %dma_wait3A_81 : memref<1x32x128xf32, #tpu.memory_space<vmem>> -> memref<32x128xf32, #tpu.memory_space<vmem>>
        %dma_wait3A_83 = arith.constant 0 : i32
        %dma_wait3A_84 = arith.constant 0 : i32
        %dma_wait3A_85 = tpu.memref_slice %arg2[%dma_wait3A_83, %dma_wait3A_84] : memref<32x1000000xf32, #tpu.memory_space<hbm>> -> memref<32x128xf32, #tpu.memory_space<hbm>>
        %dma_wait3A_86 = arith.constant 0 : i32
        %dma_wait3A_87 = arith.constant 0 : i32
        %dma_wait3A_88 = tpu.memref_slice %arg5[%dma_wait3A_78, %dma_wait3A_86, %dma_wait3A_87] : memref<2x32x128xf32, #tpu.memory_space<vmem>> -> memref<1x32x128xf32, #tpu.memory_space<vmem>>
        %dma_wait3A_89 = tpu.memref_squeeze %dma_wait3A_88 : memref<1x32x128xf32, #tpu.memory_space<vmem>> -> memref<32x128xf32, #tpu.memory_space<vmem>>
        %dma_wait3A_90 = arith.constant 0 : i32
        %dma_wait3A_91 = arith.constant 0 : i32
        %dma_wait3A_92 = tpu.memref_slice %arg2[%dma_wait3A_90, %dma_wait3A_91] : memref<32x1000000xf32, #tpu.memory_space<hbm>> -> memref<32x128xf32, #tpu.memory_space<hbm>>
        tpu.wait_dma2 semaphore(%arg8 : memref<!tpu.dma_semaphore, #tpu.memory_space<semaphore_mem>>) src(%dma_wait3A_92 : memref<32x128xf32, #tpu.memory_space<hbm>>) dst(%dma_wait3A_89 : memref<32x128xf32, #tpu.memory_space<vmem>>)
        %add3A_93 = arith.constant 1 : i32
        %add3A_94 = arith.addi %add3A_73, %add3A_93 : i32
        %lt3A_95 = arith.cmpi slt, %add3A_94, %add3A_4 : i32
        %convert_element_type3A_96 = arith.extui %lt3A_95 : i1 to i32
        %cond3A_97 = arith.constant 0 : i32
        %cond3A_98 = arith.cmpi ne, %convert_element_type3A_96, %cond3A_97 : i32
        scf.if %cond3A_98 {
          %add3A_124 = arith.constant 1 : i32
          %add3A_125 = arith.addi %add3A_73, %add3A_124 : i32
          %add3A_126 = arith.addi %add3A_8, %add3A_125 : i32
          %mul3A_127 = arith.constant 128 : i32
          %mul3A_128 = arith.muli %add3A_126, %mul3A_127 : i32
          %multiple_of3A_129 = tpu.assume_multiple %mul3A_128, 128 : i32
          %dma_start3A_130 = arith.constant 0 : i32
          %dma_start3A_131 = arith.constant 0 : i32
          %dma_start3A_132 = arith.constant 0 : i32
          %dma_start3A_133 = tpu.memref_slice %arg5[%dma_start3A_130, %dma_start3A_131, %dma_start3A_132] : memref<2x32x128xf32, #tpu.memory_space<vmem>> -> memref<1x32x128xf32, #tpu.memory_space<vmem>>
          %dma_start3A_134 = tpu.memref_squeeze %dma_start3A_133 : memref<1x32x128xf32, #tpu.memory_space<vmem>> -> memref<32x128xf32, #tpu.memory_space<vmem>>
          %dma_start3A_135 = arith.constant 0 : i32
          %dma_start3A_136 = tpu.memref_slice %arg2[%dma_start3A_135, %multiple_of3A_129] : memref<32x1000000xf32, #tpu.memory_space<hbm>> -> memref<32x128xf32, #tpu.memory_space<hbm>>
          %dma_start3A_137 = arith.constant 0 : i32
          %dma_start3A_138 = arith.constant 0 : i32
          %dma_start3A_139 = tpu.memref_slice %arg5[%dma_start3A_130, %dma_start3A_137, %dma_start3A_138] : memref<2x32x128xf32, #tpu.memory_space<vmem>> -> memref<1x32x128xf32, #tpu.memory_space<vmem>>
          %dma_start3A_140 = tpu.memref_squeeze %dma_start3A_139 : memref<1x32x128xf32, #tpu.memory_space<vmem>> -> memref<32x128xf32, #tpu.memory_space<vmem>>
          %dma_start3A_141 = arith.constant 0 : i32
          %dma_start3A_142 = tpu.memref_slice %arg2[%dma_start3A_141, %multiple_of3A_129] : memref<32x1000000xf32, #tpu.memory_space<hbm>> -> memref<32x128xf32, #tpu.memory_space<hbm>>
          tpu.enqueue_dma source(%dma_start3A_142 : memref<32x128xf32, #tpu.memory_space<hbm>>) target(%dma_start3A_140 : memref<32x128xf32, #tpu.memory_space<vmem>>) target_semaphore(%arg7 : memref<!tpu.dma_semaphore, #tpu.memory_space<semaphore_mem>>)
        } else {
        }
        %ge3A = arith.constant 2 : i32
        %ge3A_99 = arith.cmpi sge, %add3A_73, %ge3A : i32
        %convert_element_type3A_100 = arith.extui %ge3A_99 : i1 to i32
        %cond3A_101 = arith.constant 0 : i32
        %cond3A_102 = arith.cmpi ne, %convert_element_type3A_100, %cond3A_101 : i32
        scf.if %cond3A_102 {
          %dma_wait3A_124 = arith.constant 1 : i32
          %dma_wait3A_125 = arith.constant 0 : i32
          %dma_wait3A_126 = arith.constant 0 : i32
          %dma_wait3A_127 = tpu.memref_slice %arg6[%dma_wait3A_124, %dma_wait3A_125, %dma_wait3A_126] : memref<2x32x128xf32, #tpu.memory_space<vmem>> -> memref<1x32x128xf32, #tpu.memory_space<vmem>>
          %dma_wait3A_128 = tpu.memref_squeeze %dma_wait3A_127 : memref<1x32x128xf32, #tpu.memory_space<vmem>> -> memref<32x128xf32, #tpu.memory_space<vmem>>
          %dma_wait3A_129 = arith.constant 0 : i32
          %dma_wait3A_130 = arith.constant 0 : i32
          %dma_wait3A_131 = tpu.memref_slice %arg4[%dma_wait3A_129, %dma_wait3A_130] : memref<250000x128xf32, #tpu.memory_space<hbm>> -> memref<32x128xf32, #tpu.memory_space<hbm>>
          %dma_wait3A_132 = arith.constant 0 : i32
          %dma_wait3A_133 = arith.constant 0 : i32
          %dma_wait3A_134 = tpu.memref_slice %arg4[%dma_wait3A_132, %dma_wait3A_133] : memref<250000x128xf32, #tpu.memory_space<hbm>> -> memref<32x128xf32, #tpu.memory_space<hbm>>
          %dma_wait3A_135 = arith.constant 0 : i32
          %dma_wait3A_136 = arith.constant 0 : i32
          %dma_wait3A_137 = tpu.memref_slice %arg6[%dma_wait3A_124, %dma_wait3A_135, %dma_wait3A_136] : memref<2x32x128xf32, #tpu.memory_space<vmem>> -> memref<1x32x128xf32, #tpu.memory_space<vmem>>
          %dma_wait3A_138 = tpu.memref_squeeze %dma_wait3A_137 : memref<1x32x128xf32, #tpu.memory_space<vmem>> -> memref<32x128xf32, #tpu.memory_space<vmem>>
          tpu.wait_dma2 semaphore(%arg10 : memref<!tpu.dma_semaphore, #tpu.memory_space<semaphore_mem>>) src(%dma_wait3A_138 : memref<32x128xf32, #tpu.memory_space<vmem>>) dst(%dma_wait3A_134 : memref<32x128xf32, #tpu.memory_space<hbm>>)
        } else {
        }
        %iota3A = tpu.iota {dimensions = array<i32: 0>} : vector<16xi32>
        %parallel_loop3A = arith.constant 0 : i32
        %parallel_loop3A_103 = arith.constant 32 : i32
        %parallel_loop3A_104 = arith.constant 1 : i32
        %parallel_loop3A_105 = arith.constant 1 : i32
        %parallel_loop3A_106 = arith.constant 1 : i32
        scf.for %parallel_loop3A_124 = %parallel_loop3A to %parallel_loop3A_103 step %parallel_loop3A_104  : i32 {
          %parallel_loop3A_125 = arith.constant 0 : i32
          %parallel_loop3A_126 = vector.broadcast %parallel_loop3A_125 : i32 to vector<16xi32>
          %parallel_loop3A_127 = arith.addi %iota3A, %parallel_loop3A_126 : vector<16xi32>
          %parallel_loop3A_128 = arith.constant 0 : i32
          %parallel_loop3A_129 = vector.broadcast %parallel_loop3A_128 : i32 to vector<16xi32>
          %parallel_loop3A_130 = arith.constant 4 : i32
          %parallel_loop3A_131 = arith.muli %parallel_loop3A_130, %parallel_loop3A_124 : i32
          %parallel_loop3A_132 = arith.constant 0 : i32
          %parallel_loop3A_133 = arith.addi %parallel_loop3A_131, %parallel_loop3A_132 : i32
          %parallel_loop3A_134 = vector.broadcast %parallel_loop3A_133 : i32 to vector<16xi32>
          %parallel_loop3A_135 = arith.addi %parallel_loop3A_129, %parallel_loop3A_134 : vector<16xi32>
          %parallel_loop3A_136 = arith.constant 0 : i32
          %parallel_loop3A_137 = arith.constant 0 : i32
          %parallel_loop3A_138 = tpu.memref_slice %arg5[%parallel_loop3A_105, %parallel_loop3A_136, %parallel_loop3A_137] : memref<2x32x128xf32, #tpu.memory_space<vmem>> -> memref<1x32x128xf32, #tpu.memory_space<vmem>>
          %parallel_loop3A_139 = tpu.memref_squeeze %parallel_loop3A_138 : memref<1x32x128xf32, #tpu.memory_space<vmem>> -> memref<32x128xf32, #tpu.memory_space<vmem>>
          %parallel_loop3A_140 = tpu.vector_load_idx %parallel_loop3A_139[%parallel_loop3A_127, %parallel_loop3A_135] : memref<32x128xf32, #tpu.memory_space<vmem>>[vector<16xi32>, vector<16xi32>], vector<16xf32>,
          %parallel_loop3A_141 = arith.constant 0 : i32
          %parallel_loop3A_142 = arith.constant 0 : i32
          %parallel_loop3A_143 = tpu.memref_slice %arg6[%parallel_loop3A_106, %parallel_loop3A_141, %parallel_loop3A_142] : memref<2x32x128xf32, #tpu.memory_space<vmem>> -> memref<1x32x128xf32, #tpu.memory_space<vmem>>
          %parallel_loop3A_144 = tpu.memref_squeeze %parallel_loop3A_143 : memref<1x32x128xf32, #tpu.memory_space<vmem>> -> memref<32x128xf32, #tpu.memory_space<vmem>>
          %parallel_loop3A_145 = arith.index_cast %parallel_loop3A_124 : i32 to index
          %parallel_loop3A_146 = arith.constant 0 : index
          %parallel_loop3A_147 = tpu.vector_load %parallel_loop3A_144[%parallel_loop3A_145, %parallel_loop3A_146] {strides = array<i32>} : memref<32x128xf32, #tpu.memory_space<vmem>>, vector<16xf32>,
          tpu.vector_store %parallel_loop3A_144[%parallel_loop3A_145, %parallel_loop3A_146], %parallel_loop3A_140 {strides = array<i32>} : memref<32x128xf32, #tpu.memory_space<vmem>>, vector<16xf32>,
          %parallel_loop3A_148 = arith.constant 16 : i32
          %parallel_loop3A_149 = vector.broadcast %parallel_loop3A_148 : i32 to vector<16xi32>
          %parallel_loop3A_150 = arith.addi %iota3A, %parallel_loop3A_149 : vector<16xi32>
          %parallel_loop3A_151 = arith.constant 0 : i32
          %parallel_loop3A_152 = vector.broadcast %parallel_loop3A_151 : i32 to vector<16xi32>
          %parallel_loop3A_153 = arith.constant 4 : i32
          %parallel_loop3A_154 = arith.muli %parallel_loop3A_153, %parallel_loop3A_124 : i32
          %parallel_loop3A_155 = arith.constant 0 : i32
          %parallel_loop3A_156 = arith.addi %parallel_loop3A_154, %parallel_loop3A_155 : i32
          %parallel_loop3A_157 = vector.broadcast %parallel_loop3A_156 : i32 to vector<16xi32>
          %parallel_loop3A_158 = arith.addi %parallel_loop3A_152, %parallel_loop3A_157 : vector<16xi32>
          %parallel_loop3A_159 = arith.constant 0 : i32
          %parallel_loop3A_160 = arith.constant 0 : i32
          %parallel_loop3A_161 = tpu.memref_slice %arg5[%parallel_loop3A_105, %parallel_loop3A_159, %parallel_loop3A_160] : memref<2x32x128xf32, #tpu.memory_space<vmem>> -> memref<1x32x128xf32, #tpu.memory_space<vmem>>
          %parallel_loop3A_162 = tpu.memref_squeeze %parallel_loop3A_161 : memref<1x32x128xf32, #tpu.memory_space<vmem>> -> memref<32x128xf32, #tpu.memory_space<vmem>>
          %parallel_loop3A_163 = tpu.vector_load_idx %parallel_loop3A_162[%parallel_loop3A_150, %parallel_loop3A_158] : memref<32x128xf32, #tpu.memory_space<vmem>>[vector<16xi32>, vector<16xi32>], vector<16xf32>,
          %parallel_loop3A_164 = arith.constant 0 : i32
          %parallel_loop3A_165 = arith.constant 0 : i32
          %parallel_loop3A_166 = tpu.memref_slice %arg6[%parallel_loop3A_106, %parallel_loop3A_164, %parallel_loop3A_165] : memref<2x32x128xf32, #tpu.memory_space<vmem>> -> memref<1x32x128xf32, #tpu.memory_space<vmem>>
          %parallel_loop3A_167 = tpu.memref_squeeze %parallel_loop3A_166 : memref<1x32x128xf32, #tpu.memory_space<vmem>> -> memref<32x128xf32, #tpu.memory_space<vmem>>
          %parallel_loop3A_168 = arith.index_cast %parallel_loop3A_124 : i32 to index
          %parallel_loop3A_169 = arith.constant 16 : index
          %parallel_loop3A_170 = tpu.vector_load %parallel_loop3A_167[%parallel_loop3A_168, %parallel_loop3A_169] {strides = array<i32>} : memref<32x128xf32, #tpu.memory_space<vmem>>, vector<16xf32>,
          tpu.vector_store %parallel_loop3A_167[%parallel_loop3A_168, %parallel_loop3A_169], %parallel_loop3A_163 {strides = array<i32>} : memref<32x128xf32, #tpu.memory_space<vmem>>, vector<16xf32>,
          %parallel_loop3A_171 = arith.constant 0 : i32
          %parallel_loop3A_172 = vector.broadcast %parallel_loop3A_171 : i32 to vector<16xi32>
          %parallel_loop3A_173 = arith.addi %iota3A, %parallel_loop3A_172 : vector<16xi32>
          %parallel_loop3A_174 = arith.constant 0 : i32
          %parallel_loop3A_175 = vector.broadcast %parallel_loop3A_174 : i32 to vector<16xi32>
          %parallel_loop3A_176 = arith.constant 4 : i32
          %parallel_loop3A_177 = arith.muli %parallel_loop3A_176, %parallel_loop3A_124 : i32
          %parallel_loop3A_178 = arith.constant 1 : i32
          %parallel_loop3A_179 = arith.addi %parallel_loop3A_177, %parallel_loop3A_178 : i32
          %parallel_loop3A_180 = vector.broadcast %parallel_loop3A_179 : i32 to vector<16xi32>
          %parallel_loop3A_181 = arith.addi %parallel_loop3A_175, %parallel_loop3A_180 : vector<16xi32>
          %parallel_loop3A_182 = arith.constant 0 : i32
          %parallel_loop3A_183 = arith.constant 0 : i32
          %parallel_loop3A_184 = tpu.memref_slice %arg5[%parallel_loop3A_105, %parallel_loop3A_182, %parallel_loop3A_183] : memref<2x32x128xf32, #tpu.memory_space<vmem>> -> memref<1x32x128xf32, #tpu.memory_space<vmem>>
          %parallel_loop3A_185 = tpu.memref_squeeze %parallel_loop3A_184 : memref<1x32x128xf32, #tpu.memory_space<vmem>> -> memref<32x128xf32, #tpu.memory_space<vmem>>
          %parallel_loop3A_186 = tpu.vector_load_idx %parallel_loop3A_185[%parallel_loop3A_173, %parallel_loop3A_181] : memref<32x128xf32, #tpu.memory_space<vmem>>[vector<16xi32>, vector<16xi32>], vector<16xf32>,
          %parallel_loop3A_187 = arith.constant 0 : i32
          %parallel_loop3A_188 = arith.constant 0 : i32
          %parallel_loop3A_189 = tpu.memref_slice %arg6[%parallel_loop3A_106, %parallel_loop3A_187, %parallel_loop3A_188] : memref<2x32x128xf32, #tpu.memory_space<vmem>> -> memref<1x32x128xf32, #tpu.memory_space<vmem>>
          %parallel_loop3A_190 = tpu.memref_squeeze %parallel_loop3A_189 : memref<1x32x128xf32, #tpu.memory_space<vmem>> -> memref<32x128xf32, #tpu.memory_space<vmem>>
          %parallel_loop3A_191 = arith.index_cast %parallel_loop3A_124 : i32 to index
          %parallel_loop3A_192 = arith.constant 32 : index
          %parallel_loop3A_193 = tpu.vector_load %parallel_loop3A_190[%parallel_loop3A_191, %parallel_loop3A_192] {strides = array<i32>} : memref<32x128xf32, #tpu.memory_space<vmem>>, vector<16xf32>,
          tpu.vector_store %parallel_loop3A_190[%parallel_loop3A_191, %parallel_loop3A_192], %parallel_loop3A_186 {strides = array<i32>} : memref<32x128xf32, #tpu.memory_space<vmem>>, vector<16xf32>,
          %parallel_loop3A_194 = arith.constant 16 : i32
          %parallel_loop3A_195 = vector.broadcast %parallel_loop3A_194 : i32 to vector<16xi32>
          %parallel_loop3A_196 = arith.addi %iota3A, %parallel_loop3A_195 : vector<16xi32>
          %parallel_loop3A_197 = arith.constant 0 : i32
          %parallel_loop3A_198 = vector.broadcast %parallel_loop3A_197 : i32 to vector<16xi32>
          %parallel_loop3A_199 = arith.constant 4 : i32
          %parallel_loop3A_200 = arith.muli %parallel_loop3A_199, %parallel_loop3A_124 : i32
          %parallel_loop3A_201 = arith.constant 1 : i32
          %parallel_loop3A_202 = arith.addi %parallel_loop3A_200, %parallel_loop3A_201 : i32
          %parallel_loop3A_203 = vector.broadcast %parallel_loop3A_202 : i32 to vector<16xi32>
          %parallel_loop3A_204 = arith.addi %parallel_loop3A_198, %parallel_loop3A_203 : vector<16xi32>
          %parallel_loop3A_205 = arith.constant 0 : i32
          %parallel_loop3A_206 = arith.constant 0 : i32
          %parallel_loop3A_207 = tpu.memref_slice %arg5[%parallel_loop3A_105, %parallel_loop3A_205, %parallel_loop3A_206] : memref<2x32x128xf32, #tpu.memory_space<vmem>> -> memref<1x32x128xf32, #tpu.memory_space<vmem>>
          %parallel_loop3A_208 = tpu.memref_squeeze %parallel_loop3A_207 : memref<1x32x128xf32, #tpu.memory_space<vmem>> -> memref<32x128xf32, #tpu.memory_space<vmem>>
          %parallel_loop3A_209 = tpu.vector_load_idx %parallel_loop3A_208[%parallel_loop3A_196, %parallel_loop3A_204] : memref<32x128xf32, #tpu.memory_space<vmem>>[vector<16xi32>, vector<16xi32>], vector<16xf32>,
          %parallel_loop3A_210 = arith.constant 0 : i32
          %parallel_loop3A_211 = arith.constant 0 : i32
          %parallel_loop3A_212 = tpu.memref_slice %arg6[%parallel_loop3A_106, %parallel_loop3A_210, %parallel_loop3A_211] : memref<2x32x128xf32, #tpu.memory_space<vmem>> -> memref<1x32x128xf32, #tpu.memory_space<vmem>>
          %parallel_loop3A_213 = tpu.memref_squeeze %parallel_loop3A_212 : memref<1x32x128xf32, #tpu.memory_space<vmem>> -> memref<32x128xf32, #tpu.memory_space<vmem>>
          %parallel_loop3A_214 = arith.index_cast %parallel_loop3A_124 : i32 to index
          %parallel_loop3A_215 = arith.constant 48 : index
          %parallel_loop3A_216 = tpu.vector_load %parallel_loop3A_213[%parallel_loop3A_214, %parallel_loop3A_215] {strides = array<i32>} : memref<32x128xf32, #tpu.memory_space<vmem>>, vector<16xf32>,
          tpu.vector_store %parallel_loop3A_213[%parallel_loop3A_214, %parallel_loop3A_215], %parallel_loop3A_209 {strides = array<i32>} : memref<32x128xf32, #tpu.memory_space<vmem>>, vector<16xf32>,
          %parallel_loop3A_217 = arith.constant 0 : i32
          %parallel_loop3A_218 = vector.broadcast %parallel_loop3A_217 : i32 to vector<16xi32>
          %parallel_loop3A_219 = arith.addi %iota3A, %parallel_loop3A_218 : vector<16xi32>
          %parallel_loop3A_220 = arith.constant 0 : i32
          %parallel_loop3A_221 = vector.broadcast %parallel_loop3A_220 : i32 to vector<16xi32>
          %parallel_loop3A_222 = arith.constant 4 : i32
          %parallel_loop3A_223 = arith.muli %parallel_loop3A_222, %parallel_loop3A_124 : i32
          %parallel_loop3A_224 = arith.constant 2 : i32
          %parallel_loop3A_225 = arith.addi %parallel_loop3A_223, %parallel_loop3A_224 : i32
          %parallel_loop3A_226 = vector.broadcast %parallel_loop3A_225 : i32 to vector<16xi32>
          %parallel_loop3A_227 = arith.addi %parallel_loop3A_221, %parallel_loop3A_226 : vector<16xi32>
          %parallel_loop3A_228 = arith.constant 0 : i32
          %parallel_loop3A_229 = arith.constant 0 : i32
          %parallel_loop3A_230 = tpu.memref_slice %arg5[%parallel_loop3A_105, %parallel_loop3A_228, %parallel_loop3A_229] : memref<2x32x128xf32, #tpu.memory_space<vmem>> -> memref<1x32x128xf32, #tpu.memory_space<vmem>>
          %parallel_loop3A_231 = tpu.memref_squeeze %parallel_loop3A_230 : memref<1x32x128xf32, #tpu.memory_space<vmem>> -> memref<32x128xf32, #tpu.memory_space<vmem>>
          %parallel_loop3A_232 = tpu.vector_load_idx %parallel_loop3A_231[%parallel_loop3A_219, %parallel_loop3A_227] : memref<32x128xf32, #tpu.memory_space<vmem>>[vector<16xi32>, vector<16xi32>], vector<16xf32>,
          %parallel_loop3A_233 = arith.constant 0 : i32
          %parallel_loop3A_234 = arith.constant 0 : i32
          %parallel_loop3A_235 = tpu.memref_slice %arg6[%parallel_loop3A_106, %parallel_loop3A_233, %parallel_loop3A_234] : memref<2x32x128xf32, #tpu.memory_space<vmem>> -> memref<1x32x128xf32, #tpu.memory_space<vmem>>
          %parallel_loop3A_236 = tpu.memref_squeeze %parallel_loop3A_235 : memref<1x32x128xf32, #tpu.memory_space<vmem>> -> memref<32x128xf32, #tpu.memory_space<vmem>>
          %parallel_loop3A_237 = arith.index_cast %parallel_loop3A_124 : i32 to index
          %parallel_loop3A_238 = arith.constant 64 : index
          %parallel_loop3A_239 = tpu.vector_load %parallel_loop3A_236[%parallel_loop3A_237, %parallel_loop3A_238] {strides = array<i32>} : memref<32x128xf32, #tpu.memory_space<vmem>>, vector<16xf32>,
          tpu.vector_store %parallel_loop3A_236[%parallel_loop3A_237, %parallel_loop3A_238], %parallel_loop3A_232 {strides = array<i32>} : memref<32x128xf32, #tpu.memory_space<vmem>>, vector<16xf32>,
          %parallel_loop3A_240 = arith.constant 16 : i32
          %parallel_loop3A_241 = vector.broadcast %parallel_loop3A_240 : i32 to vector<16xi32>
          %parallel_loop3A_242 = arith.addi %iota3A, %parallel_loop3A_241 : vector<16xi32>
          %parallel_loop3A_243 = arith.constant 0 : i32
          %parallel_loop3A_244 = vector.broadcast %parallel_loop3A_243 : i32 to vector<16xi32>
          %parallel_loop3A_245 = arith.constant 4 : i32
          %parallel_loop3A_246 = arith.muli %parallel_loop3A_245, %parallel_loop3A_124 : i32
          %parallel_loop3A_247 = arith.constant 2 : i32
          %parallel_loop3A_248 = arith.addi %parallel_loop3A_246, %parallel_loop3A_247 : i32
          %parallel_loop3A_249 = vector.broadcast %parallel_loop3A_248 : i32 to vector<16xi32>
          %parallel_loop3A_250 = arith.addi %parallel_loop3A_244, %parallel_loop3A_249 : vector<16xi32>
          %parallel_loop3A_251 = arith.constant 0 : i32
          %parallel_loop3A_252 = arith.constant 0 : i32
          %parallel_loop3A_253 = tpu.memref_slice %arg5[%parallel_loop3A_105, %parallel_loop3A_251, %parallel_loop3A_252] : memref<2x32x128xf32, #tpu.memory_space<vmem>> -> memref<1x32x128xf32, #tpu.memory_space<vmem>>
          %parallel_loop3A_254 = tpu.memref_squeeze %parallel_loop3A_253 : memref<1x32x128xf32, #tpu.memory_space<vmem>> -> memref<32x128xf32, #tpu.memory_space<vmem>>
          %parallel_loop3A_255 = tpu.vector_load_idx %parallel_loop3A_254[%parallel_loop3A_242, %parallel_loop3A_250] : memref<32x128xf32, #tpu.memory_space<vmem>>[vector<16xi32>, vector<16xi32>], vector<16xf32>,
          %parallel_loop3A_256 = arith.constant 0 : i32
          %parallel_loop3A_257 = arith.constant 0 : i32
          %parallel_loop3A_258 = tpu.memref_slice %arg6[%parallel_loop3A_106, %parallel_loop3A_256, %parallel_loop3A_257] : memref<2x32x128xf32, #tpu.memory_space<vmem>> -> memref<1x32x128xf32, #tpu.memory_space<vmem>>
          %parallel_loop3A_259 = tpu.memref_squeeze %parallel_loop3A_258 : memref<1x32x128xf32, #tpu.memory_space<vmem>> -> memref<32x128xf32, #tpu.memory_space<vmem>>
          %parallel_loop3A_260 = arith.index_cast %parallel_loop3A_124 : i32 to index
          %parallel_loop3A_261 = arith.constant 80 : index
          %parallel_loop3A_262 = tpu.vector_load %parallel_loop3A_259[%parallel_loop3A_260, %parallel_loop3A_261] {strides = array<i32>} : memref<32x128xf32, #tpu.memory_space<vmem>>, vector<16xf32>,
          tpu.vector_store %parallel_loop3A_259[%parallel_loop3A_260, %parallel_loop3A_261], %parallel_loop3A_255 {strides = array<i32>} : memref<32x128xf32, #tpu.memory_space<vmem>>, vector<16xf32>,
          %parallel_loop3A_263 = arith.constant 0 : i32
          %parallel_loop3A_264 = vector.broadcast %parallel_loop3A_263 : i32 to vector<16xi32>
          %parallel_loop3A_265 = arith.addi %iota3A, %parallel_loop3A_264 : vector<16xi32>
          %parallel_loop3A_266 = arith.constant 0 : i32
          %parallel_loop3A_267 = vector.broadcast %parallel_loop3A_266 : i32 to vector<16xi32>
          %parallel_loop3A_268 = arith.constant 4 : i32
          %parallel_loop3A_269 = arith.muli %parallel_loop3A_268, %parallel_loop3A_124 : i32
          %parallel_loop3A_270 = arith.constant 3 : i32
          %parallel_loop3A_271 = arith.addi %parallel_loop3A_269, %parallel_loop3A_270 : i32
          %parallel_loop3A_272 = vector.broadcast %parallel_loop3A_271 : i32 to vector<16xi32>
          %parallel_loop3A_273 = arith.addi %parallel_loop3A_267, %parallel_loop3A_272 : vector<16xi32>
          %parallel_loop3A_274 = arith.constant 0 : i32
          %parallel_loop3A_275 = arith.constant 0 : i32
          %parallel_loop3A_276 = tpu.memref_slice %arg5[%parallel_loop3A_105, %parallel_loop3A_274, %parallel_loop3A_275] : memref<2x32x128xf32, #tpu.memory_space<vmem>> -> memref<1x32x128xf32, #tpu.memory_space<vmem>>
          %parallel_loop3A_277 = tpu.memref_squeeze %parallel_loop3A_276 : memref<1x32x128xf32, #tpu.memory_space<vmem>> -> memref<32x128xf32, #tpu.memory_space<vmem>>
          %parallel_loop3A_278 = tpu.vector_load_idx %parallel_loop3A_277[%parallel_loop3A_265, %parallel_loop3A_273] : memref<32x128xf32, #tpu.memory_space<vmem>>[vector<16xi32>, vector<16xi32>], vector<16xf32>,
          %parallel_loop3A_279 = arith.constant 0 : i32
          %parallel_loop3A_280 = arith.constant 0 : i32
          %parallel_loop3A_281 = tpu.memref_slice %arg6[%parallel_loop3A_106, %parallel_loop3A_279, %parallel_loop3A_280] : memref<2x32x128xf32, #tpu.memory_space<vmem>> -> memref<1x32x128xf32, #tpu.memory_space<vmem>>
          %parallel_loop3A_282 = tpu.memref_squeeze %parallel_loop3A_281 : memref<1x32x128xf32, #tpu.memory_space<vmem>> -> memref<32x128xf32, #tpu.memory_space<vmem>>
          %parallel_loop3A_283 = arith.index_cast %parallel_loop3A_124 : i32 to index
          %parallel_loop3A_284 = arith.constant 96 : index
          %parallel_loop3A_285 = tpu.vector_load %parallel_loop3A_282[%parallel_loop3A_283, %parallel_loop3A_284] {strides = array<i32>} : memref<32x128xf32, #tpu.memory_space<vmem>>, vector<16xf32>,
          tpu.vector_store %parallel_loop3A_282[%parallel_loop3A_283, %parallel_loop3A_284], %parallel_loop3A_278 {strides = array<i32>} : memref<32x128xf32, #tpu.memory_space<vmem>>, vector<16xf32>,
          %parallel_loop3A_286 = arith.constant 16 : i32
          %parallel_loop3A_287 = vector.broadcast %parallel_loop3A_286 : i32 to vector<16xi32>
          %parallel_loop3A_288 = arith.addi %iota3A, %parallel_loop3A_287 : vector<16xi32>
          %parallel_loop3A_289 = arith.constant 0 : i32
          %parallel_loop3A_290 = vector.broadcast %parallel_loop3A_289 : i32 to vector<16xi32>
          %parallel_loop3A_291 = arith.constant 4 : i32
          %parallel_loop3A_292 = arith.muli %parallel_loop3A_291, %parallel_loop3A_124 : i32
          %parallel_loop3A_293 = arith.constant 3 : i32
          %parallel_loop3A_294 = arith.addi %parallel_loop3A_292, %parallel_loop3A_293 : i32
          %parallel_loop3A_295 = vector.broadcast %parallel_loop3A_294 : i32 to vector<16xi32>
          %parallel_loop3A_296 = arith.addi %parallel_loop3A_290, %parallel_loop3A_295 : vector<16xi32>
          %parallel_loop3A_297 = arith.constant 0 : i32
          %parallel_loop3A_298 = arith.constant 0 : i32
          %parallel_loop3A_299 = tpu.memref_slice %arg5[%parallel_loop3A_105, %parallel_loop3A_297, %parallel_loop3A_298] : memref<2x32x128xf32, #tpu.memory_space<vmem>> -> memref<1x32x128xf32, #tpu.memory_space<vmem>>
          %parallel_loop3A_300 = tpu.memref_squeeze %parallel_loop3A_299 : memref<1x32x128xf32, #tpu.memory_space<vmem>> -> memref<32x128xf32, #tpu.memory_space<vmem>>
          %parallel_loop3A_301 = tpu.vector_load_idx %parallel_loop3A_300[%parallel_loop3A_288, %parallel_loop3A_296] : memref<32x128xf32, #tpu.memory_space<vmem>>[vector<16xi32>, vector<16xi32>], vector<16xf32>,
          %parallel_loop3A_302 = arith.constant 0 : i32
          %parallel_loop3A_303 = arith.constant 0 : i32
          %parallel_loop3A_304 = tpu.memref_slice %arg6[%parallel_loop3A_106, %parallel_loop3A_302, %parallel_loop3A_303] : memref<2x32x128xf32, #tpu.memory_space<vmem>> -> memref<1x32x128xf32, #tpu.memory_space<vmem>>
          %parallel_loop3A_305 = tpu.memref_squeeze %parallel_loop3A_304 : memref<1x32x128xf32, #tpu.memory_space<vmem>> -> memref<32x128xf32, #tpu.memory_space<vmem>>
          %parallel_loop3A_306 = arith.index_cast %parallel_loop3A_124 : i32 to index
          %parallel_loop3A_307 = arith.constant 112 : index
          %parallel_loop3A_308 = tpu.vector_load %parallel_loop3A_305[%parallel_loop3A_306, %parallel_loop3A_307] {strides = array<i32>} : memref<32x128xf32, #tpu.memory_space<vmem>>, vector<16xf32>,
          tpu.vector_store %parallel_loop3A_305[%parallel_loop3A_306, %parallel_loop3A_307], %parallel_loop3A_301 {strides = array<i32>} : memref<32x128xf32, #tpu.memory_space<vmem>>, vector<16xf32>,
        } {sc.loop_unroll_factor = 4 : i64, sc.parallel_access}
        %add3A_107 = arith.addi %add3A_8, %add3A_73 : i32
        %mul3A_108 = arith.constant 32 : i32
        %mul3A_109 = arith.muli %add3A_107, %mul3A_108 : i32
        %multiple_of3A_110 = tpu.assume_multiple %mul3A_109, 32 : i32
        %dma_start3A_111 = arith.constant 1 : i32
        %dma_start3A_112 = arith.constant 0 : i32
        %dma_start3A_113 = arith.constant 0 : i32
        %dma_start3A_114 = tpu.memref_slice %arg6[%dma_start3A_111, %dma_start3A_112, %dma_start3A_113] : memref<2x32x128xf32, #tpu.memory_space<vmem>> -> memref<1x32x128xf32, #tpu.memory_space<vmem>>
        %dma_start3A_115 = tpu.memref_squeeze %dma_start3A_114 : memref<1x32x128xf32, #tpu.memory_space<vmem>> -> memref<32x128xf32, #tpu.memory_space<vmem>>
        %dma_start3A_116 = arith.constant 0 : i32
        %dma_start3A_117 = tpu.memref_slice %arg4[%multiple_of3A_110, %dma_start3A_116] : memref<250000x128xf32, #tpu.memory_space<hbm>> -> memref<32x128xf32, #tpu.memory_space<hbm>>
        %dma_start3A_118 = arith.constant 0 : i32
        %dma_start3A_119 = tpu.memref_slice %arg4[%multiple_of3A_110, %dma_start3A_118] : memref<250000x128xf32, #tpu.memory_space<hbm>> -> memref<32x128xf32, #tpu.memory_space<hbm>>
        %dma_start3A_120 = arith.constant 0 : i32
        %dma_start3A_121 = arith.constant 0 : i32
        %dma_start3A_122 = tpu.memref_slice %arg6[%dma_start3A_111, %dma_start3A_120, %dma_start3A_121] : memref<2x32x128xf32, #tpu.memory_space<vmem>> -> memref<1x32x128xf32, #tpu.memory_space<vmem>>
        %dma_start3A_123 = tpu.memref_squeeze %dma_start3A_122 : memref<1x32x128xf32, #tpu.memory_space<vmem>> -> memref<32x128xf32, #tpu.memory_space<vmem>>
        tpu.enqueue_dma source(%dma_start3A_123 : memref<32x128xf32, #tpu.memory_space<vmem>>) target(%dma_start3A_119 : memref<32x128xf32, #tpu.memory_space<hbm>>) target_semaphore(%arg10 : memref<!tpu.dma_semaphore, #tpu.memory_space<semaphore_mem>>)
      } else {
      }
    }
    %scan3A_29 = arith.constant 123 : i32
    %dma_wait3A = arith.constant 0 : i32
    %dma_wait3A_30 = arith.constant 0 : i32
    %dma_wait3A_31 = arith.constant 0 : i32
    %dma_wait3A_32 = tpu.memref_slice %arg6[%dma_wait3A, %dma_wait3A_30, %dma_wait3A_31] : memref<2x32x128xf32, #tpu.memory_space<vmem>> -> memref<1x32x128xf32, #tpu.memory_space<vmem>>
    %dma_wait3A_33 = tpu.memref_squeeze %dma_wait3A_32 : memref<1x32x128xf32, #tpu.memory_space<vmem>> -> memref<32x128xf32, #tpu.memory_space<vmem>>
    %dma_wait3A_34 = arith.constant 0 : i32
    %dma_wait3A_35 = arith.constant 0 : i32
    %dma_wait3A_36 = tpu.memref_slice %arg4[%dma_wait3A_34, %dma_wait3A_35] : memref<250000x128xf32, #tpu.memory_space<hbm>> -> memref<32x128xf32, #tpu.memory_space<hbm>>
    %dma_wait3A_37 = arith.constant 0 : i32
    %dma_wait3A_38 = arith.constant 0 : i32
    %dma_wait3A_39 = tpu.memref_slice %arg4[%dma_wait3A_37, %dma_wait3A_38] : memref<250000x128xf32, #tpu.memory_space<hbm>> -> memref<32x128xf32, #tpu.memory_space<hbm>>
    %dma_wait3A_40 = arith.constant 0 : i32
    %dma_wait3A_41 = arith.constant 0 : i32
    %dma_wait3A_42 = tpu.memref_slice %arg6[%dma_wait3A, %dma_wait3A_40, %dma_wait3A_41] : memref<2x32x128xf32, #tpu.memory_space<vmem>> -> memref<1x32x128xf32, #tpu.memory_space<vmem>>
    %dma_wait3A_43 = tpu.memref_squeeze %dma_wait3A_42 : memref<1x32x128xf32, #tpu.memory_space<vmem>> -> memref<32x128xf32, #tpu.memory_space<vmem>>
    tpu.wait_dma2 semaphore(%arg9 : memref<!tpu.dma_semaphore, #tpu.memory_space<semaphore_mem>>) src(%dma_wait3A_43 : memref<32x128xf32, #tpu.memory_space<vmem>>) dst(%dma_wait3A_39 : memref<32x128xf32, #tpu.memory_space<hbm>>)
    %dma_wait3A_44 = arith.constant 1 : i32
    %dma_wait3A_45 = arith.constant 0 : i32
    %dma_wait3A_46 = arith.constant 0 : i32
    %dma_wait3A_47 = tpu.memref_slice %arg6[%dma_wait3A_44, %dma_wait3A_45, %dma_wait3A_46] : memref<2x32x128xf32, #tpu.memory_space<vmem>> -> memref<1x32x128xf32, #tpu.memory_space<vmem>>
    %dma_wait3A_48 = tpu.memref_squeeze %dma_wait3A_47 : memref<1x32x128xf32, #tpu.memory_space<vmem>> -> memref<32x128xf32, #tpu.memory_space<vmem>>
    %dma_wait3A_49 = arith.constant 0 : i32
    %dma_wait3A_50 = arith.constant 0 : i32
    %dma_wait3A_51 = tpu.memref_slice %arg4[%dma_wait3A_49, %dma_wait3A_50] : memref<250000x128xf32, #tpu.memory_space<hbm>> -> memref<32x128xf32, #tpu.memory_space<hbm>>
    %dma_wait3A_52 = arith.constant 0 : i32
    %dma_wait3A_53 = arith.constant 0 : i32
    %dma_wait3A_54 = tpu.memref_slice %arg4[%dma_wait3A_52, %dma_wait3A_53] : memref<250000x128xf32, #tpu.memory_space<hbm>> -> memref<32x128xf32, #tpu.memory_space<hbm>>
    %dma_wait3A_55 = arith.constant 0 : i32
    %dma_wait3A_56 = arith.constant 0 : i32
    %dma_wait3A_57 = tpu.memref_slice %arg6[%dma_wait3A_44, %dma_wait3A_55, %dma_wait3A_56] : memref<2x32x128xf32, #tpu.memory_space<vmem>> -> memref<1x32x128xf32, #tpu.memory_space<vmem>>
    %dma_wait3A_58 = tpu.memref_squeeze %dma_wait3A_57 : memref<1x32x128xf32, #tpu.memory_space<vmem>> -> memref<32x128xf32, #tpu.memory_space<vmem>>
    tpu.wait_dma2 semaphore(%arg10 : memref<!tpu.dma_semaphore, #tpu.memory_space<semaphore_mem>>) src(%dma_wait3A_58 : memref<32x128xf32, #tpu.memory_space<vmem>>) dst(%dma_wait3A_54 : memref<32x128xf32, #tpu.memory_space<hbm>>)
    %eq3A = arith.constant 0 : i32
    %eq3A_59 = arith.cmpi eq, %add3A, %eq3A : i32
    %convert_element_type3A = arith.extui %eq3A_59 : i1 to i32
    %cond3A = arith.constant 0 : i32
    %cond3A_60 = arith.cmpi ne, %convert_element_type3A, %cond3A : i32
    scf.if %cond3A_60 {
      "tpu.region"() ({
        %run_scoped3A = tpu.sem_alloc : memref<!tpu.dma_semaphore, #tpu.memory_space<semaphore_mem>>
        %dma_start3A_61 = arith.constant 249984 : i32
        %dma_start3A_62 = arith.constant 0 : i32
        %dma_start3A_63 = tpu.memref_slice %arg4[%dma_start3A_61, %dma_start3A_62] : memref<250000x128xf32, #tpu.memory_space<hbm>> -> memref<16x128xf32, #tpu.memory_space<hbm>>
        tpu.enqueue_dma source(%arg3 : memref<16x128xf32, #tpu.memory_space<hbm>>) target(%dma_start3A_63 : memref<16x128xf32, #tpu.memory_space<hbm>>) target_semaphore(%run_scoped3A : memref<!tpu.dma_semaphore, #tpu.memory_space<semaphore_mem>>)
        %dma_wait3A_64 = arith.constant 249984 : i32
        %dma_wait3A_65 = arith.constant 0 : i32
        %dma_wait3A_66 = tpu.memref_slice %arg4[%dma_wait3A_64, %dma_wait3A_65] : memref<250000x128xf32, #tpu.memory_space<hbm>> -> memref<16x128xf32, #tpu.memory_space<hbm>>
        tpu.wait_dma2 semaphore(%run_scoped3A : memref<!tpu.dma_semaphore, #tpu.memory_space<semaphore_mem>>) src(%arg3 : memref<16x128xf32, #tpu.memory_space<hbm>>) dst(%dma_wait3A_66 : memref<16x128xf32, #tpu.memory_space<hbm>>)
        tpu.yield
      }) : () -> ()
    } else {
    }
    return
  }
}

#map = affine_map<(d0, d1) -> (0, 0)>
#map1 = affine_map<(d0, d1) -> (0, 0, 0, 0, 0)>
module attributes {stable_mosaic.version = 14 : i64} {
  func.func @_gather_body(%arg0: i32, %arg1: i32, %arg2: memref<1000000x32xf32, #tpu.memory_space<hbm>>, %arg3: memref<26x16384xi32, #tpu.memory_space<hbm>>, %arg4: memref<26x4x128x8x128xf32, #tpu.memory_space<hbm>>, %arg5: memref<26x512xi32, #tpu.memory_space<vmem>>, %arg6: memref<2x128x32xf32, #tpu.memory_space<vmem>>, %arg7: memref<2x4x8x128xf32, #tpu.memory_space<vmem>>, %arg8: memref<!tpu.dma_semaphore, #tpu.memory_space<semaphore_mem>>, %arg9: memref<!tpu.dma_semaphore, #tpu.memory_space<semaphore_mem>>, %arg10: memref<!tpu.dma_semaphore, #tpu.memory_space<semaphore_mem>>, %arg11: memref<!tpu.dma_semaphore, #tpu.memory_space<semaphore_mem>>) attributes {dimension_semantics = [#tpu.dimension_semantics<core_parallel>, #tpu.dimension_semantics<subcore_parallel>], iteration_bounds = array<i64: 2, 16>, scalar_prefetch = 0 : i64, scratch_operands = 7 : i64, tpu.core_type = #tpu.core_type<sc_vector_subcore>, window_params = [{transform_indices = #map}, {transform_indices = #map}, {transform_indices = #map1}]} {
    %mul3A = arith.constant 2 : i32
    %mul3A_0 = arith.muli %arg1, %mul3A : i32
    %add3A = arith.addi %mul3A_0, %arg0 : i32
    %mul3A_1 = arith.constant 512 : i32
    %mul3A_2 = arith.muli %add3A, %mul3A_1 : i32
    %multiple_of3A = tpu.assume_multiple %mul3A_2, 512 : i32
    "tpu.region"() ({
      %run_scoped3A = tpu.sem_alloc : memref<!tpu.dma_semaphore, #tpu.memory_space<semaphore_mem>>
      %dma_start3A_68 = arith.constant 0 : i32
      %dma_start3A_69 = tpu.memref_slice %arg3[%dma_start3A_68, %multiple_of3A] : memref<26x16384xi32, #tpu.memory_space<hbm>> -> memref<26x512xi32, #tpu.memory_space<hbm>>
      %dma_start3A_70 = arith.constant 0 : i32
      %dma_start3A_71 = tpu.memref_slice %arg3[%dma_start3A_70, %multiple_of3A] : memref<26x16384xi32, #tpu.memory_space<hbm>> -> memref<26x512xi32, #tpu.memory_space<hbm>>
      tpu.enqueue_dma source(%dma_start3A_71 : memref<26x512xi32, #tpu.memory_space<hbm>>) target(%arg5 : memref<26x512xi32, #tpu.memory_space<vmem>>) target_semaphore(%run_scoped3A : memref<!tpu.dma_semaphore, #tpu.memory_space<semaphore_mem>>)
      %dma_wait3A_72 = arith.constant 0 : i32
      %dma_wait3A_73 = tpu.memref_slice %arg3[%dma_wait3A_72, %multiple_of3A] : memref<26x16384xi32, #tpu.memory_space<hbm>> -> memref<26x512xi32, #tpu.memory_space<hbm>>
      %dma_wait3A_74 = arith.constant 0 : i32
      %dma_wait3A_75 = tpu.memref_slice %arg3[%dma_wait3A_74, %multiple_of3A] : memref<26x16384xi32, #tpu.memory_space<hbm>> -> memref<26x512xi32, #tpu.memory_space<hbm>>
      tpu.wait_dma2 semaphore(%run_scoped3A : memref<!tpu.dma_semaphore, #tpu.memory_space<semaphore_mem>>) src(%dma_wait3A_75 : memref<26x512xi32, #tpu.memory_space<hbm>>) dst(%arg5 : memref<26x512xi32, #tpu.memory_space<vmem>>)
      tpu.yield
    }) : () -> ()
    %rem3A = arith.constant 0 : i32
    %rem3A_3 = arith.constant 4 : i32
    %rem3A_4 = arith.remsi %rem3A, %rem3A_3 : i32
    %mul3A_5 = arith.constant 128 : i32
    %mul3A_6 = arith.muli %mul3A_5, %rem3A_4 : i32
    %multiple_of3A_7 = tpu.assume_multiple %mul3A_6, 128 : i32
    %dma_start3A = arith.constant 0 : i32
    %dma_start3A_8 = arith.constant 0 : i32
    %dma_start3A_9 = arith.constant 0 : i32
    %dma_start3A_10 = arith.constant 0 : i32
    %dma_start3A_11 = tpu.memref_slice %arg6[%dma_start3A_8, %dma_start3A_9, %dma_start3A_10] : memref<2x128x32xf32, #tpu.memory_space<vmem>> -> memref<1x128x32xf32, #tpu.memory_space<vmem>>
    %dma_start3A_12 = tpu.memref_squeeze %dma_start3A_11 : memref<1x128x32xf32, #tpu.memory_space<vmem>> -> memref<128x32xf32, #tpu.memory_space<vmem>>
    %dma_start3A_13 = tpu.memref_slice %arg5[%dma_start3A, %multiple_of3A_7] : memref<26x512xi32, #tpu.memory_space<vmem>> -> memref<1x128xi32, #tpu.memory_space<vmem>>
    %dma_start3A_14 = tpu.memref_squeeze %dma_start3A_13 : memref<1x128xi32, #tpu.memory_space<vmem>> -> memref<128xi32, #tpu.memory_space<vmem>>
    %dma_start3A_15 = arith.constant 0 : i32
    %dma_start3A_16 = arith.constant 0 : i32
    %dma_start3A_17 = tpu.memref_slice %arg2[%dma_start3A_15, %dma_start3A_16] : memref<1000000x32xf32, #tpu.memory_space<hbm>> -> memref<1000000x32xf32, #tpu.memory_space<hbm>>
    tpu.enqueue_indirect_dma source(%dma_start3A_17 : memref<1000000x32xf32, #tpu.memory_space<hbm>>) target(%dma_start3A_12 : memref<128x32xf32, #tpu.memory_space<vmem>>) offsets(%dma_start3A_14 : memref<128xi32, #tpu.memory_space<vmem>>) semaphore(%arg8 : memref<!tpu.dma_semaphore, #tpu.memory_space<semaphore_mem>>)
    %scan3A = arith.constant 0 : i32
    %scan3A_18 = arith.constant 0 : i32
    %scan3A_19 = arith.constant 52 : i32
    %scan3A_20 = arith.addi %scan3A_18, %scan3A_19 : i32
    %scan3A_21 = arith.constant 1 : i32
    scf.for %scan3A_68 = %scan3A_18 to %scan3A_20 step %scan3A_21  : i32 {
      %mul3A_69 = arith.constant 2 : i32
      %mul3A_70 = arith.muli %mul3A_69, %scan3A_68 : i32
      %add3A_71 = arith.constant 0 : i32
      %add3A_72 = arith.addi %mul3A_70, %add3A_71 : i32
      %dma_wait3A_73 = arith.constant 0 : i32
      %dma_wait3A_74 = arith.constant 0 : i32
      %dma_wait3A_75 = arith.constant 0 : i32
      %dma_wait3A_76 = tpu.memref_slice %arg6[%dma_wait3A_73, %dma_wait3A_74, %dma_wait3A_75] : memref<2x128x32xf32, #tpu.memory_space<vmem>> -> memref<1x128x32xf32, #tpu.memory_space<vmem>>
      %dma_wait3A_77 = tpu.memref_squeeze %dma_wait3A_76 : memref<1x128x32xf32, #tpu.memory_space<vmem>> -> memref<128x32xf32, #tpu.memory_space<vmem>>
      %dma_wait3A_78 = arith.constant 0 : i32
      %dma_wait3A_79 = arith.constant 0 : i32
      %dma_wait3A_80 = tpu.memref_slice %arg2[%dma_wait3A_78, %dma_wait3A_79] : memref<1000000x32xf32, #tpu.memory_space<hbm>> -> memref<128x32xf32, #tpu.memory_space<hbm>>
      %dma_wait3A_81 = arith.constant 0 : i32
      %dma_wait3A_82 = arith.constant 0 : i32
      %dma_wait3A_83 = tpu.memref_slice %arg6[%dma_wait3A_73, %dma_wait3A_81, %dma_wait3A_82] : memref<2x128x32xf32, #tpu.memory_space<vmem>> -> memref<1x128x32xf32, #tpu.memory_space<vmem>>
      %dma_wait3A_84 = tpu.memref_squeeze %dma_wait3A_83 : memref<1x128x32xf32, #tpu.memory_space<vmem>> -> memref<128x32xf32, #tpu.memory_space<vmem>>
      %dma_wait3A_85 = arith.constant 0 : i32
      %dma_wait3A_86 = arith.constant 0 : i32
      %dma_wait3A_87 = tpu.memref_slice %arg2[%dma_wait3A_85, %dma_wait3A_86] : memref<1000000x32xf32, #tpu.memory_space<hbm>> -> memref<128x32xf32, #tpu.memory_space<hbm>>
      tpu.wait_dma2 semaphore(%arg8 : memref<!tpu.dma_semaphore, #tpu.memory_space<semaphore_mem>>) src(%dma_wait3A_87 : memref<128x32xf32, #tpu.memory_space<hbm>>) dst(%dma_wait3A_84 : memref<128x32xf32, #tpu.memory_space<vmem>>)
      %add3A_88 = arith.constant 1 : i32
      %add3A_89 = arith.addi %add3A_72, %add3A_88 : i32
      %lt3A = arith.constant 104 : i32
      %lt3A_90 = arith.cmpi slt, %add3A_89, %lt3A : i32
      %convert_element_type3A = arith.extui %lt3A_90 : i1 to i32
      %cond3A = arith.constant 0 : i32
      %cond3A_91 = arith.cmpi ne, %convert_element_type3A, %cond3A : i32
      scf.if %cond3A_91 {
        %add3A_230 = arith.constant 1 : i32
        %add3A_231 = arith.addi %add3A_72, %add3A_230 : i32
        %jit3A_232 = arith.constant 4 : i32
        %div3A_233 = arith.divsi %add3A_231, %jit3A_232 : i32
        %sign3A_234 = arith.constant 0 : i32
        %sign3A_235 = arith.cmpi sgt, %add3A_231, %sign3A_234 : i32
        %sign3A_236 = arith.extui %sign3A_235 : i1 to i32
        %sign3A_237 = arith.constant 0 : i32
        %sign3A_238 = arith.cmpi slt, %add3A_231, %sign3A_237 : i32
        %sign3A_239 = arith.extui %sign3A_238 : i1 to i32
        %sign3A_240 = arith.subi %sign3A_236, %sign3A_239 : i32
        %sign3A_241 = arith.constant 0 : i32
        %sign3A_242 = arith.cmpi sgt, %jit3A_232, %sign3A_241 : i32
        %sign3A_243 = arith.extui %sign3A_242 : i1 to i32
        %sign3A_244 = arith.constant 0 : i32
        %sign3A_245 = arith.cmpi slt, %jit3A_232, %sign3A_244 : i32
        %sign3A_246 = arith.extui %sign3A_245 : i1 to i32
        %sign3A_247 = arith.subi %sign3A_243, %sign3A_246 : i32
        %ne3A_248 = arith.cmpi ne, %sign3A_240, %sign3A_247 : i32
        %rem3A_249 = arith.remsi %add3A_231, %jit3A_232 : i32
        %ne3A_250 = arith.constant 0 : i32
        %ne3A_251 = arith.cmpi ne, %rem3A_249, %ne3A_250 : i32
        %and3A_252 = arith.andi %ne3A_248, %ne3A_251 : i1
        %sub3A_253 = arith.constant 1 : i32
        %sub3A_254 = arith.subi %div3A_233, %sub3A_253 : i32
        %select_n3A_255 = arith.select %and3A_252, %sub3A_254, %div3A_233 : i32
        %rem3A_256 = arith.constant 4 : i32
        %rem3A_257 = arith.remsi %add3A_231, %rem3A_256 : i32
        %mul3A_258 = arith.constant 128 : i32
        %mul3A_259 = arith.muli %mul3A_258, %rem3A_257 : i32
        %multiple_of3A_260 = tpu.assume_multiple %mul3A_259, 128 : i32
        %dma_start3A_261 = arith.constant 1 : i32
        %dma_start3A_262 = arith.constant 0 : i32
        %dma_start3A_263 = arith.constant 0 : i32
        %dma_start3A_264 = tpu.memref_slice %arg6[%dma_start3A_261, %dma_start3A_262, %dma_start3A_263] : memref<2x128x32xf32, #tpu.memory_space<vmem>> -> memref<1x128x32xf32, #tpu.memory_space<vmem>>
        %dma_start3A_265 = tpu.memref_squeeze %dma_start3A_264 : memref<1x128x32xf32, #tpu.memory_space<vmem>> -> memref<128x32xf32, #tpu.memory_space<vmem>>
        %dma_start3A_266 = tpu.memref_slice %arg5[%select_n3A_255, %multiple_of3A_260] : memref<26x512xi32, #tpu.memory_space<vmem>> -> memref<1x128xi32, #tpu.memory_space<vmem>>
        %dma_start3A_267 = tpu.memref_squeeze %dma_start3A_266 : memref<1x128xi32, #tpu.memory_space<vmem>> -> memref<128xi32, #tpu.memory_space<vmem>>
        %dma_start3A_268 = arith.constant 0 : i32
        %dma_start3A_269 = arith.constant 0 : i32
        %dma_start3A_270 = tpu.memref_slice %arg2[%dma_start3A_268, %dma_start3A_269] : memref<1000000x32xf32, #tpu.memory_space<hbm>> -> memref<1000000x32xf32, #tpu.memory_space<hbm>>
        tpu.enqueue_indirect_dma source(%dma_start3A_270 : memref<1000000x32xf32, #tpu.memory_space<hbm>>) target(%dma_start3A_265 : memref<128x32xf32, #tpu.memory_space<vmem>>) offsets(%dma_start3A_267 : memref<128xi32, #tpu.memory_space<vmem>>) semaphore(%arg9 : memref<!tpu.dma_semaphore, #tpu.memory_space<semaphore_mem>>)
      } else {
      }
      %ge3A = arith.constant 2 : i32
      %ge3A_92 = arith.cmpi sge, %add3A_72, %ge3A : i32
      %convert_element_type3A_93 = arith.extui %ge3A_92 : i1 to i32
      %cond3A_94 = arith.constant 0 : i32
      %cond3A_95 = arith.cmpi ne, %convert_element_type3A_93, %cond3A_94 : i32
      scf.if %cond3A_95 {
        %dma_wait3A_230 = arith.constant 0 : i32
        %dma_wait3A_231 = arith.constant 0 : i32
        %dma_wait3A_232 = arith.constant 0 : i32
        %dma_wait3A_233 = arith.constant 0 : i32
        %dma_wait3A_234 = arith.constant 0 : i32
        %dma_wait3A_235 = arith.constant 0 : i32
        %dma_wait3A_236 = tpu.memref_slice %arg7[%dma_wait3A_230, %dma_wait3A_233, %dma_wait3A_234, %dma_wait3A_235] : memref<2x4x8x128xf32, #tpu.memory_space<vmem>> -> memref<1x4x8x128xf32, #tpu.memory_space<vmem>>
        %dma_wait3A_237 = tpu.memref_squeeze %dma_wait3A_236 : memref<1x4x8x128xf32, #tpu.memory_space<vmem>> -> memref<4x8x128xf32, #tpu.memory_space<vmem>>
        %dma_wait3A_238 = arith.constant 0 : i32
        %dma_wait3A_239 = arith.constant 0 : i32
        %dma_wait3A_240 = arith.constant 0 : i32
        %dma_wait3A_241 = tpu.memref_slice %arg4[%dma_wait3A_231, %dma_wait3A_238, %dma_wait3A_232, %dma_wait3A_239, %dma_wait3A_240] : memref<26x4x128x8x128xf32, #tpu.memory_space<hbm>> -> memref<1x4x1x8x128xf32, #tpu.memory_space<hbm>>
        %dma_wait3A_242 = tpu.memref_squeeze %dma_wait3A_241 : memref<1x4x1x8x128xf32, #tpu.memory_space<hbm>> -> memref<4x8x128xf32, #tpu.memory_space<hbm>>
        %dma_wait3A_243 = arith.constant 0 : i32
        %dma_wait3A_244 = arith.constant 0 : i32
        %dma_wait3A_245 = arith.constant 0 : i32
        %dma_wait3A_246 = tpu.memref_slice %arg4[%dma_wait3A_231, %dma_wait3A_243, %dma_wait3A_232, %dma_wait3A_244, %dma_wait3A_245] : memref<26x4x128x8x128xf32, #tpu.memory_space<hbm>> -> memref<1x4x1x8x128xf32, #tpu.memory_space<hbm>>
        %dma_wait3A_247 = tpu.memref_squeeze %dma_wait3A_246 : memref<1x4x1x8x128xf32, #tpu.memory_space<hbm>> -> memref<4x8x128xf32, #tpu.memory_space<hbm>>
        %dma_wait3A_248 = arith.constant 0 : i32
        %dma_wait3A_249 = arith.constant 0 : i32
        %dma_wait3A_250 = arith.constant 0 : i32
        %dma_wait3A_251 = tpu.memref_slice %arg7[%dma_wait3A_230, %dma_wait3A_248, %dma_wait3A_249, %dma_wait3A_250] : memref<2x4x8x128xf32, #tpu.memory_space<vmem>> -> memref<1x4x8x128xf32, #tpu.memory_space<vmem>>
        %dma_wait3A_252 = tpu.memref_squeeze %dma_wait3A_251 : memref<1x4x8x128xf32, #tpu.memory_space<vmem>> -> memref<4x8x128xf32, #tpu.memory_space<vmem>>
        tpu.wait_dma2 semaphore(%arg10 : memref<!tpu.dma_semaphore, #tpu.memory_space<semaphore_mem>>) src(%dma_wait3A_252 : memref<4x8x128xf32, #tpu.memory_space<vmem>>) dst(%dma_wait3A_247 : memref<4x8x128xf32, #tpu.memory_space<hbm>>)
      } else {
      }
      %iota3A = tpu.iota {dimensions = array<i32: 0>} : vector<16xi32>
      %parallel_loop3A = arith.constant 0 : i32
      %parallel_loop3A_96 = arith.constant 32 : i32
      %parallel_loop3A_97 = arith.constant 1 : i32
      %parallel_loop3A_98 = arith.constant 0 : i32
      %parallel_loop3A_99 = arith.constant 0 : i32
      scf.for %parallel_loop3A_230 = %parallel_loop3A to %parallel_loop3A_96 step %parallel_loop3A_97  : i32 {
        %parallel_loop3A_231 = arith.constant 8 : i32
        %parallel_loop3A_232 = arith.divsi %parallel_loop3A_230, %parallel_loop3A_231 : i32
        %parallel_loop3A_233 = arith.constant 0 : i32
        %parallel_loop3A_234 = arith.cmpi sgt, %parallel_loop3A_230, %parallel_loop3A_233 : i32
        %parallel_loop3A_235 = arith.extui %parallel_loop3A_234 : i1 to i32
        %parallel_loop3A_236 = arith.constant 0 : i32
        %parallel_loop3A_237 = arith.cmpi slt, %parallel_loop3A_230, %parallel_loop3A_236 : i32
        %parallel_loop3A_238 = arith.extui %parallel_loop3A_237 : i1 to i32
        %parallel_loop3A_239 = arith.subi %parallel_loop3A_235, %parallel_loop3A_238 : i32
        %parallel_loop3A_240 = arith.constant 0 : i32
        %parallel_loop3A_241 = arith.cmpi sgt, %parallel_loop3A_231, %parallel_loop3A_240 : i32
        %parallel_loop3A_242 = arith.extui %parallel_loop3A_241 : i1 to i32
        %parallel_loop3A_243 = arith.constant 0 : i32
        %parallel_loop3A_244 = arith.cmpi slt, %parallel_loop3A_231, %parallel_loop3A_243 : i32
        %parallel_loop3A_245 = arith.extui %parallel_loop3A_244 : i1 to i32
        %parallel_loop3A_246 = arith.subi %parallel_loop3A_242, %parallel_loop3A_245 : i32
        %parallel_loop3A_247 = arith.cmpi ne, %parallel_loop3A_239, %parallel_loop3A_246 : i32
        %parallel_loop3A_248 = arith.remsi %parallel_loop3A_230, %parallel_loop3A_231 : i32
        %parallel_loop3A_249 = arith.constant 0 : i32
        %parallel_loop3A_250 = arith.cmpi ne, %parallel_loop3A_248, %parallel_loop3A_249 : i32
        %parallel_loop3A_251 = arith.andi %parallel_loop3A_247, %parallel_loop3A_250 : i1
        %parallel_loop3A_252 = arith.constant 1 : i32
        %parallel_loop3A_253 = arith.subi %parallel_loop3A_232, %parallel_loop3A_252 : i32
        %parallel_loop3A_254 = arith.select %parallel_loop3A_251, %parallel_loop3A_253, %parallel_loop3A_232 : i32
        %parallel_loop3A_255 = arith.constant 8 : i32
        %parallel_loop3A_256 = arith.remsi %parallel_loop3A_230, %parallel_loop3A_255 : i32
        %parallel_loop3A_257 = arith.constant 0 : i32
        %parallel_loop3A_258 = vector.broadcast %parallel_loop3A_257 : i32 to vector<16xi32>
        %parallel_loop3A_259 = vector.broadcast %parallel_loop3A_230 : i32 to vector<16xi32>
        %parallel_loop3A_260 = arith.addi %parallel_loop3A_258, %parallel_loop3A_259 : vector<16xi32>
        %parallel_loop3A_261 = arith.constant 0 : i32
        %parallel_loop3A_262 = vector.broadcast %parallel_loop3A_261 : i32 to vector<16xi32>
        %parallel_loop3A_263 = arith.addi %iota3A, %parallel_loop3A_262 : vector<16xi32>
        %parallel_loop3A_264 = arith.constant 0 : i32
        %parallel_loop3A_265 = arith.constant 0 : i32
        %parallel_loop3A_266 = tpu.memref_slice %arg6[%parallel_loop3A_98, %parallel_loop3A_264, %parallel_loop3A_265] : memref<2x128x32xf32, #tpu.memory_space<vmem>> -> memref<1x128x32xf32, #tpu.memory_space<vmem>>
        %parallel_loop3A_267 = tpu.memref_squeeze %parallel_loop3A_266 : memref<1x128x32xf32, #tpu.memory_space<vmem>> -> memref<128x32xf32, #tpu.memory_space<vmem>>
        %parallel_loop3A_268 = tpu.vector_load_idx %parallel_loop3A_267[%parallel_loop3A_263, %parallel_loop3A_260] : memref<128x32xf32, #tpu.memory_space<vmem>>[vector<16xi32>, vector<16xi32>], vector<16xf32>,
        %parallel_loop3A_269 = arith.constant 0 : i32
        %parallel_loop3A_270 = arith.constant 0 : i32
        %parallel_loop3A_271 = arith.constant 0 : i32
        %parallel_loop3A_272 = tpu.memref_slice %arg7[%parallel_loop3A_99, %parallel_loop3A_269, %parallel_loop3A_270, %parallel_loop3A_271] : memref<2x4x8x128xf32, #tpu.memory_space<vmem>> -> memref<1x4x8x128xf32, #tpu.memory_space<vmem>>
        %parallel_loop3A_273 = tpu.memref_squeeze %parallel_loop3A_272 : memref<1x4x8x128xf32, #tpu.memory_space<vmem>> -> memref<4x8x128xf32, #tpu.memory_space<vmem>>
        %parallel_loop3A_274 = arith.index_cast %parallel_loop3A_254 : i32 to index
        %parallel_loop3A_275 = arith.index_cast %parallel_loop3A_256 : i32 to index
        %parallel_loop3A_276 = arith.constant 0 : index
        %parallel_loop3A_277 = tpu.vector_load %parallel_loop3A_273[%parallel_loop3A_274, %parallel_loop3A_275, %parallel_loop3A_276] {strides = array<i32>} : memref<4x8x128xf32, #tpu.memory_space<vmem>>, vector<16xf32>,
        tpu.vector_store %parallel_loop3A_273[%parallel_loop3A_274, %parallel_loop3A_275, %parallel_loop3A_276], %parallel_loop3A_268 {strides = array<i32>} : memref<4x8x128xf32, #tpu.memory_space<vmem>>, vector<16xf32>,
        %parallel_loop3A_278 = arith.constant 16 : i32
        %parallel_loop3A_279 = vector.broadcast %parallel_loop3A_278 : i32 to vector<16xi32>
        %parallel_loop3A_280 = arith.addi %iota3A, %parallel_loop3A_279 : vector<16xi32>
        %parallel_loop3A_281 = arith.constant 0 : i32
        %parallel_loop3A_282 = arith.constant 0 : i32
        %parallel_loop3A_283 = tpu.memref_slice %arg6[%parallel_loop3A_98, %parallel_loop3A_281, %parallel_loop3A_282] : memref<2x128x32xf32, #tpu.memory_space<vmem>> -> memref<1x128x32xf32, #tpu.memory_space<vmem>>
        %parallel_loop3A_284 = tpu.memref_squeeze %parallel_loop3A_283 : memref<1x128x32xf32, #tpu.memory_space<vmem>> -> memref<128x32xf32, #tpu.memory_space<vmem>>
        %parallel_loop3A_285 = tpu.vector_load_idx %parallel_loop3A_284[%parallel_loop3A_280, %parallel_loop3A_260] : memref<128x32xf32, #tpu.memory_space<vmem>>[vector<16xi32>, vector<16xi32>], vector<16xf32>,
        %parallel_loop3A_286 = arith.constant 0 : i32
        %parallel_loop3A_287 = arith.constant 0 : i32
        %parallel_loop3A_288 = arith.constant 0 : i32
        %parallel_loop3A_289 = tpu.memref_slice %arg7[%parallel_loop3A_99, %parallel_loop3A_286, %parallel_loop3A_287, %parallel_loop3A_288] : memref<2x4x8x128xf32, #tpu.memory_space<vmem>> -> memref<1x4x8x128xf32, #tpu.memory_space<vmem>>
        %parallel_loop3A_290 = tpu.memref_squeeze %parallel_loop3A_289 : memref<1x4x8x128xf32, #tpu.memory_space<vmem>> -> memref<4x8x128xf32, #tpu.memory_space<vmem>>
        %parallel_loop3A_291 = arith.index_cast %parallel_loop3A_254 : i32 to index
        %parallel_loop3A_292 = arith.index_cast %parallel_loop3A_256 : i32 to index
        %parallel_loop3A_293 = arith.constant 16 : index
        %parallel_loop3A_294 = tpu.vector_load %parallel_loop3A_290[%parallel_loop3A_291, %parallel_loop3A_292, %parallel_loop3A_293] {strides = array<i32>} : memref<4x8x128xf32, #tpu.memory_space<vmem>>, vector<16xf32>,
        tpu.vector_store %parallel_loop3A_290[%parallel_loop3A_291, %parallel_loop3A_292, %parallel_loop3A_293], %parallel_loop3A_285 {strides = array<i32>} : memref<4x8x128xf32, #tpu.memory_space<vmem>>, vector<16xf32>,
        %parallel_loop3A_295 = arith.constant 32 : i32
        %parallel_loop3A_296 = vector.broadcast %parallel_loop3A_295 : i32 to vector<16xi32>
        %parallel_loop3A_297 = arith.addi %iota3A, %parallel_loop3A_296 : vector<16xi32>
        %parallel_loop3A_298 = arith.constant 0 : i32
        %parallel_loop3A_299 = arith.constant 0 : i32
        %parallel_loop3A_300 = tpu.memref_slice %arg6[%parallel_loop3A_98, %parallel_loop3A_298, %parallel_loop3A_299] : memref<2x128x32xf32, #tpu.memory_space<vmem>> -> memref<1x128x32xf32, #tpu.memory_space<vmem>>
        %parallel_loop3A_301 = tpu.memref_squeeze %parallel_loop3A_300 : memref<1x128x32xf32, #tpu.memory_space<vmem>> -> memref<128x32xf32, #tpu.memory_space<vmem>>
        %parallel_loop3A_302 = tpu.vector_load_idx %parallel_loop3A_301[%parallel_loop3A_297, %parallel_loop3A_260] : memref<128x32xf32, #tpu.memory_space<vmem>>[vector<16xi32>, vector<16xi32>], vector<16xf32>,
        %parallel_loop3A_303 = arith.constant 0 : i32
        %parallel_loop3A_304 = arith.constant 0 : i32
        %parallel_loop3A_305 = arith.constant 0 : i32
        %parallel_loop3A_306 = tpu.memref_slice %arg7[%parallel_loop3A_99, %parallel_loop3A_303, %parallel_loop3A_304, %parallel_loop3A_305] : memref<2x4x8x128xf32, #tpu.memory_space<vmem>> -> memref<1x4x8x128xf32, #tpu.memory_space<vmem>>
        %parallel_loop3A_307 = tpu.memref_squeeze %parallel_loop3A_306 : memref<1x4x8x128xf32, #tpu.memory_space<vmem>> -> memref<4x8x128xf32, #tpu.memory_space<vmem>>
        %parallel_loop3A_308 = arith.index_cast %parallel_loop3A_254 : i32 to index
        %parallel_loop3A_309 = arith.index_cast %parallel_loop3A_256 : i32 to index
        %parallel_loop3A_310 = arith.constant 32 : index
        %parallel_loop3A_311 = tpu.vector_load %parallel_loop3A_307[%parallel_loop3A_308, %parallel_loop3A_309, %parallel_loop3A_310] {strides = array<i32>} : memref<4x8x128xf32, #tpu.memory_space<vmem>>, vector<16xf32>,
        tpu.vector_store %parallel_loop3A_307[%parallel_loop3A_308, %parallel_loop3A_309, %parallel_loop3A_310], %parallel_loop3A_302 {strides = array<i32>} : memref<4x8x128xf32, #tpu.memory_space<vmem>>, vector<16xf32>,
        %parallel_loop3A_312 = arith.constant 48 : i32
        %parallel_loop3A_313 = vector.broadcast %parallel_loop3A_312 : i32 to vector<16xi32>
        %parallel_loop3A_314 = arith.addi %iota3A, %parallel_loop3A_313 : vector<16xi32>
        %parallel_loop3A_315 = arith.constant 0 : i32
        %parallel_loop3A_316 = arith.constant 0 : i32
        %parallel_loop3A_317 = tpu.memref_slice %arg6[%parallel_loop3A_98, %parallel_loop3A_315, %parallel_loop3A_316] : memref<2x128x32xf32, #tpu.memory_space<vmem>> -> memref<1x128x32xf32, #tpu.memory_space<vmem>>
        %parallel_loop3A_318 = tpu.memref_squeeze %parallel_loop3A_317 : memref<1x128x32xf32, #tpu.memory_space<vmem>> -> memref<128x32xf32, #tpu.memory_space<vmem>>
        %parallel_loop3A_319 = tpu.vector_load_idx %parallel_loop3A_318[%parallel_loop3A_314, %parallel_loop3A_260] : memref<128x32xf32, #tpu.memory_space<vmem>>[vector<16xi32>, vector<16xi32>], vector<16xf32>,
        %parallel_loop3A_320 = arith.constant 0 : i32
        %parallel_loop3A_321 = arith.constant 0 : i32
        %parallel_loop3A_322 = arith.constant 0 : i32
        %parallel_loop3A_323 = tpu.memref_slice %arg7[%parallel_loop3A_99, %parallel_loop3A_320, %parallel_loop3A_321, %parallel_loop3A_322] : memref<2x4x8x128xf32, #tpu.memory_space<vmem>> -> memref<1x4x8x128xf32, #tpu.memory_space<vmem>>
        %parallel_loop3A_324 = tpu.memref_squeeze %parallel_loop3A_323 : memref<1x4x8x128xf32, #tpu.memory_space<vmem>> -> memref<4x8x128xf32, #tpu.memory_space<vmem>>
        %parallel_loop3A_325 = arith.index_cast %parallel_loop3A_254 : i32 to index
        %parallel_loop3A_326 = arith.index_cast %parallel_loop3A_256 : i32 to index
        %parallel_loop3A_327 = arith.constant 48 : index
        %parallel_loop3A_328 = tpu.vector_load %parallel_loop3A_324[%parallel_loop3A_325, %parallel_loop3A_326, %parallel_loop3A_327] {strides = array<i32>} : memref<4x8x128xf32, #tpu.memory_space<vmem>>, vector<16xf32>,
        tpu.vector_store %parallel_loop3A_324[%parallel_loop3A_325, %parallel_loop3A_326, %parallel_loop3A_327], %parallel_loop3A_319 {strides = array<i32>} : memref<4x8x128xf32, #tpu.memory_space<vmem>>, vector<16xf32>,
        %parallel_loop3A_329 = arith.constant 64 : i32
        %parallel_loop3A_330 = vector.broadcast %parallel_loop3A_329 : i32 to vector<16xi32>
        %parallel_loop3A_331 = arith.addi %iota3A, %parallel_loop3A_330 : vector<16xi32>
        %parallel_loop3A_332 = arith.constant 0 : i32
        %parallel_loop3A_333 = arith.constant 0 : i32
        %parallel_loop3A_334 = tpu.memref_slice %arg6[%parallel_loop3A_98, %parallel_loop3A_332, %parallel_loop3A_333] : memref<2x128x32xf32, #tpu.memory_space<vmem>> -> memref<1x128x32xf32, #tpu.memory_space<vmem>>
        %parallel_loop3A_335 = tpu.memref_squeeze %parallel_loop3A_334 : memref<1x128x32xf32, #tpu.memory_space<vmem>> -> memref<128x32xf32, #tpu.memory_space<vmem>>
        %parallel_loop3A_336 = tpu.vector_load_idx %parallel_loop3A_335[%parallel_loop3A_331, %parallel_loop3A_260] : memref<128x32xf32, #tpu.memory_space<vmem>>[vector<16xi32>, vector<16xi32>], vector<16xf32>,
        %parallel_loop3A_337 = arith.constant 0 : i32
        %parallel_loop3A_338 = arith.constant 0 : i32
        %parallel_loop3A_339 = arith.constant 0 : i32
        %parallel_loop3A_340 = tpu.memref_slice %arg7[%parallel_loop3A_99, %parallel_loop3A_337, %parallel_loop3A_338, %parallel_loop3A_339] : memref<2x4x8x128xf32, #tpu.memory_space<vmem>> -> memref<1x4x8x128xf32, #tpu.memory_space<vmem>>
        %parallel_loop3A_341 = tpu.memref_squeeze %parallel_loop3A_340 : memref<1x4x8x128xf32, #tpu.memory_space<vmem>> -> memref<4x8x128xf32, #tpu.memory_space<vmem>>
        %parallel_loop3A_342 = arith.index_cast %parallel_loop3A_254 : i32 to index
        %parallel_loop3A_343 = arith.index_cast %parallel_loop3A_256 : i32 to index
        %parallel_loop3A_344 = arith.constant 64 : index
        %parallel_loop3A_345 = tpu.vector_load %parallel_loop3A_341[%parallel_loop3A_342, %parallel_loop3A_343, %parallel_loop3A_344] {strides = array<i32>} : memref<4x8x128xf32, #tpu.memory_space<vmem>>, vector<16xf32>,
        tpu.vector_store %parallel_loop3A_341[%parallel_loop3A_342, %parallel_loop3A_343, %parallel_loop3A_344], %parallel_loop3A_336 {strides = array<i32>} : memref<4x8x128xf32, #tpu.memory_space<vmem>>, vector<16xf32>,
        %parallel_loop3A_346 = arith.constant 80 : i32
        %parallel_loop3A_347 = vector.broadcast %parallel_loop3A_346 : i32 to vector<16xi32>
        %parallel_loop3A_348 = arith.addi %iota3A, %parallel_loop3A_347 : vector<16xi32>
        %parallel_loop3A_349 = arith.constant 0 : i32
        %parallel_loop3A_350 = arith.constant 0 : i32
        %parallel_loop3A_351 = tpu.memref_slice %arg6[%parallel_loop3A_98, %parallel_loop3A_349, %parallel_loop3A_350] : memref<2x128x32xf32, #tpu.memory_space<vmem>> -> memref<1x128x32xf32, #tpu.memory_space<vmem>>
        %parallel_loop3A_352 = tpu.memref_squeeze %parallel_loop3A_351 : memref<1x128x32xf32, #tpu.memory_space<vmem>> -> memref<128x32xf32, #tpu.memory_space<vmem>>
        %parallel_loop3A_353 = tpu.vector_load_idx %parallel_loop3A_352[%parallel_loop3A_348, %parallel_loop3A_260] : memref<128x32xf32, #tpu.memory_space<vmem>>[vector<16xi32>, vector<16xi32>], vector<16xf32>,
        %parallel_loop3A_354 = arith.constant 0 : i32
        %parallel_loop3A_355 = arith.constant 0 : i32
        %parallel_loop3A_356 = arith.constant 0 : i32
        %parallel_loop3A_357 = tpu.memref_slice %arg7[%parallel_loop3A_99, %parallel_loop3A_354, %parallel_loop3A_355, %parallel_loop3A_356] : memref<2x4x8x128xf32, #tpu.memory_space<vmem>> -> memref<1x4x8x128xf32, #tpu.memory_space<vmem>>
        %parallel_loop3A_358 = tpu.memref_squeeze %parallel_loop3A_357 : memref<1x4x8x128xf32, #tpu.memory_space<vmem>> -> memref<4x8x128xf32, #tpu.memory_space<vmem>>
        %parallel_loop3A_359 = arith.index_cast %parallel_loop3A_254 : i32 to index
        %parallel_loop3A_360 = arith.index_cast %parallel_loop3A_256 : i32 to index
        %parallel_loop3A_361 = arith.constant 80 : index
        %parallel_loop3A_362 = tpu.vector_load %parallel_loop3A_358[%parallel_loop3A_359, %parallel_loop3A_360, %parallel_loop3A_361] {strides = array<i32>} : memref<4x8x128xf32, #tpu.memory_space<vmem>>, vector<16xf32>,
        tpu.vector_store %parallel_loop3A_358[%parallel_loop3A_359, %parallel_loop3A_360, %parallel_loop3A_361], %parallel_loop3A_353 {strides = array<i32>} : memref<4x8x128xf32, #tpu.memory_space<vmem>>, vector<16xf32>,
        %parallel_loop3A_363 = arith.constant 96 : i32
        %parallel_loop3A_364 = vector.broadcast %parallel_loop3A_363 : i32 to vector<16xi32>
        %parallel_loop3A_365 = arith.addi %iota3A, %parallel_loop3A_364 : vector<16xi32>
        %parallel_loop3A_366 = arith.constant 0 : i32
        %parallel_loop3A_367 = arith.constant 0 : i32
        %parallel_loop3A_368 = tpu.memref_slice %arg6[%parallel_loop3A_98, %parallel_loop3A_366, %parallel_loop3A_367] : memref<2x128x32xf32, #tpu.memory_space<vmem>> -> memref<1x128x32xf32, #tpu.memory_space<vmem>>
        %parallel_loop3A_369 = tpu.memref_squeeze %parallel_loop3A_368 : memref<1x128x32xf32, #tpu.memory_space<vmem>> -> memref<128x32xf32, #tpu.memory_space<vmem>>
        %parallel_loop3A_370 = tpu.vector_load_idx %parallel_loop3A_369[%parallel_loop3A_365, %parallel_loop3A_260] : memref<128x32xf32, #tpu.memory_space<vmem>>[vector<16xi32>, vector<16xi32>], vector<16xf32>,
        %parallel_loop3A_371 = arith.constant 0 : i32
        %parallel_loop3A_372 = arith.constant 0 : i32
        %parallel_loop3A_373 = arith.constant 0 : i32
        %parallel_loop3A_374 = tpu.memref_slice %arg7[%parallel_loop3A_99, %parallel_loop3A_371, %parallel_loop3A_372, %parallel_loop3A_373] : memref<2x4x8x128xf32, #tpu.memory_space<vmem>> -> memref<1x4x8x128xf32, #tpu.memory_space<vmem>>
        %parallel_loop3A_375 = tpu.memref_squeeze %parallel_loop3A_374 : memref<1x4x8x128xf32, #tpu.memory_space<vmem>> -> memref<4x8x128xf32, #tpu.memory_space<vmem>>
        %parallel_loop3A_376 = arith.index_cast %parallel_loop3A_254 : i32 to index
        %parallel_loop3A_377 = arith.index_cast %parallel_loop3A_256 : i32 to index
        %parallel_loop3A_378 = arith.constant 96 : index
        %parallel_loop3A_379 = tpu.vector_load %parallel_loop3A_375[%parallel_loop3A_376, %parallel_loop3A_377, %parallel_loop3A_378] {strides = array<i32>} : memref<4x8x128xf32, #tpu.memory_space<vmem>>, vector<16xf32>,
        tpu.vector_store %parallel_loop3A_375[%parallel_loop3A_376, %parallel_loop3A_377, %parallel_loop3A_378], %parallel_loop3A_370 {strides = array<i32>} : memref<4x8x128xf32, #tpu.memory_space<vmem>>, vector<16xf32>,
        %parallel_loop3A_380 = arith.constant 112 : i32
        %parallel_loop3A_381 = vector.broadcast %parallel_loop3A_380 : i32 to vector<16xi32>
        %parallel_loop3A_382 = arith.addi %iota3A, %parallel_loop3A_381 : vector<16xi32>
        %parallel_loop3A_383 = arith.constant 0 : i32
        %parallel_loop3A_384 = arith.constant 0 : i32
        %parallel_loop3A_385 = tpu.memref_slice %arg6[%parallel_loop3A_98, %parallel_loop3A_383, %parallel_loop3A_384] : memref<2x128x32xf32, #tpu.memory_space<vmem>> -> memref<1x128x32xf32, #tpu.memory_space<vmem>>
        %parallel_loop3A_386 = tpu.memref_squeeze %parallel_loop3A_385 : memref<1x128x32xf32, #tpu.memory_space<vmem>> -> memref<128x32xf32, #tpu.memory_space<vmem>>
        %parallel_loop3A_387 = tpu.vector_load_idx %parallel_loop3A_386[%parallel_loop3A_382, %parallel_loop3A_260] : memref<128x32xf32, #tpu.memory_space<vmem>>[vector<16xi32>, vector<16xi32>], vector<16xf32>,
        %parallel_loop3A_388 = arith.constant 0 : i32
        %parallel_loop3A_389 = arith.constant 0 : i32
        %parallel_loop3A_390 = arith.constant 0 : i32
        %parallel_loop3A_391 = tpu.memref_slice %arg7[%parallel_loop3A_99, %parallel_loop3A_388, %parallel_loop3A_389, %parallel_loop3A_390] : memref<2x4x8x128xf32, #tpu.memory_space<vmem>> -> memref<1x4x8x128xf32, #tpu.memory_space<vmem>>
        %parallel_loop3A_392 = tpu.memref_squeeze %parallel_loop3A_391 : memref<1x4x8x128xf32, #tpu.memory_space<vmem>> -> memref<4x8x128xf32, #tpu.memory_space<vmem>>
        %parallel_loop3A_393 = arith.index_cast %parallel_loop3A_254 : i32 to index
        %parallel_loop3A_394 = arith.index_cast %parallel_loop3A_256 : i32 to index
        %parallel_loop3A_395 = arith.constant 112 : index
        %parallel_loop3A_396 = tpu.vector_load %parallel_loop3A_392[%parallel_loop3A_393, %parallel_loop3A_394, %parallel_loop3A_395] {strides = array<i32>} : memref<4x8x128xf32, #tpu.memory_space<vmem>>, vector<16xf32>,
        tpu.vector_store %parallel_loop3A_392[%parallel_loop3A_393, %parallel_loop3A_394, %parallel_loop3A_395], %parallel_loop3A_387 {strides = array<i32>} : memref<4x8x128xf32, #tpu.memory_space<vmem>>, vector<16xf32>,
      } {sc.loop_unroll_factor = 4 : i64, sc.parallel_access}
      %jit3A = arith.constant 4 : i32
      %div3A = arith.divsi %add3A_72, %jit3A : i32
      %sign3A = arith.constant 0 : i32
      %sign3A_100 = arith.cmpi sgt, %add3A_72, %sign3A : i32
      %sign3A_101 = arith.extui %sign3A_100 : i1 to i32
      %sign3A_102 = arith.constant 0 : i32
      %sign3A_103 = arith.cmpi slt, %add3A_72, %sign3A_102 : i32
      %sign3A_104 = arith.extui %sign3A_103 : i1 to i32
      %sign3A_105 = arith.subi %sign3A_101, %sign3A_104 : i32
      %sign3A_106 = arith.constant 0 : i32
      %sign3A_107 = arith.cmpi sgt, %jit3A, %sign3A_106 : i32
      %sign3A_108 = arith.extui %sign3A_107 : i1 to i32
      %sign3A_109 = arith.constant 0 : i32
      %sign3A_110 = arith.cmpi slt, %jit3A, %sign3A_109 : i32
      %sign3A_111 = arith.extui %sign3A_110 : i1 to i32
      %sign3A_112 = arith.subi %sign3A_108, %sign3A_111 : i32
      %ne3A = arith.cmpi ne, %sign3A_105, %sign3A_112 : i32
      %rem3A_113 = arith.remsi %add3A_72, %jit3A : i32
      %ne3A_114 = arith.constant 0 : i32
      %ne3A_115 = arith.cmpi ne, %rem3A_113, %ne3A_114 : i32
      %and3A = arith.andi %ne3A, %ne3A_115 : i1
      %sub3A = arith.constant 1 : i32
      %sub3A_116 = arith.subi %div3A, %sub3A : i32
      %select_n3A = arith.select %and3A, %sub3A_116, %div3A : i32
      %mul3A_117 = arith.constant 4 : i32
      %mul3A_118 = arith.muli %mul3A_117, %add3A : i32
      %rem3A_119 = arith.constant 4 : i32
      %rem3A_120 = arith.remsi %add3A_72, %rem3A_119 : i32
      %add3A_121 = arith.addi %mul3A_118, %rem3A_120 : i32
      %dma_start3A_122 = arith.constant 0 : i32
      %dma_start3A_123 = arith.constant 0 : i32
      %dma_start3A_124 = arith.constant 0 : i32
      %dma_start3A_125 = arith.constant 0 : i32
      %dma_start3A_126 = tpu.memref_slice %arg7[%dma_start3A_122, %dma_start3A_123, %dma_start3A_124, %dma_start3A_125] : memref<2x4x8x128xf32, #tpu.memory_space<vmem>> -> memref<1x4x8x128xf32, #tpu.memory_space<vmem>>
      %dma_start3A_127 = tpu.memref_squeeze %dma_start3A_126 : memref<1x4x8x128xf32, #tpu.memory_space<vmem>> -> memref<4x8x128xf32, #tpu.memory_space<vmem>>
      %dma_start3A_128 = arith.constant 0 : i32
      %dma_start3A_129 = arith.constant 0 : i32
      %dma_start3A_130 = arith.constant 0 : i32
      %dma_start3A_131 = tpu.memref_slice %arg4[%select_n3A, %dma_start3A_128, %add3A_121, %dma_start3A_129, %dma_start3A_130] : memref<26x4x128x8x128xf32, #tpu.memory_space<hbm>> -> memref<1x4x1x8x128xf32, #tpu.memory_space<hbm>>
      %dma_start3A_132 = tpu.memref_squeeze %dma_start3A_131 : memref<1x4x1x8x128xf32, #tpu.memory_space<hbm>> -> memref<4x8x128xf32, #tpu.memory_space<hbm>>
      %dma_start3A_133 = arith.constant 0 : i32
      %dma_start3A_134 = arith.constant 0 : i32
      %dma_start3A_135 = arith.constant 0 : i32
      %dma_start3A_136 = tpu.memref_slice %arg4[%select_n3A, %dma_start3A_133, %add3A_121, %dma_start3A_134, %dma_start3A_135] : memref<26x4x128x8x128xf32, #tpu.memory_space<hbm>> -> memref<1x4x1x8x128xf32, #tpu.memory_space<hbm>>
      %dma_start3A_137 = tpu.memref_squeeze %dma_start3A_136 : memref<1x4x1x8x128xf32, #tpu.memory_space<hbm>> -> memref<4x8x128xf32, #tpu.memory_space<hbm>>
      %dma_start3A_138 = arith.constant 0 : i32
      %dma_start3A_139 = arith.constant 0 : i32
      %dma_start3A_140 = arith.constant 0 : i32
      %dma_start3A_141 = tpu.memref_slice %arg7[%dma_start3A_122, %dma_start3A_138, %dma_start3A_139, %dma_start3A_140] : memref<2x4x8x128xf32, #tpu.memory_space<vmem>> -> memref<1x4x8x128xf32, #tpu.memory_space<vmem>>
      %dma_start3A_142 = tpu.memref_squeeze %dma_start3A_141 : memref<1x4x8x128xf32, #tpu.memory_space<vmem>> -> memref<4x8x128xf32, #tpu.memory_space<vmem>>
      tpu.enqueue_dma source(%dma_start3A_142 : memref<4x8x128xf32, #tpu.memory_space<vmem>>) target(%dma_start3A_137 : memref<4x8x128xf32, #tpu.memory_space<hbm>>) target_semaphore(%arg10 : memref<!tpu.dma_semaphore, #tpu.memory_space<semaphore_mem>>)
      %mul3A_143 = arith.constant 2 : i32
      %mul3A_144 = arith.muli %mul3A_143, %scan3A_68 : i32
      %add3A_145 = arith.constant 1 : i32
      %add3A_146 = arith.addi %mul3A_144, %add3A_145 : i32
      %dma_wait3A_147 = arith.constant 1 : i32
      %dma_wait3A_148 = arith.constant 0 : i32
      %dma_wait3A_149 = arith.constant 0 : i32
      %dma_wait3A_150 = tpu.memref_slice %arg6[%dma_wait3A_147, %dma_wait3A_148, %dma_wait3A_149] : memref<2x128x32xf32, #tpu.memory_space<vmem>> -> memref<1x128x32xf32, #tpu.memory_space<vmem>>
      %dma_wait3A_151 = tpu.memref_squeeze %dma_wait3A_150 : memref<1x128x32xf32, #tpu.memory_space<vmem>> -> memref<128x32xf32, #tpu.memory_space<vmem>>
      %dma_wait3A_152 = arith.constant 0 : i32
      %dma_wait3A_153 = arith.constant 0 : i32
      %dma_wait3A_154 = tpu.memref_slice %arg2[%dma_wait3A_152, %dma_wait3A_153] : memref<1000000x32xf32, #tpu.memory_space<hbm>> -> memref<128x32xf32, #tpu.memory_space<hbm>>
      %dma_wait3A_155 = arith.constant 0 : i32
      %dma_wait3A_156 = arith.constant 0 : i32
      %dma_wait3A_157 = tpu.memref_slice %arg6[%dma_wait3A_147, %dma_wait3A_155, %dma_wait3A_156] : memref<2x128x32xf32, #tpu.memory_space<vmem>> -> memref<1x128x32xf32, #tpu.memory_space<vmem>>
      %dma_wait3A_158 = tpu.memref_squeeze %dma_wait3A_157 : memref<1x128x32xf32, #tpu.memory_space<vmem>> -> memref<128x32xf32, #tpu.memory_space<vmem>>
      %dma_wait3A_159 = arith.constant 0 : i32
      %dma_wait3A_160 = arith.constant 0 : i32
      %dma_wait3A_161 = tpu.memref_slice %arg2[%dma_wait3A_159, %dma_wait3A_160] : memref<1000000x32xf32, #tpu.memory_space<hbm>> -> memref<128x32xf32, #tpu.memory_space<hbm>>
      tpu.wait_dma2 semaphore(%arg9 : memref<!tpu.dma_semaphore, #tpu.memory_space<semaphore_mem>>) src(%dma_wait3A_161 : memref<128x32xf32, #tpu.memory_space<hbm>>) dst(%dma_wait3A_158 : memref<128x32xf32, #tpu.memory_space<vmem>>)
      %add3A_162 = arith.constant 1 : i32
      %add3A_163 = arith.addi %add3A_146, %add3A_162 : i32
      %lt3A_164 = arith.constant 104 : i32
      %lt3A_165 = arith.cmpi slt, %add3A_163, %lt3A_164 : i32
      %convert_element_type3A_166 = arith.extui %lt3A_165 : i1 to i32
      %cond3A_167 = arith.constant 0 : i32
      %cond3A_168 = arith.cmpi ne, %convert_element_type3A_166, %cond3A_167 : i32
      scf.if %cond3A_168 {
        %add3A_230 = arith.constant 1 : i32
        %add3A_231 = arith.addi %add3A_146, %add3A_230 : i32
        %jit3A_232 = arith.constant 4 : i32
        %div3A_233 = arith.divsi %add3A_231, %jit3A_232 : i32
        %sign3A_234 = arith.constant 0 : i32
        %sign3A_235 = arith.cmpi sgt, %add3A_231, %sign3A_234 : i32
        %sign3A_236 = arith.extui %sign3A_235 : i1 to i32
        %sign3A_237 = arith.constant 0 : i32
        %sign3A_238 = arith.cmpi slt, %add3A_231, %sign3A_237 : i32
        %sign3A_239 = arith.extui %sign3A_238 : i1 to i32
        %sign3A_240 = arith.subi %sign3A_236, %sign3A_239 : i32
        %sign3A_241 = arith.constant 0 : i32
        %sign3A_242 = arith.cmpi sgt, %jit3A_232, %sign3A_241 : i32
        %sign3A_243 = arith.extui %sign3A_242 : i1 to i32
        %sign3A_244 = arith.constant 0 : i32
        %sign3A_245 = arith.cmpi slt, %jit3A_232, %sign3A_244 : i32
        %sign3A_246 = arith.extui %sign3A_245 : i1 to i32
        %sign3A_247 = arith.subi %sign3A_243, %sign3A_246 : i32
        %ne3A_248 = arith.cmpi ne, %sign3A_240, %sign3A_247 : i32
        %rem3A_249 = arith.remsi %add3A_231, %jit3A_232 : i32
        %ne3A_250 = arith.constant 0 : i32
        %ne3A_251 = arith.cmpi ne, %rem3A_249, %ne3A_250 : i32
        %and3A_252 = arith.andi %ne3A_248, %ne3A_251 : i1
        %sub3A_253 = arith.constant 1 : i32
        %sub3A_254 = arith.subi %div3A_233, %sub3A_253 : i32
        %select_n3A_255 = arith.select %and3A_252, %sub3A_254, %div3A_233 : i32
        %rem3A_256 = arith.constant 4 : i32
        %rem3A_257 = arith.remsi %add3A_231, %rem3A_256 : i32
        %mul3A_258 = arith.constant 128 : i32
        %mul3A_259 = arith.muli %mul3A_258, %rem3A_257 : i32
        %multiple_of3A_260 = tpu.assume_multiple %mul3A_259, 128 : i32
        %dma_start3A_261 = arith.constant 0 : i32
        %dma_start3A_262 = arith.constant 0 : i32
        %dma_start3A_263 = arith.constant 0 : i32
        %dma_start3A_264 = tpu.memref_slice %arg6[%dma_start3A_261, %dma_start3A_262, %dma_start3A_263] : memref<2x128x32xf32, #tpu.memory_space<vmem>> -> memref<1x128x32xf32, #tpu.memory_space<vmem>>
        %dma_start3A_265 = tpu.memref_squeeze %dma_start3A_264 : memref<1x128x32xf32, #tpu.memory_space<vmem>> -> memref<128x32xf32, #tpu.memory_space<vmem>>
        %dma_start3A_266 = tpu.memref_slice %arg5[%select_n3A_255, %multiple_of3A_260] : memref<26x512xi32, #tpu.memory_space<vmem>> -> memref<1x128xi32, #tpu.memory_space<vmem>>
        %dma_start3A_267 = tpu.memref_squeeze %dma_start3A_266 : memref<1x128xi32, #tpu.memory_space<vmem>> -> memref<128xi32, #tpu.memory_space<vmem>>
        %dma_start3A_268 = arith.constant 0 : i32
        %dma_start3A_269 = arith.constant 0 : i32
        %dma_start3A_270 = tpu.memref_slice %arg2[%dma_start3A_268, %dma_start3A_269] : memref<1000000x32xf32, #tpu.memory_space<hbm>> -> memref<1000000x32xf32, #tpu.memory_space<hbm>>
        tpu.enqueue_indirect_dma source(%dma_start3A_270 : memref<1000000x32xf32, #tpu.memory_space<hbm>>) target(%dma_start3A_265 : memref<128x32xf32, #tpu.memory_space<vmem>>) offsets(%dma_start3A_267 : memref<128xi32, #tpu.memory_space<vmem>>) semaphore(%arg8 : memref<!tpu.dma_semaphore, #tpu.memory_space<semaphore_mem>>)
      } else {
      }
      %ge3A_169 = arith.constant 2 : i32
      %ge3A_170 = arith.cmpi sge, %add3A_146, %ge3A_169 : i32
      %convert_element_type3A_171 = arith.extui %ge3A_170 : i1 to i32
      %cond3A_172 = arith.constant 0 : i32
      %cond3A_173 = arith.cmpi ne, %convert_element_type3A_171, %cond3A_172 : i32
      scf.if %cond3A_173 {
        %dma_wait3A_230 = arith.constant 1 : i32
        %dma_wait3A_231 = arith.constant 0 : i32
        %dma_wait3A_232 = arith.constant 0 : i32
        %dma_wait3A_233 = arith.constant 0 : i32
        %dma_wait3A_234 = arith.constant 0 : i32
        %dma_wait3A_235 = arith.constant 0 : i32
        %dma_wait3A_236 = tpu.memref_slice %arg7[%dma_wait3A_230, %dma_wait3A_233, %dma_wait3A_234, %dma_wait3A_235] : memref<2x4x8x128xf32, #tpu.memory_space<vmem>> -> memref<1x4x8x128xf32, #tpu.memory_space<vmem>>
        %dma_wait3A_237 = tpu.memref_squeeze %dma_wait3A_236 : memref<1x4x8x128xf32, #tpu.memory_space<vmem>> -> memref<4x8x128xf32, #tpu.memory_space<vmem>>
        %dma_wait3A_238 = arith.constant 0 : i32
        %dma_wait3A_239 = arith.constant 0 : i32
        %dma_wait3A_240 = arith.constant 0 : i32
        %dma_wait3A_241 = tpu.memref_slice %arg4[%dma_wait3A_231, %dma_wait3A_238, %dma_wait3A_232, %dma_wait3A_239, %dma_wait3A_240] : memref<26x4x128x8x128xf32, #tpu.memory_space<hbm>> -> memref<1x4x1x8x128xf32, #tpu.memory_space<hbm>>
        %dma_wait3A_242 = tpu.memref_squeeze %dma_wait3A_241 : memref<1x4x1x8x128xf32, #tpu.memory_space<hbm>> -> memref<4x8x128xf32, #tpu.memory_space<hbm>>
        %dma_wait3A_243 = arith.constant 0 : i32
        %dma_wait3A_244 = arith.constant 0 : i32
        %dma_wait3A_245 = arith.constant 0 : i32
        %dma_wait3A_246 = tpu.memref_slice %arg4[%dma_wait3A_231, %dma_wait3A_243, %dma_wait3A_232, %dma_wait3A_244, %dma_wait3A_245] : memref<26x4x128x8x128xf32, #tpu.memory_space<hbm>> -> memref<1x4x1x8x128xf32, #tpu.memory_space<hbm>>
        %dma_wait3A_247 = tpu.memref_squeeze %dma_wait3A_246 : memref<1x4x1x8x128xf32, #tpu.memory_space<hbm>> -> memref<4x8x128xf32, #tpu.memory_space<hbm>>
        %dma_wait3A_248 = arith.constant 0 : i32
        %dma_wait3A_249 = arith.constant 0 : i32
        %dma_wait3A_250 = arith.constant 0 : i32
        %dma_wait3A_251 = tpu.memref_slice %arg7[%dma_wait3A_230, %dma_wait3A_248, %dma_wait3A_249, %dma_wait3A_250] : memref<2x4x8x128xf32, #tpu.memory_space<vmem>> -> memref<1x4x8x128xf32, #tpu.memory_space<vmem>>
        %dma_wait3A_252 = tpu.memref_squeeze %dma_wait3A_251 : memref<1x4x8x128xf32, #tpu.memory_space<vmem>> -> memref<4x8x128xf32, #tpu.memory_space<vmem>>
        tpu.wait_dma2 semaphore(%arg11 : memref<!tpu.dma_semaphore, #tpu.memory_space<semaphore_mem>>) src(%dma_wait3A_252 : memref<4x8x128xf32, #tpu.memory_space<vmem>>) dst(%dma_wait3A_247 : memref<4x8x128xf32, #tpu.memory_space<hbm>>)
      } else {
      }
      %iota3A_174 = tpu.iota {dimensions = array<i32: 0>} : vector<16xi32>
      %parallel_loop3A_175 = arith.constant 0 : i32
      %parallel_loop3A_176 = arith.constant 32 : i32
      %parallel_loop3A_177 = arith.constant 1 : i32
      %parallel_loop3A_178 = arith.constant 1 : i32
      %parallel_loop3A_179 = arith.constant 1 : i32
      scf.for %parallel_loop3A_230 = %parallel_loop3A_175 to %parallel_loop3A_176 step %parallel_loop3A_177  : i32 {
        %parallel_loop3A_231 = arith.constant 8 : i32
        %parallel_loop3A_232 = arith.divsi %parallel_loop3A_230, %parallel_loop3A_231 : i32
        %parallel_loop3A_233 = arith.constant 0 : i32
        %parallel_loop3A_234 = arith.cmpi sgt, %parallel_loop3A_230, %parallel_loop3A_233 : i32
        %parallel_loop3A_235 = arith.extui %parallel_loop3A_234 : i1 to i32
        %parallel_loop3A_236 = arith.constant 0 : i32
        %parallel_loop3A_237 = arith.cmpi slt, %parallel_loop3A_230, %parallel_loop3A_236 : i32
        %parallel_loop3A_238 = arith.extui %parallel_loop3A_237 : i1 to i32
        %parallel_loop3A_239 = arith.subi %parallel_loop3A_235, %parallel_loop3A_238 : i32
        %parallel_loop3A_240 = arith.constant 0 : i32
        %parallel_loop3A_241 = arith.cmpi sgt, %parallel_loop3A_231, %parallel_loop3A_240 : i32
        %parallel_loop3A_242 = arith.extui %parallel_loop3A_241 : i1 to i32
        %parallel_loop3A_243 = arith.constant 0 : i32
        %parallel_loop3A_244 = arith.cmpi slt, %parallel_loop3A_231, %parallel_loop3A_243 : i32
        %parallel_loop3A_245 = arith.extui %parallel_loop3A_244 : i1 to i32
        %parallel_loop3A_246 = arith.subi %parallel_loop3A_242, %parallel_loop3A_245 : i32
        %parallel_loop3A_247 = arith.cmpi ne, %parallel_loop3A_239, %parallel_loop3A_246 : i32
        %parallel_loop3A_248 = arith.remsi %parallel_loop3A_230, %parallel_loop3A_231 : i32
        %parallel_loop3A_249 = arith.constant 0 : i32
        %parallel_loop3A_250 = arith.cmpi ne, %parallel_loop3A_248, %parallel_loop3A_249 : i32
        %parallel_loop3A_251 = arith.andi %parallel_loop3A_247, %parallel_loop3A_250 : i1
        %parallel_loop3A_252 = arith.constant 1 : i32
        %parallel_loop3A_253 = arith.subi %parallel_loop3A_232, %parallel_loop3A_252 : i32
        %parallel_loop3A_254 = arith.select %parallel_loop3A_251, %parallel_loop3A_253, %parallel_loop3A_232 : i32
        %parallel_loop3A_255 = arith.constant 8 : i32
        %parallel_loop3A_256 = arith.remsi %parallel_loop3A_230, %parallel_loop3A_255 : i32
        %parallel_loop3A_257 = arith.constant 0 : i32
        %parallel_loop3A_258 = vector.broadcast %parallel_loop3A_257 : i32 to vector<16xi32>
        %parallel_loop3A_259 = vector.broadcast %parallel_loop3A_230 : i32 to vector<16xi32>
        %parallel_loop3A_260 = arith.addi %parallel_loop3A_258, %parallel_loop3A_259 : vector<16xi32>
        %parallel_loop3A_261 = arith.constant 0 : i32
        %parallel_loop3A_262 = vector.broadcast %parallel_loop3A_261 : i32 to vector<16xi32>
        %parallel_loop3A_263 = arith.addi %iota3A_174, %parallel_loop3A_262 : vector<16xi32>
        %parallel_loop3A_264 = arith.constant 0 : i32
        %parallel_loop3A_265 = arith.constant 0 : i32
        %parallel_loop3A_266 = tpu.memref_slice %arg6[%parallel_loop3A_178, %parallel_loop3A_264, %parallel_loop3A_265] : memref<2x128x32xf32, #tpu.memory_space<vmem>> -> memref<1x128x32xf32, #tpu.memory_space<vmem>>
        %parallel_loop3A_267 = tpu.memref_squeeze %parallel_loop3A_266 : memref<1x128x32xf32, #tpu.memory_space<vmem>> -> memref<128x32xf32, #tpu.memory_space<vmem>>
        %parallel_loop3A_268 = tpu.vector_load_idx %parallel_loop3A_267[%parallel_loop3A_263, %parallel_loop3A_260] : memref<128x32xf32, #tpu.memory_space<vmem>>[vector<16xi32>, vector<16xi32>], vector<16xf32>,
        %parallel_loop3A_269 = arith.constant 0 : i32
        %parallel_loop3A_270 = arith.constant 0 : i32
        %parallel_loop3A_271 = arith.constant 0 : i32
        %parallel_loop3A_272 = tpu.memref_slice %arg7[%parallel_loop3A_179, %parallel_loop3A_269, %parallel_loop3A_270, %parallel_loop3A_271] : memref<2x4x8x128xf32, #tpu.memory_space<vmem>> -> memref<1x4x8x128xf32, #tpu.memory_space<vmem>>
        %parallel_loop3A_273 = tpu.memref_squeeze %parallel_loop3A_272 : memref<1x4x8x128xf32, #tpu.memory_space<vmem>> -> memref<4x8x128xf32, #tpu.memory_space<vmem>>
        %parallel_loop3A_274 = arith.index_cast %parallel_loop3A_254 : i32 to index
        %parallel_loop3A_275 = arith.index_cast %parallel_loop3A_256 : i32 to index
        %parallel_loop3A_276 = arith.constant 0 : index
        %parallel_loop3A_277 = tpu.vector_load %parallel_loop3A_273[%parallel_loop3A_274, %parallel_loop3A_275, %parallel_loop3A_276] {strides = array<i32>} : memref<4x8x128xf32, #tpu.memory_space<vmem>>, vector<16xf32>,
        tpu.vector_store %parallel_loop3A_273[%parallel_loop3A_274, %parallel_loop3A_275, %parallel_loop3A_276], %parallel_loop3A_268 {strides = array<i32>} : memref<4x8x128xf32, #tpu.memory_space<vmem>>, vector<16xf32>,
        %parallel_loop3A_278 = arith.constant 16 : i32
        %parallel_loop3A_279 = vector.broadcast %parallel_loop3A_278 : i32 to vector<16xi32>
        %parallel_loop3A_280 = arith.addi %iota3A_174, %parallel_loop3A_279 : vector<16xi32>
        %parallel_loop3A_281 = arith.constant 0 : i32
        %parallel_loop3A_282 = arith.constant 0 : i32
        %parallel_loop3A_283 = tpu.memref_slice %arg6[%parallel_loop3A_178, %parallel_loop3A_281, %parallel_loop3A_282] : memref<2x128x32xf32, #tpu.memory_space<vmem>> -> memref<1x128x32xf32, #tpu.memory_space<vmem>>
        %parallel_loop3A_284 = tpu.memref_squeeze %parallel_loop3A_283 : memref<1x128x32xf32, #tpu.memory_space<vmem>> -> memref<128x32xf32, #tpu.memory_space<vmem>>
        %parallel_loop3A_285 = tpu.vector_load_idx %parallel_loop3A_284[%parallel_loop3A_280, %parallel_loop3A_260] : memref<128x32xf32, #tpu.memory_space<vmem>>[vector<16xi32>, vector<16xi32>], vector<16xf32>,
        %parallel_loop3A_286 = arith.constant 0 : i32
        %parallel_loop3A_287 = arith.constant 0 : i32
        %parallel_loop3A_288 = arith.constant 0 : i32
        %parallel_loop3A_289 = tpu.memref_slice %arg7[%parallel_loop3A_179, %parallel_loop3A_286, %parallel_loop3A_287, %parallel_loop3A_288] : memref<2x4x8x128xf32, #tpu.memory_space<vmem>> -> memref<1x4x8x128xf32, #tpu.memory_space<vmem>>
        %parallel_loop3A_290 = tpu.memref_squeeze %parallel_loop3A_289 : memref<1x4x8x128xf32, #tpu.memory_space<vmem>> -> memref<4x8x128xf32, #tpu.memory_space<vmem>>
        %parallel_loop3A_291 = arith.index_cast %parallel_loop3A_254 : i32 to index
        %parallel_loop3A_292 = arith.index_cast %parallel_loop3A_256 : i32 to index
        %parallel_loop3A_293 = arith.constant 16 : index
        %parallel_loop3A_294 = tpu.vector_load %parallel_loop3A_290[%parallel_loop3A_291, %parallel_loop3A_292, %parallel_loop3A_293] {strides = array<i32>} : memref<4x8x128xf32, #tpu.memory_space<vmem>>, vector<16xf32>,
        tpu.vector_store %parallel_loop3A_290[%parallel_loop3A_291, %parallel_loop3A_292, %parallel_loop3A_293], %parallel_loop3A_285 {strides = array<i32>} : memref<4x8x128xf32, #tpu.memory_space<vmem>>, vector<16xf32>,
        %parallel_loop3A_295 = arith.constant 32 : i32
        %parallel_loop3A_296 = vector.broadcast %parallel_loop3A_295 : i32 to vector<16xi32>
        %parallel_loop3A_297 = arith.addi %iota3A_174, %parallel_loop3A_296 : vector<16xi32>
        %parallel_loop3A_298 = arith.constant 0 : i32
        %parallel_loop3A_299 = arith.constant 0 : i32
        %parallel_loop3A_300 = tpu.memref_slice %arg6[%parallel_loop3A_178, %parallel_loop3A_298, %parallel_loop3A_299] : memref<2x128x32xf32, #tpu.memory_space<vmem>> -> memref<1x128x32xf32, #tpu.memory_space<vmem>>
        %parallel_loop3A_301 = tpu.memref_squeeze %parallel_loop3A_300 : memref<1x128x32xf32, #tpu.memory_space<vmem>> -> memref<128x32xf32, #tpu.memory_space<vmem>>
        %parallel_loop3A_302 = tpu.vector_load_idx %parallel_loop3A_301[%parallel_loop3A_297, %parallel_loop3A_260] : memref<128x32xf32, #tpu.memory_space<vmem>>[vector<16xi32>, vector<16xi32>], vector<16xf32>,
        %parallel_loop3A_303 = arith.constant 0 : i32
        %parallel_loop3A_304 = arith.constant 0 : i32
        %parallel_loop3A_305 = arith.constant 0 : i32
        %parallel_loop3A_306 = tpu.memref_slice %arg7[%parallel_loop3A_179, %parallel_loop3A_303, %parallel_loop3A_304, %parallel_loop3A_305] : memref<2x4x8x128xf32, #tpu.memory_space<vmem>> -> memref<1x4x8x128xf32, #tpu.memory_space<vmem>>
        %parallel_loop3A_307 = tpu.memref_squeeze %parallel_loop3A_306 : memref<1x4x8x128xf32, #tpu.memory_space<vmem>> -> memref<4x8x128xf32, #tpu.memory_space<vmem>>
        %parallel_loop3A_308 = arith.index_cast %parallel_loop3A_254 : i32 to index
        %parallel_loop3A_309 = arith.index_cast %parallel_loop3A_256 : i32 to index
        %parallel_loop3A_310 = arith.constant 32 : index
        %parallel_loop3A_311 = tpu.vector_load %parallel_loop3A_307[%parallel_loop3A_308, %parallel_loop3A_309, %parallel_loop3A_310] {strides = array<i32>} : memref<4x8x128xf32, #tpu.memory_space<vmem>>, vector<16xf32>,
        tpu.vector_store %parallel_loop3A_307[%parallel_loop3A_308, %parallel_loop3A_309, %parallel_loop3A_310], %parallel_loop3A_302 {strides = array<i32>} : memref<4x8x128xf32, #tpu.memory_space<vmem>>, vector<16xf32>,
        %parallel_loop3A_312 = arith.constant 48 : i32
        %parallel_loop3A_313 = vector.broadcast %parallel_loop3A_312 : i32 to vector<16xi32>
        %parallel_loop3A_314 = arith.addi %iota3A_174, %parallel_loop3A_313 : vector<16xi32>
        %parallel_loop3A_315 = arith.constant 0 : i32
        %parallel_loop3A_316 = arith.constant 0 : i32
        %parallel_loop3A_317 = tpu.memref_slice %arg6[%parallel_loop3A_178, %parallel_loop3A_315, %parallel_loop3A_316] : memref<2x128x32xf32, #tpu.memory_space<vmem>> -> memref<1x128x32xf32, #tpu.memory_space<vmem>>
        %parallel_loop3A_318 = tpu.memref_squeeze %parallel_loop3A_317 : memref<1x128x32xf32, #tpu.memory_space<vmem>> -> memref<128x32xf32, #tpu.memory_space<vmem>>
        %parallel_loop3A_319 = tpu.vector_load_idx %parallel_loop3A_318[%parallel_loop3A_314, %parallel_loop3A_260] : memref<128x32xf32, #tpu.memory_space<vmem>>[vector<16xi32>, vector<16xi32>], vector<16xf32>,
        %parallel_loop3A_320 = arith.constant 0 : i32
        %parallel_loop3A_321 = arith.constant 0 : i32
        %parallel_loop3A_322 = arith.constant 0 : i32
        %parallel_loop3A_323 = tpu.memref_slice %arg7[%parallel_loop3A_179, %parallel_loop3A_320, %parallel_loop3A_321, %parallel_loop3A_322] : memref<2x4x8x128xf32, #tpu.memory_space<vmem>> -> memref<1x4x8x128xf32, #tpu.memory_space<vmem>>
        %parallel_loop3A_324 = tpu.memref_squeeze %parallel_loop3A_323 : memref<1x4x8x128xf32, #tpu.memory_space<vmem>> -> memref<4x8x128xf32, #tpu.memory_space<vmem>>
        %parallel_loop3A_325 = arith.index_cast %parallel_loop3A_254 : i32 to index
        %parallel_loop3A_326 = arith.index_cast %parallel_loop3A_256 : i32 to index
        %parallel_loop3A_327 = arith.constant 48 : index
        %parallel_loop3A_328 = tpu.vector_load %parallel_loop3A_324[%parallel_loop3A_325, %parallel_loop3A_326, %parallel_loop3A_327] {strides = array<i32>} : memref<4x8x128xf32, #tpu.memory_space<vmem>>, vector<16xf32>,
        tpu.vector_store %parallel_loop3A_324[%parallel_loop3A_325, %parallel_loop3A_326, %parallel_loop3A_327], %parallel_loop3A_319 {strides = array<i32>} : memref<4x8x128xf32, #tpu.memory_space<vmem>>, vector<16xf32>,
        %parallel_loop3A_329 = arith.constant 64 : i32
        %parallel_loop3A_330 = vector.broadcast %parallel_loop3A_329 : i32 to vector<16xi32>
        %parallel_loop3A_331 = arith.addi %iota3A_174, %parallel_loop3A_330 : vector<16xi32>
        %parallel_loop3A_332 = arith.constant 0 : i32
        %parallel_loop3A_333 = arith.constant 0 : i32
        %parallel_loop3A_334 = tpu.memref_slice %arg6[%parallel_loop3A_178, %parallel_loop3A_332, %parallel_loop3A_333] : memref<2x128x32xf32, #tpu.memory_space<vmem>> -> memref<1x128x32xf32, #tpu.memory_space<vmem>>
        %parallel_loop3A_335 = tpu.memref_squeeze %parallel_loop3A_334 : memref<1x128x32xf32, #tpu.memory_space<vmem>> -> memref<128x32xf32, #tpu.memory_space<vmem>>
        %parallel_loop3A_336 = tpu.vector_load_idx %parallel_loop3A_335[%parallel_loop3A_331, %parallel_loop3A_260] : memref<128x32xf32, #tpu.memory_space<vmem>>[vector<16xi32>, vector<16xi32>], vector<16xf32>,
        %parallel_loop3A_337 = arith.constant 0 : i32
        %parallel_loop3A_338 = arith.constant 0 : i32
        %parallel_loop3A_339 = arith.constant 0 : i32
        %parallel_loop3A_340 = tpu.memref_slice %arg7[%parallel_loop3A_179, %parallel_loop3A_337, %parallel_loop3A_338, %parallel_loop3A_339] : memref<2x4x8x128xf32, #tpu.memory_space<vmem>> -> memref<1x4x8x128xf32, #tpu.memory_space<vmem>>
        %parallel_loop3A_341 = tpu.memref_squeeze %parallel_loop3A_340 : memref<1x4x8x128xf32, #tpu.memory_space<vmem>> -> memref<4x8x128xf32, #tpu.memory_space<vmem>>
        %parallel_loop3A_342 = arith.index_cast %parallel_loop3A_254 : i32 to index
        %parallel_loop3A_343 = arith.index_cast %parallel_loop3A_256 : i32 to index
        %parallel_loop3A_344 = arith.constant 64 : index
        %parallel_loop3A_345 = tpu.vector_load %parallel_loop3A_341[%parallel_loop3A_342, %parallel_loop3A_343, %parallel_loop3A_344] {strides = array<i32>} : memref<4x8x128xf32, #tpu.memory_space<vmem>>, vector<16xf32>,
        tpu.vector_store %parallel_loop3A_341[%parallel_loop3A_342, %parallel_loop3A_343, %parallel_loop3A_344], %parallel_loop3A_336 {strides = array<i32>} : memref<4x8x128xf32, #tpu.memory_space<vmem>>, vector<16xf32>,
        %parallel_loop3A_346 = arith.constant 80 : i32
        %parallel_loop3A_347 = vector.broadcast %parallel_loop3A_346 : i32 to vector<16xi32>
        %parallel_loop3A_348 = arith.addi %iota3A_174, %parallel_loop3A_347 : vector<16xi32>
        %parallel_loop3A_349 = arith.constant 0 : i32
        %parallel_loop3A_350 = arith.constant 0 : i32
        %parallel_loop3A_351 = tpu.memref_slice %arg6[%parallel_loop3A_178, %parallel_loop3A_349, %parallel_loop3A_350] : memref<2x128x32xf32, #tpu.memory_space<vmem>> -> memref<1x128x32xf32, #tpu.memory_space<vmem>>
        %parallel_loop3A_352 = tpu.memref_squeeze %parallel_loop3A_351 : memref<1x128x32xf32, #tpu.memory_space<vmem>> -> memref<128x32xf32, #tpu.memory_space<vmem>>
        %parallel_loop3A_353 = tpu.vector_load_idx %parallel_loop3A_352[%parallel_loop3A_348, %parallel_loop3A_260] : memref<128x32xf32, #tpu.memory_space<vmem>>[vector<16xi32>, vector<16xi32>], vector<16xf32>,
        %parallel_loop3A_354 = arith.constant 0 : i32
        %parallel_loop3A_355 = arith.constant 0 : i32
        %parallel_loop3A_356 = arith.constant 0 : i32
        %parallel_loop3A_357 = tpu.memref_slice %arg7[%parallel_loop3A_179, %parallel_loop3A_354, %parallel_loop3A_355, %parallel_loop3A_356] : memref<2x4x8x128xf32, #tpu.memory_space<vmem>> -> memref<1x4x8x128xf32, #tpu.memory_space<vmem>>
        %parallel_loop3A_358 = tpu.memref_squeeze %parallel_loop3A_357 : memref<1x4x8x128xf32, #tpu.memory_space<vmem>> -> memref<4x8x128xf32, #tpu.memory_space<vmem>>
        %parallel_loop3A_359 = arith.index_cast %parallel_loop3A_254 : i32 to index
        %parallel_loop3A_360 = arith.index_cast %parallel_loop3A_256 : i32 to index
        %parallel_loop3A_361 = arith.constant 80 : index
        %parallel_loop3A_362 = tpu.vector_load %parallel_loop3A_358[%parallel_loop3A_359, %parallel_loop3A_360, %parallel_loop3A_361] {strides = array<i32>} : memref<4x8x128xf32, #tpu.memory_space<vmem>>, vector<16xf32>,
        tpu.vector_store %parallel_loop3A_358[%parallel_loop3A_359, %parallel_loop3A_360, %parallel_loop3A_361], %parallel_loop3A_353 {strides = array<i32>} : memref<4x8x128xf32, #tpu.memory_space<vmem>>, vector<16xf32>,
        %parallel_loop3A_363 = arith.constant 96 : i32
        %parallel_loop3A_364 = vector.broadcast %parallel_loop3A_363 : i32 to vector<16xi32>
        %parallel_loop3A_365 = arith.addi %iota3A_174, %parallel_loop3A_364 : vector<16xi32>
        %parallel_loop3A_366 = arith.constant 0 : i32
        %parallel_loop3A_367 = arith.constant 0 : i32
        %parallel_loop3A_368 = tpu.memref_slice %arg6[%parallel_loop3A_178, %parallel_loop3A_366, %parallel_loop3A_367] : memref<2x128x32xf32, #tpu.memory_space<vmem>> -> memref<1x128x32xf32, #tpu.memory_space<vmem>>
        %parallel_loop3A_369 = tpu.memref_squeeze %parallel_loop3A_368 : memref<1x128x32xf32, #tpu.memory_space<vmem>> -> memref<128x32xf32, #tpu.memory_space<vmem>>
        %parallel_loop3A_370 = tpu.vector_load_idx %parallel_loop3A_369[%parallel_loop3A_365, %parallel_loop3A_260] : memref<128x32xf32, #tpu.memory_space<vmem>>[vector<16xi32>, vector<16xi32>], vector<16xf32>,
        %parallel_loop3A_371 = arith.constant 0 : i32
        %parallel_loop3A_372 = arith.constant 0 : i32
        %parallel_loop3A_373 = arith.constant 0 : i32
        %parallel_loop3A_374 = tpu.memref_slice %arg7[%parallel_loop3A_179, %parallel_loop3A_371, %parallel_loop3A_372, %parallel_loop3A_373] : memref<2x4x8x128xf32, #tpu.memory_space<vmem>> -> memref<1x4x8x128xf32, #tpu.memory_space<vmem>>
        %parallel_loop3A_375 = tpu.memref_squeeze %parallel_loop3A_374 : memref<1x4x8x128xf32, #tpu.memory_space<vmem>> -> memref<4x8x128xf32, #tpu.memory_space<vmem>>
        %parallel_loop3A_376 = arith.index_cast %parallel_loop3A_254 : i32 to index
        %parallel_loop3A_377 = arith.index_cast %parallel_loop3A_256 : i32 to index
        %parallel_loop3A_378 = arith.constant 96 : index
        %parallel_loop3A_379 = tpu.vector_load %parallel_loop3A_375[%parallel_loop3A_376, %parallel_loop3A_377, %parallel_loop3A_378] {strides = array<i32>} : memref<4x8x128xf32, #tpu.memory_space<vmem>>, vector<16xf32>,
        tpu.vector_store %parallel_loop3A_375[%parallel_loop3A_376, %parallel_loop3A_377, %parallel_loop3A_378], %parallel_loop3A_370 {strides = array<i32>} : memref<4x8x128xf32, #tpu.memory_space<vmem>>, vector<16xf32>,
        %parallel_loop3A_380 = arith.constant 112 : i32
        %parallel_loop3A_381 = vector.broadcast %parallel_loop3A_380 : i32 to vector<16xi32>
        %parallel_loop3A_382 = arith.addi %iota3A_174, %parallel_loop3A_381 : vector<16xi32>
        %parallel_loop3A_383 = arith.constant 0 : i32
        %parallel_loop3A_384 = arith.constant 0 : i32
        %parallel_loop3A_385 = tpu.memref_slice %arg6[%parallel_loop3A_178, %parallel_loop3A_383, %parallel_loop3A_384] : memref<2x128x32xf32, #tpu.memory_space<vmem>> -> memref<1x128x32xf32, #tpu.memory_space<vmem>>
        %parallel_loop3A_386 = tpu.memref_squeeze %parallel_loop3A_385 : memref<1x128x32xf32, #tpu.memory_space<vmem>> -> memref<128x32xf32, #tpu.memory_space<vmem>>
        %parallel_loop3A_387 = tpu.vector_load_idx %parallel_loop3A_386[%parallel_loop3A_382, %parallel_loop3A_260] : memref<128x32xf32, #tpu.memory_space<vmem>>[vector<16xi32>, vector<16xi32>], vector<16xf32>,
        %parallel_loop3A_388 = arith.constant 0 : i32
        %parallel_loop3A_389 = arith.constant 0 : i32
        %parallel_loop3A_390 = arith.constant 0 : i32
        %parallel_loop3A_391 = tpu.memref_slice %arg7[%parallel_loop3A_179, %parallel_loop3A_388, %parallel_loop3A_389, %parallel_loop3A_390] : memref<2x4x8x128xf32, #tpu.memory_space<vmem>> -> memref<1x4x8x128xf32, #tpu.memory_space<vmem>>
        %parallel_loop3A_392 = tpu.memref_squeeze %parallel_loop3A_391 : memref<1x4x8x128xf32, #tpu.memory_space<vmem>> -> memref<4x8x128xf32, #tpu.memory_space<vmem>>
        %parallel_loop3A_393 = arith.index_cast %parallel_loop3A_254 : i32 to index
        %parallel_loop3A_394 = arith.index_cast %parallel_loop3A_256 : i32 to index
        %parallel_loop3A_395 = arith.constant 112 : index
        %parallel_loop3A_396 = tpu.vector_load %parallel_loop3A_392[%parallel_loop3A_393, %parallel_loop3A_394, %parallel_loop3A_395] {strides = array<i32>} : memref<4x8x128xf32, #tpu.memory_space<vmem>>, vector<16xf32>,
        tpu.vector_store %parallel_loop3A_392[%parallel_loop3A_393, %parallel_loop3A_394, %parallel_loop3A_395], %parallel_loop3A_387 {strides = array<i32>} : memref<4x8x128xf32, #tpu.memory_space<vmem>>, vector<16xf32>,
      } {sc.loop_unroll_factor = 4 : i64, sc.parallel_access}
      %jit3A_180 = arith.constant 4 : i32
      %div3A_181 = arith.divsi %add3A_146, %jit3A_180 : i32
      %sign3A_182 = arith.constant 0 : i32
      %sign3A_183 = arith.cmpi sgt, %add3A_146, %sign3A_182 : i32
      %sign3A_184 = arith.extui %sign3A_183 : i1 to i32
      %sign3A_185 = arith.constant 0 : i32
      %sign3A_186 = arith.cmpi slt, %add3A_146, %sign3A_185 : i32
      %sign3A_187 = arith.extui %sign3A_186 : i1 to i32
      %sign3A_188 = arith.subi %sign3A_184, %sign3A_187 : i32
      %sign3A_189 = arith.constant 0 : i32
      %sign3A_190 = arith.cmpi sgt, %jit3A_180, %sign3A_189 : i32
      %sign3A_191 = arith.extui %sign3A_190 : i1 to i32
      %sign3A_192 = arith.constant 0 : i32
      %sign3A_193 = arith.cmpi slt, %jit3A_180, %sign3A_192 : i32
      %sign3A_194 = arith.extui %sign3A_193 : i1 to i32
      %sign3A_195 = arith.subi %sign3A_191, %sign3A_194 : i32
      %ne3A_196 = arith.cmpi ne, %sign3A_188, %sign3A_195 : i32
      %rem3A_197 = arith.remsi %add3A_146, %jit3A_180 : i32
      %ne3A_198 = arith.constant 0 : i32
      %ne3A_199 = arith.cmpi ne, %rem3A_197, %ne3A_198 : i32
      %and3A_200 = arith.andi %ne3A_196, %ne3A_199 : i1
      %sub3A_201 = arith.constant 1 : i32
      %sub3A_202 = arith.subi %div3A_181, %sub3A_201 : i32
      %select_n3A_203 = arith.select %and3A_200, %sub3A_202, %div3A_181 : i32
      %mul3A_204 = arith.constant 4 : i32
      %mul3A_205 = arith.muli %mul3A_204, %add3A : i32
      %rem3A_206 = arith.constant 4 : i32
      %rem3A_207 = arith.remsi %add3A_146, %rem3A_206 : i32
      %add3A_208 = arith.addi %mul3A_205, %rem3A_207 : i32
      %dma_start3A_209 = arith.constant 1 : i32
      %dma_start3A_210 = arith.constant 0 : i32
      %dma_start3A_211 = arith.constant 0 : i32
      %dma_start3A_212 = arith.constant 0 : i32
      %dma_start3A_213 = tpu.memref_slice %arg7[%dma_start3A_209, %dma_start3A_210, %dma_start3A_211, %dma_start3A_212] : memref<2x4x8x128xf32, #tpu.memory_space<vmem>> -> memref<1x4x8x128xf32, #tpu.memory_space<vmem>>
      %dma_start3A_214 = tpu.memref_squeeze %dma_start3A_213 : memref<1x4x8x128xf32, #tpu.memory_space<vmem>> -> memref<4x8x128xf32, #tpu.memory_space<vmem>>
      %dma_start3A_215 = arith.constant 0 : i32
      %dma_start3A_216 = arith.constant 0 : i32
      %dma_start3A_217 = arith.constant 0 : i32
      %dma_start3A_218 = tpu.memref_slice %arg4[%select_n3A_203, %dma_start3A_215, %add3A_208, %dma_start3A_216, %dma_start3A_217] : memref<26x4x128x8x128xf32, #tpu.memory_space<hbm>> -> memref<1x4x1x8x128xf32, #tpu.memory_space<hbm>>
      %dma_start3A_219 = tpu.memref_squeeze %dma_start3A_218 : memref<1x4x1x8x128xf32, #tpu.memory_space<hbm>> -> memref<4x8x128xf32, #tpu.memory_space<hbm>>
      %dma_start3A_220 = arith.constant 0 : i32
      %dma_start3A_221 = arith.constant 0 : i32
      %dma_start3A_222 = arith.constant 0 : i32
      %dma_start3A_223 = tpu.memref_slice %arg4[%select_n3A_203, %dma_start3A_220, %add3A_208, %dma_start3A_221, %dma_start3A_222] : memref<26x4x128x8x128xf32, #tpu.memory_space<hbm>> -> memref<1x4x1x8x128xf32, #tpu.memory_space<hbm>>
      %dma_start3A_224 = tpu.memref_squeeze %dma_start3A_223 : memref<1x4x1x8x128xf32, #tpu.memory_space<hbm>> -> memref<4x8x128xf32, #tpu.memory_space<hbm>>
      %dma_start3A_225 = arith.constant 0 : i32
      %dma_start3A_226 = arith.constant 0 : i32
      %dma_start3A_227 = arith.constant 0 : i32
      %dma_start3A_228 = tpu.memref_slice %arg7[%dma_start3A_209, %dma_start3A_225, %dma_start3A_226, %dma_start3A_227] : memref<2x4x8x128xf32, #tpu.memory_space<vmem>> -> memref<1x4x8x128xf32, #tpu.memory_space<vmem>>
      %dma_start3A_229 = tpu.memref_squeeze %dma_start3A_228 : memref<1x4x8x128xf32, #tpu.memory_space<vmem>> -> memref<4x8x128xf32, #tpu.memory_space<vmem>>
      tpu.enqueue_dma source(%dma_start3A_229 : memref<4x8x128xf32, #tpu.memory_space<vmem>>) target(%dma_start3A_224 : memref<4x8x128xf32, #tpu.memory_space<hbm>>) target_semaphore(%arg11 : memref<!tpu.dma_semaphore, #tpu.memory_space<semaphore_mem>>)
    }
    %scan3A_22 = arith.constant 52 : i32
    %dma_wait3A = arith.constant 0 : i32
    %dma_wait3A_23 = arith.constant 0 : i32
    %dma_wait3A_24 = arith.constant 0 : i32
    %dma_wait3A_25 = arith.constant 0 : i32
    %dma_wait3A_26 = arith.constant 0 : i32
    %dma_wait3A_27 = arith.constant 0 : i32
    %dma_wait3A_28 = tpu.memref_slice %arg7[%dma_wait3A, %dma_wait3A_25, %dma_wait3A_26, %dma_wait3A_27] : memref<2x4x8x128xf32, #tpu.memory_space<vmem>> -> memref<1x4x8x128xf32, #tpu.memory_space<vmem>>
    %dma_wait3A_29 = tpu.memref_squeeze %dma_wait3A_28 : memref<1x4x8x128xf32, #tpu.memory_space<vmem>> -> memref<4x8x128xf32, #tpu.memory_space<vmem>>
    %dma_wait3A_30 = arith.constant 0 : i32
    %dma_wait3A_31 = arith.constant 0 : i32
    %dma_wait3A_32 = arith.constant 0 : i32
    %dma_wait3A_33 = tpu.memref_slice %arg4[%dma_wait3A_23, %dma_wait3A_30, %dma_wait3A_24, %dma_wait3A_31, %dma_wait3A_32] : memref<26x4x128x8x128xf32, #tpu.memory_space<hbm>> -> memref<1x4x1x8x128xf32, #tpu.memory_space<hbm>>
    %dma_wait3A_34 = tpu.memref_squeeze %dma_wait3A_33 : memref<1x4x1x8x128xf32, #tpu.memory_space<hbm>> -> memref<4x8x128xf32, #tpu.memory_space<hbm>>
    %dma_wait3A_35 = arith.constant 0 : i32
    %dma_wait3A_36 = arith.constant 0 : i32
    %dma_wait3A_37 = arith.constant 0 : i32
    %dma_wait3A_38 = tpu.memref_slice %arg4[%dma_wait3A_23, %dma_wait3A_35, %dma_wait3A_24, %dma_wait3A_36, %dma_wait3A_37] : memref<26x4x128x8x128xf32, #tpu.memory_space<hbm>> -> memref<1x4x1x8x128xf32, #tpu.memory_space<hbm>>
    %dma_wait3A_39 = tpu.memref_squeeze %dma_wait3A_38 : memref<1x4x1x8x128xf32, #tpu.memory_space<hbm>> -> memref<4x8x128xf32, #tpu.memory_space<hbm>>
    %dma_wait3A_40 = arith.constant 0 : i32
    %dma_wait3A_41 = arith.constant 0 : i32
    %dma_wait3A_42 = arith.constant 0 : i32
    %dma_wait3A_43 = tpu.memref_slice %arg7[%dma_wait3A, %dma_wait3A_40, %dma_wait3A_41, %dma_wait3A_42] : memref<2x4x8x128xf32, #tpu.memory_space<vmem>> -> memref<1x4x8x128xf32, #tpu.memory_space<vmem>>
    %dma_wait3A_44 = tpu.memref_squeeze %dma_wait3A_43 : memref<1x4x8x128xf32, #tpu.memory_space<vmem>> -> memref<4x8x128xf32, #tpu.memory_space<vmem>>
    tpu.wait_dma2 semaphore(%arg10 : memref<!tpu.dma_semaphore, #tpu.memory_space<semaphore_mem>>) src(%dma_wait3A_44 : memref<4x8x128xf32, #tpu.memory_space<vmem>>) dst(%dma_wait3A_39 : memref<4x8x128xf32, #tpu.memory_space<hbm>>)
    %dma_wait3A_45 = arith.constant 1 : i32
    %dma_wait3A_46 = arith.constant 0 : i32
    %dma_wait3A_47 = arith.constant 0 : i32
    %dma_wait3A_48 = arith.constant 0 : i32
    %dma_wait3A_49 = arith.constant 0 : i32
    %dma_wait3A_50 = arith.constant 0 : i32
    %dma_wait3A_51 = tpu.memref_slice %arg7[%dma_wait3A_45, %dma_wait3A_48, %dma_wait3A_49, %dma_wait3A_50] : memref<2x4x8x128xf32, #tpu.memory_space<vmem>> -> memref<1x4x8x128xf32, #tpu.memory_space<vmem>>
    %dma_wait3A_52 = tpu.memref_squeeze %dma_wait3A_51 : memref<1x4x8x128xf32, #tpu.memory_space<vmem>> -> memref<4x8x128xf32, #tpu.memory_space<vmem>>
    %dma_wait3A_53 = arith.constant 0 : i32
    %dma_wait3A_54 = arith.constant 0 : i32
    %dma_wait3A_55 = arith.constant 0 : i32
    %dma_wait3A_56 = tpu.memref_slice %arg4[%dma_wait3A_46, %dma_wait3A_53, %dma_wait3A_47, %dma_wait3A_54, %dma_wait3A_55] : memref<26x4x128x8x128xf32, #tpu.memory_space<hbm>> -> memref<1x4x1x8x128xf32, #tpu.memory_space<hbm>>
    %dma_wait3A_57 = tpu.memref_squeeze %dma_wait3A_56 : memref<1x4x1x8x128xf32, #tpu.memory_space<hbm>> -> memref<4x8x128xf32, #tpu.memory_space<hbm>>
    %dma_wait3A_58 = arith.constant 0 : i32
    %dma_wait3A_59 = arith.constant 0 : i32
    %dma_wait3A_60 = arith.constant 0 : i32
    %dma_wait3A_61 = tpu.memref_slice %arg4[%dma_wait3A_46, %dma_wait3A_58, %dma_wait3A_47, %dma_wait3A_59, %dma_wait3A_60] : memref<26x4x128x8x128xf32, #tpu.memory_space<hbm>> -> memref<1x4x1x8x128xf32, #tpu.memory_space<hbm>>
    %dma_wait3A_62 = tpu.memref_squeeze %dma_wait3A_61 : memref<1x4x1x8x128xf32, #tpu.memory_space<hbm>> -> memref<4x8x128xf32, #tpu.memory_space<hbm>>
    %dma_wait3A_63 = arith.constant 0 : i32
    %dma_wait3A_64 = arith.constant 0 : i32
    %dma_wait3A_65 = arith.constant 0 : i32
    %dma_wait3A_66 = tpu.memref_slice %arg7[%dma_wait3A_45, %dma_wait3A_63, %dma_wait3A_64, %dma_wait3A_65] : memref<2x4x8x128xf32, #tpu.memory_space<vmem>> -> memref<1x4x8x128xf32, #tpu.memory_space<vmem>>
    %dma_wait3A_67 = tpu.memref_squeeze %dma_wait3A_66 : memref<1x4x8x128xf32, #tpu.memory_space<vmem>> -> memref<4x8x128xf32, #tpu.memory_space<vmem>>
    tpu.wait_dma2 semaphore(%arg11 : memref<!tpu.dma_semaphore, #tpu.memory_space<semaphore_mem>>) src(%dma_wait3A_67 : memref<4x8x128xf32, #tpu.memory_space<vmem>>) dst(%dma_wait3A_62 : memref<4x8x128xf32, #tpu.memory_space<hbm>>)
    return
  }
}

</mosaic_0001>

<sc_bundles>
// kernel: kernel.4.cloned.1.call-start
scs
__scs_entry_jumppad:
0x0: {  	(pc) =	sbr.rel $0x88, $3  }
0x1: {  	(tag) =	ssettag $0x0;
	lr =	simm.s32 $0x1  }
0x2: {  	[smem:$0x3F9F] =	sst lr;
	_ =	strace $0xD0000000  }
0x3: {  	_ = 	snop  }
0x4: {  	_ = 	snop  }
0x5: {  	_ = 	snop  }
0x6: {  	_ = 	snop  }
0x7: {  	_ = 	snop  }
__scs_overlays_trampoline_lowered:
0x8: {  	[smem:$0x3FAE] =	sst s0  }
0x9: {  	[smem:$0x3FAF] =	sst s1  }
0xa: {  	[smem:$0x3FB0] =	sst s2  }
0xb: {  	[smem:$0x3FB1] =	sst s3  }
0xc: {  	[smem:$0x3FB2] =	sst s4  }
0xd: {  	[smem:$0x3FB3] =	sst s5  }
0xe: {  	[smem:$0x3FB4] =	sst s6  }
0xf: {  	[smem:$0x3FB5] =	sst s7  }
0x10: {  	[smem:$0x3FB6] =	sst s8  }
0x11: {  	[smem:$0x3FB7] =	sst s9;
	s0 =	simm.s32 @!p0 $0x0  }
0x12: {  	s1 =	sld [smem:$0x3F9D];
	s0 =	simm.s32 @p0 $0x1  }
0x13: {  	[smem:$0x3FB8] =	sst s0;
	s0 =	simm.s32 @!p1 $0x0  }
0x14: {  	s2 =	sld [smem:$0x3F9C];
	s0 =	simm.s32 @p1 $0x1  }
0x15: {  	[smem:$0x3FB9] =	sst s0;
	s0 =	simm.s32 @!p2 $0x0  }
0x16: {  	s3 =	sld [smem:$0x3FDB];
	s0 =	simm.s32 @p2 $0x1  }
0x17: {  	s4 =	simm.s32 $0x1BF5;
	[smem:$0x3FBB] =	sst s0  }
0x18: {  	s0 =	sld [smem:$0x3F9E];
	_ =	swait.ge [sflag:s4], $0x0  }
0x19: {  	s7 =	sld [smem:$0x3F9F]  }
0x1a: {  	s8 =	sadd.s32 $0xFFFFE003, lr  }
0x1b: {  	s9 =	sadd.s32 $0xFFFFFEF7, lr;
	s5 =	simm.s32 $0xFFFFFFFF;
	p2 =	slt.u32 s8, $0xFFFFF086  }
0x1c: {  	p1 =	slt.u32 s9, $0xF7A;
	s5 =	simm.s32 @!p2 $0x0  }
0x1d: {  	s5 =	simm.s32 @p1 $0x1;
	p0 =	seq.s32 s7, s2  }
0x1e: {  	s7 =	smul.u32 @!p0 $0xF7A, s2;
	p2 =	seq.s32 @!p0 s5, $0x0  }
0x1f: {  	s9 =	smul.u32 $0xF7A, s1;
	s8 =	simm.s32 @!p0 $0x1BF5;
	p2 =	por !p2, p0  }
0x20: {  	[sflag:s8] =	ssyncset.s32 @!p0 $0xFFFFF086;
	s6 =	sadd.s32 @!p0 s3, s7;
	s7 =	simm.s32 @!p0 $0x108  }
0x21: {  	s3 =	sadd.s32 s3, s9;
	s6 =	sadd.s32 @!p0 $0x88, s6;
	s7 =	simm.s32 @p2 $0x1082  }
0x22: {  	[simem:s7], [sflag:s8] =	dma.local @!p0 [hbm:s6], $0xF7A  }
0x23: {  	s9 =	sor.u32 $0xD0000000, s2;
	s6 =	simm.s32 $0x108;
	_ =	swait.ge @!p0 [sflag:s8], $0x0  }
0x24: {  	s3 =	sadd.s32 $0x88, s3;
	s6 =	simm.s32 @!p1 $0x1082;
	[sflag:s4] =	ssyncset.s32 $0xFFFFF086  }
0x25: {  	[simem:s6], [sflag:s4] =	dma.local [hbm:s3], $0xF7A  }
0x26: {  	[smem:$0x3F9F] =	sst s1;
	(tag) =	ssettag s2;
	_ =	strace s9  }
0x27: {  	s1 =	sld [smem:$0x3FAF]  }
0x28: {  	s2 =	sld [smem:$0x3FB0]  }
0x29: {  	s4 =	sld [smem:$0x3FB2]  }
0x2a: {  	p0 =	seq.s32 s5, $0x0;
	s5 =	sld [smem:$0x3FB3]  }
0x2b: {  	s6 =	sld [smem:$0x3FB4]  }
0x2c: {  	s7 =	sld [smem:$0x3FB5]  }
0x2d: {  	s3 =	simm.s32 $0x108;
	s8 =	sld [smem:$0x3FB6]  }
0x2e: {  	s3 =	simm.s32 @!p0 $0x1082;
	s9 =	sld [smem:$0x3FB7]  }
0x2f: {  	lr =	sadd.s32 s0, s3;
	s0 =	sld [smem:$0x3FAE]  }
0x30: {  	s3 =	sld [smem:$0x3FB1]  }
0x31: {  	[smem:$0x3FBA] =	sst s10  }
0x32: {  	s10 =	sld [smem:$0x3FB8];
	_ =	sdelay $0x3  }
0x33: {  	p0 =	seq.s32 s10, $0x1;
	s10 =	sld [smem:$0x3FBA];
	_ =	sdelay $0x3  }
0x34: {  	[smem:$0x3FBA] =	sst s10  }
0x35: {  	s10 =	sld [smem:$0x3FB9];
	_ =	sdelay $0x3  }
0x36: {  	p1 =	seq.s32 s10, $0x1;
	s10 =	sld [smem:$0x3FBA];
	_ =	sdelay $0x3  }
0x37: {  	[smem:$0x3FBA] =	sst s10  }
0x38: {  	s10 =	sld [smem:$0x3FBB]  }
0x39: {  	_ = 	snop;
	(pc) =	sbr.ind lr, $3  }
0x3a: {  	_ = 	snop  }
0x3b: {  	_ = 	snop  }
0x3c: {  	p2 =	seq.s32 s10, $0x1;
	s10 =	sld [smem:$0x3FBA]  }
0x3d: {  	_ =	shalt  }
0x3e: {  	_ =	shalt  }
0x3f: {  	_ =	shalt  }
0x40: {  	_ =	shalt  }
0x41: {  	_ =	shalt  }
0x42: {  	_ =	shalt  }
0x43: {  	_ =	shalt  }
0x44: {  	_ =	shalt  }
0x45: {  	_ =	shalt  }
0x46: {  	_ =	shalt  }
0x47: {  	_ =	shalt  }
0x48: {  	_ =	shalt  }
0x49: {  	_ =	shalt  }
0x4a: {  	_ =	shalt  }
0x4b: {  	_ =	shalt  }
0x4c: {  	_ =	shalt  }
0x4d: {  	_ =	shalt  }
0x4e: {  	_ =	shalt  }
0x4f: {  	_ =	shalt  }
0x50: {  	_ =	shalt  }
0x51: {  	_ =	shalt  }
0x52: {  	_ =	shalt  }
0x53: {  	_ =	shalt  }
0x54: {  	_ =	shalt  }
0x55: {  	_ =	shalt  }
0x56: {  	_ =	shalt  }
0x57: {  	_ =	shalt  }
0x58: {  	_ =	shalt  }
0x59: {  	_ =	shalt  }
0x5a: {  	_ =	shalt  }
0x5b: {  	_ =	shalt  }
0x5c: {  	_ =	shalt  }
0x5d: {  	_ =	shalt  }
0x5e: {  	_ =	shalt  }
0x5f: {  	_ =	shalt  }
0x60: {  	_ =	shalt  }
0x61: {  	_ =	shalt  }
0x62: {  	_ =	shalt  }
0x63: {  	_ =	shalt  }
0x64: {  	_ =	shalt  }
0x65: {  	_ =	shalt  }
0x66: {  	_ =	shalt  }
0x67: {  	_ =	shalt  }
0x68: {  	_ =	shalt  }
0x69: {  	_ =	shalt  }
0x6a: {  	_ =	shalt  }
0x6b: {  	_ =	shalt  }
0x6c: {  	_ =	shalt  }
0x6d: {  	_ =	shalt  }
0x6e: {  	_ =	shalt  }
0x6f: {  	_ =	shalt  }
0x70: {  	_ =	shalt  }
0x71: {  	_ =	shalt  }
0x72: {  	_ =	shalt  }
0x73: {  	_ =	shalt  }
0x74: {  	_ =	shalt  }
0x75: {  	_ =	shalt  }
0x76: {  	_ =	shalt  }
0x77: {  	_ =	shalt  }
0x78: {  	_ =	shalt  }
0x79: {  	_ =	shalt  }
0x7a: {  	_ =	shalt  }
0x7b: {  	_ =	shalt  }
0x7c: {  	_ =	shalt  }
0x7d: {  	_ =	shalt  }
0x7e: {  	_ =	shalt  }
0x7f: {  	_ =	shalt  }
0x80: {  	_ =	shalt  }
0x81: {  	_ =	shalt  }
0x82: {  	_ =	shalt  }
0x83: {  	_ =	shalt  }
0x84: {  	_ =	shalt  }
0x85: {  	_ =	shalt  }
0x86: {  	_ =	shalt  }
0x87: {  	_ =	shalt  }
.Lfunc_end0:
.L_simem_size_0:
called_computation_lowered:
.L_overlay_start_0:
0x88: {  	s2 =	sld [smem:$0x3FD9]  }
0x89: {  	s3 =	sld [smem:$0x3FFE];
	_ =	sdelay $0x1  }
0x8a: {  	s1 =	srdreg.scid  }
0x8b: {  	s0 =	sand.u32 $0x1, s1  }
0x8c: {  	s17 =	sshll.u32 s0, $0xA;
	s2 =	sadd.s32 s3, s2  }
0x8d: {  	s2 =	sadd.s32 s2, s17  }
0x8e: {  	[smem:$0x3FC6] =	sst s2  }
0x8f: {  	_ = 	snop  }
0x90: {  	s2 =	sld [smem:$0x3FC8]  }
0x91: {  	s18 =	sld [smem:$0x3FD0];
	(tm) =	ssettm $0x1  }
0x92: {  	s4 =	sld [smem:$0x3FFB];
	_ =	sdelay $0x3  }
0x93: {  	_ =	strace s4  }
0x94: {  	s4 =	sld [smem:$0x3FFC];
	_ =	sdelay $0x3  }
0x95: {  	_ =	strace s4  }
0x96: {  	s4 =	sld [smem:$0x3FFD];
	_ =	sdelay $0x3  }
0x97: {  	_ =	strace s4  }
0x98: {  	_ =	strace $0x8FFFFFFF  }
0x99: {  	s19 =	sld [smem:$0x3FDB];
	_ =	sdelay $0x1  }
0x9a: {  	s5 =	simm.s32 $_scs_section_size  }
0x9b: {  	s6 =	simm.s32 $_size__tile_overlayer_lowered;
	s7 =	simm.s32 $_tile_overlayer_lowered  }
0x9c: {  	s22 =	simm.s32 $0x1BFF;
	s21 =	sshll.u32 s7, $0x1;
	s4 =	sadd.s32 s5, s19  }
0x9d: {  	s8 =	simm.s32 $0x0;
	s20 =	sshll.u32 s6, $0x1;
	s6 =	sadd.s32 s21, s4  }
0x9e: {  	[timem:s8], [sflag:s22] =	dma.local [hbm:s6], s20  }
0x9f: {  	_ =	swait.ge [sflag:s22], s20  }
0xa0: {  	s5 =	ssub.s32 $0x0, s20;
	[sflag:s22] =	ssyncset.done $0x0  }
0xa1: {  	[sflag:s22] =	ssyncadd.s32 s5;
	_ =	sdelay $0x1  }
0xa2: {  	s23 =	simm.s32 $0x1B8B  }
0xa3: {  	_ =	swait.ge [sflag:s23], $0x1  }
0xa4: {  	[sflag:s23] =	ssyncset.done $0x0  }
0xa5: {  	s25 =	simm.s32 $0x1B8E;
	s24 =	sld [smem:$0x3FFE];
	[sflag:s23] =	ssyncadd.s32 $0xFFFFFFFF  }
0xa6: {  	s26 =	simm.s32 $execute0_lowered;
	[smem:$0x3FD2] =	sst s25  }
0xa7: {  	s6 =	sshll.u32 s26, $0x1;
	_ =	strace $0x80000046;
	[dreg:$0x1] =	wrdreg $0xFFFFFFFF  }
0xa8: {  	s28 =	simm.s32 $_size_execute0_lowered;
	s4 =	sadd.s32 s4, s6;
	[dreg:$0x0] =	wrdreg $0x0  }
0xa9: {  	s6 =	sshll.u32 s28, $0x1;
	[dreg:$0x2] =	wrdreg s4  }
0xaa: {  	[dreg:$0x3] =	wrdreg s6  }
0xab: {  	[dreg:$0x4] =	wrdreg $0xC0  }
0xac: {  	_ =	task [dreg:s8], $0x5FFFF  }
0xad: {  	[dreg:$0x1] =	wrdreg $0xFFFFFFFF  }
0xae: {  	[dreg:$0x0] =	wrdreg $0x60  }
0xaf: {  	[dreg:$0x2] =	wrdreg s2  }
0xb0: {  	[dreg:$0x3] =	wrdreg s18  }
0xb1: {  	[dreg:$0x4] =	wrdreg s24  }
0xb2: {  	[dreg:$0x5] =	wrdreg $0x9  }
0xb3: {  	_ =	task.clear_ibuf [dreg:s8], $0x6FFFF;
	_ =	strace $0x90000046  }
0xb4: {  	s29 =	simm.s32 $0x9;
	_ =	strace $0x80000048  }
0xb5: {  	_ =	swait.ge [sflag:s29], $0x1  }
0xb6: {  	[sflag:s29] =	ssyncadd.s32 $0xFFFFFFFF  }
0xb7: {  	_ =	strace $0x90000048  }
0xb8: {  	_ =	sfence  }
0xb9: {  	s30 =	sld [smem:$0x0];
	_ =	sdelay $0x2  }
0xba: {  	s31 =	sshll.u32 s1, $0xD;
	s1 =	sshrl.u32 s1, $0x2  }
0xbb: {  	s3 =	sand.u32 $0x4000, s31;
	s1 =	sadd.s32 s1, s30  }
0xbc: {  	s0 =	sor.u32 s3, s0;
	s1 =	sshll.u32 s1, $0x11  }
0xbd: {  	s0 =	sor.u32 s1, s0  }
0xbe: {  	s0 =	sadd.s32 $0x8F2B, s0  }
0xbf: {  	[sflag:s0] =	ssyncadd.remote.s32 $0x1  }
0xc0: {  	_ =	sfence.sel $0xFFFF  }
0xc1: {  	[dreg:$0x0] =	wrdreg $0xFFFFFFFF;
	(pc) =	sbr.abs _section_cstart, $3  }
0xc2: {  	[dreg:$0x1] =	wrdreg $0xFFFFFFFF  }
0xc3: {  	_ =	task.clear_ibuf [dreg:s8], $0x2FFFF;
	_ =	strace $0x9FFFFFFF  }
0xc4: {  	(tm) =	ssettm $0x7FFFFFFF  }
0xc5: {  	_ =	shalt  }
tec
execute0_lowered:
.L_overlay_start_1:
0x0: {  	(tag) =	ssettag $0x1  }
0x1: {  	s1 =	rddreg [dreg:$0x0];
	s2 =	srdreg.scid  }
0x2: {  	s0 =	stileid.u32;
	s3 =	rddreg [dreg:$0x2]  }
0x3: {  	s4 =	simm.s32 $0x0;
	s13 =	simm.s32 $0x1;
	s14 =	simm.s32 $0x2000  }
0x4: {  	s15 =	simm.s32 $0x2;
	s16 =	simm.s32 $0x1000;
	s17 =	simm.s32 $0x3000  }
0x5: {  	s19 =	simm.s32 $0x4;
	s2 =	sand.u32 $0x1, s2;
	s5 =	sshll.u32 s0, $0x1  }
0x6: {  	s20 =	simm.s32 $0x0;
	[smem:$0x7FF] =	sst s4;
	s18 =	sor.u32 s2, s5  }
0x7: {  	p0 =	slt.u32 s0, $0x2;
	s9 =	sadd.s32 $0x3D1200, s3;
	s6 =	smul.u32 $0xF4, s18  }
.Ltmp0:
0x8: {  	s2 =	ssub.s32 $0x2, s2;
	_ =	strace $0x80000047;
	(pc) =	sbr.rel .LBB2_1-.Ltmp0, $4  }
0x9: {  	v0 =	vlaneseq.u32;
	s5 =	sadd.s32 $0xA00, s3;
	s7 =	sshrl.u32 s2, $0x1;
	s8 =	smin.u32 s18, $0x4  }
0xa: {  	v0 =	vmul.u32 $0x80, v0;
	s2 =	ssub.s32 s2, s7;
	s7 =	simm.s32 $0xF5;
	s6 =	sadd.s32 s8, s6  }
0xb: {  	s7 =	simm.s32 @!p0 $0xF4;
	s10 =	smax.u32 s2, $0x1;
	s8 =	sshll.u32 s6, $0x7  }
0xc: {  	v1 =	vor.u32 $0x800, v0;
	p0 =	sne.s32 s18, $0x0;
	s18 =	simm.s32 $0x3;
	s8 =	sadd.s32 s1, s8  }
.LBB2_11:
0xd: {  	_ =	swait.ge [sflag:s18], $0x1000  }
0xe: {  	[sflag:s18] =	ssyncset.done $0x0  }
0xf: {  	[sflag:s18] =	ssyncadd.s32 $0xFFFFF000  }
0x10: {  	_ =	swait.ge [sflag:s19], $0x1000  }
0x11: {  	[sflag:s19] =	ssyncset.done $0x0  }
0x12: {  	s2 =	sshll.u32 @!p0 s0, $0x6;
	s20 =	sadd.s32 $0x1, s20;
	[sflag:s19] =	ssyncadd.s32 $0xFFFFF000  }
0x13: {  	s2 =	sor.u32 @!p0 $0x1C05, s2;
	p1 =	sne.s32 s20, s10;
	s3 =	rddreg [dreg:$0x1]  }
0x14: {  	[hbm:s9], [sflag:s2] =	dma.local @!p0 [hbm:s3], $0x100  }
.Ltmp1:
0x15: {  	_ = 	snop;
	(pc) =	sbr.rel @!p1 .LBB2_12-.Ltmp1, $4  }
0x16: {  	s2 =	simm.s32 @!p0 $0x5  }
0x17: {  	_ =	swait.ge @!p0 [sflag:s2], $0x100  }
0x18: {  	[sflag:s2] =	ssyncset.done @!p0 $0x0  }
0x19: {  	[sflag:s2] =	ssyncadd.s32 @!p0 $0xFFFFFF00  }
.LBB2_1:
.Ltmp2:
0x1a: {  	(pc) =	sbr.rel .LBB2_2-.Ltmp2, $3  }
0x1b: {  	_ =	sdelay $0x1  }
0x1c: {  	s2 =	simm.s32 $0x400;
	s3 =	simm.s32 $0x7A1400;
	s21 =	simm.s32 $0x0  }
0x1d: {  	[tilespmem:s4], [sflag:$0x1] =	stream.strided.gather [hbm4b:s8+s2], $0x1000, s3, s2, $0x38;
	[tilespmem:$0x4000] =	vst v63  }
.LBB2_10:
0x1e: {  	s21 =	sadd.s32 $0x1, s21  }
0x1f: {  	p1 =	sne.s32 s21, $0x7B  }
.Ltmp3:
0x20: {  	_ = 	snop;
	(pc) =	sbr.rel @!p1 .LBB2_11-.Ltmp3, $1  }
0x21: {  	_ =	sdelay $0x3  }
.LBB2_2:
0x22: {  	s23 =	sshll.u32 s21, $0x1  }
0x23: {  	p1 =	slt.u32 s23, s7  }
.Ltmp4:
0x24: {  	_ = 	snop;
	(pc) =	sbr.rel @!p1 .LBB2_6-.Ltmp4, $2  }
0x25: {  	_ =	sdelay $0x2  }
0x26: {  	s22 =	sor.u32 $0x1, s23  }
0x27: {  	s22 =	sor.u32 $0x1, s23;
	s2 =	simm.s32 $0x0;
	s3 =	simm.s32 $0x8  }
0x28: {  	s24 =	simm.s32 $0x4;
	_ =	swait.ge [sflag:s13], $0x1000;
	s25 =	simm.s32 $0xC  }
0x29: {  	s26 =	simm.s32 $0x1;
	s11 =	simm.s32 $0x9;
	p1 =	sge.u32 s22, s7;
	v2 =	vmov s2;
	v3 =	vmov s3  }
0x2a: {  	s12 =	simm.s32 $0xD;
	v4 =	vmov s24;
	[sflag:s13] =	ssyncset.done $0x0;
	v5 =	vmov s25;
	v9 =	vmov s26;
	s2 =	sadd.s32 @!p1 s6, s22  }
0x2b: {  	s26 =	simm.s32 $0x5;
	v12 =	vmov s11;
	s11 =	simm.s32 $0x14;
	v2 =	vand.u32 $0x70, v2;
	v4 =	vand.u32 $0x74, v4;
	s2 =	sshll.u32 @!p1 s2, $0x7  }
0x2c: {  	v13 =	vmov s12;
	v3 =	vand.u32 $0x78, v3;
	[sflag:s13] =	ssyncadd.s32 $0xFFFFF000;
	s3 =	simm.s32 @!p1 $0x400;
	v5 =	vand.u32 $0x7C, v5;
	s2 =	sand.u32 @!p1 $0x1FFFFF80, s2  }
0x2d: {  	s24 =	simm.s32 @!p1 $0x7A1400;
	s25 =	simm.s32 @!p1 $0x1000;
	v9 =	vand.u32 $0x71, v9;
	v11 =	vmov s26;
	v2 =	vbroadcast v2, $0x0;
	s2 =	sadd.s32 @!p1 s1, s2  }
0x2e: {  	v12 =	vand.u32 $0x79, v12;
	v13 =	vand.u32 $0x7D, v13;
	v4 =	vbroadcast v4, $0x0;
	[tilespmem:s25], [sflag:$0x2] =	stream.strided.gather @!p1 [hbm4b:s2+s3], $0x1000, s24, s3, $0x38;
	[tilespmem:$0x4000] =	vst v63  }
0x2f: {  	s12 =	simm.s32 $0x1C;
	v19 =	vmov s11;
	v3 =	vbroadcast v3, $0x0;
	v6 =	vor.u32 v0, v2;
	p1 =	seq.s32 s21, $0x0  }
0x30: {  	v21 =	vmov s12;
	v5 =	vbroadcast v5, $0x0;
	v7 =	vor.u32 v0, v4;
	s3 =	simm.s32 @!p1 $0x3  }
0x31: {  	v9 =	vbroadcast v9, $0x0;
	v11 =	vand.u32 $0x75, v11;
	v8 =	vor.u32 v0, v3;
	_ =	swait.ge @!p1 [sflag:s3], $0x1000  }
0x32: {  	s26 =	simm.s32 $0x18;
	v12 =	vbroadcast v12, $0x0;
	v13 =	vbroadcast v13, $0x0;
	v10 =	vor.u32 v0, v5;
	[sflag:s3] =	ssyncset.done @!p1 $0x0  }
0x33: {  	v18 =	vmov s26;
	v19 =	vand.u32 $0x74, v19;
	v11 =	vbroadcast v11, $0x0;
	[sflag:s3] =	ssyncadd.s32 @!p1 $0xFFFFF000  }
0x34: {  	v2 =	vor.u32 v1, v2;
	v4 =	vor.u32 v1, v4;
	v5 =	vor.u32 v1, v5;
	v6 =	vld.idx.msk [tilespmem:v6+s4+$0x0], $0xffff  }
0x35: {  	v3 =	vor.u32 v1, v3;
	v14 =	vor.u32 v0, v9;
	v16 =	vor.u32 v0, v12;
	s25 =	simm.s32 $0x10;
	v7 =	vld.idx.msk [tilespmem:v7+s4+$0x0], $0xffff  }
0x36: {  	v20 =	vor.u32 v0, v13;
	v12 =	vor.u32 v1, v12;
	v17 =	vmov s25;
	v8 =	vld.idx.msk [tilespmem:v8+s4+$0x0], $0xffff  }
0x37: {  	v13 =	vor.u32 v1, v13;
	v15 =	vor.u32 v0, v11;
	s24 =	simm.s32 $0xA;
	v17 =	vand.u32 $0x70, v17;
	v10 =	vld.idx.msk [tilespmem:v10+s4+$0x0], $0xffff  }
0x38: {  	v22 =	vor.u32 v1, v11;
	v11 =	vmov s24;
	s25 =	simm.s32 $0x2100;
	v17 =	vbroadcast v17, $0x0  }
0x39: {  	v11 =	vand.u32 $0x7A, v11;
	[tilespmem:s25+$0xFFFFFF00] =	vst v6;
	v6 =	vand.u32 $0x78, v18;
	v18 =	vbroadcast v19, $0x0  }
0x3a: {  	s26 =	simm.s32 $0x15;
	s24 =	simm.s32 $0x11;
	v19 =	vand.u32 $0x7C, v21;
	v21 =	vbroadcast v11, $0x0;
	v11 =	vor.u32 v0, v17;
	[tilespmem:s25+$0xFFFFFF80] =	vst v7;
	v2 =	vld.idx.msk [tilespmem:v2+s4+$0x0], $0xffff  }
0x3b: {  	v27 =	vor.u32 v1, v17;
	v7 =	vmov s24;
	v17 =	vmov s26;
	[tilespmem:s25+$0x0] =	vst v8;
	v4 =	vld.idx.msk [tilespmem:v4+s4+$0x0], $0xffff  }
0x3c: {  	[tilespmem:s25+$0x80] =	vst v10;
	s24 =	simm.s32 $0x6;
	v6 =	vbroadcast v6, $0x0;
	v19 =	vbroadcast v19, $0x0;
	v7 =	vand.u32 $0x71, v7;
	v3 =	vld.idx.msk [tilespmem:v3+s4+$0x0], $0xffff  }
0x3d: {  	s3 =	simm.s32 $0x19;
	v31 =	vld.idx.msk [tilespmem:v5+s4+$0x0], $0xffff;
	v5 =	vmov s24;
	v23 =	vor.u32 v0, v18;
	v26 =	vor.u32 v0, v21  }
0x3e: {  	v28 =	vor.u32 v1, v18;
	v8 =	vbroadcast v7, $0x0;
	v18 =	vmov s3  }
0x3f: {  	s12 =	simm.s32 $0x2;
	v24 =	vor.u32 v0, v6;
	v25 =	vor.u32 v0, v19;
	v18 =	vand.u32 $0x79, v18;
	v29 =	vld.idx.msk [tilespmem:v11+s4+$0x0], $0xffff;
	[tilespmem:s25+$0xFFFFFF10] =	vst v2  }
0x40: {  	s11 =	simm.s32 $0x1D;
	v7 =	vor.u32 v1, v19;
	v10 =	vbroadcast v18, $0x0;
	v18 =	vmov s12;
	[tilespmem:s25+$0xFFFFFF90] =	vst v4;
	v14 =	vld.idx.msk [tilespmem:v14+s4+$0x0], $0xffff  }
0x41: {  	v2 =	vor.u32 v1, v9;
	v9 =	vand.u32 $0x75, v17;
	v4 =	vmov s11;
	[tilespmem:s25+$0x10] =	vst v3;
	v15 =	vld.idx.msk [tilespmem:v15+s4+$0x0], $0xffff  }
0x42: {  	v17 =	vor.u32 v1, v6;
	v6 =	vor.u32 v0, v8;
	[tilespmem:s25+$0x90] =	vst v31;
	v4 =	vand.u32 $0x7D, v4;
	v16 =	vld.idx.msk [tilespmem:v16+s4+$0x0], $0xffff  }
0x43: {  	s24 =	simm.s32 $0x2300;
	v8 =	vor.u32 v1, v8;
	v9 =	vbroadcast v9, $0x0;
	v20 =	vld.idx.msk [tilespmem:v20+s4+$0x0], $0xffff;
	v30 =	vbroadcast v4, $0x0  }
0x44: {  	v11 =	vld.idx.msk [tilespmem:v24+s4+$0x0], $0xffff;
	v24 =	vor.u32 v1, v21;
	v4 =	vand.u32 $0x72, v18;
	v18 =	vor.u32 v0, v10;
	[tilespmem:s24+$0xFFFFFF00] =	vst v29  }
0x45: {  	s3 =	simm.s32 $0x1A;
	v23 =	vld.idx.msk [tilespmem:v23+s4+$0x0], $0xffff;
	v19 =	vor.u32 v0, v9;
	v3 =	vor.u32 v0, v30;
	[tilespmem:s25+$0xFFFFFF20] =	vst v14;
	v14 =	vbroadcast v4, $0x0  }
0x46: {  	s26 =	simm.s32 $0xB;
	v27 =	vld.idx.msk [tilespmem:v27+s4+$0x0], $0xffff;
	v4 =	vand.u32 $0x76, v5;
	[tilespmem:s25+$0xFFFFFFA0] =	vst v15;
	v5 =	vor.u32 v1, v9;
	v15 =	vmov s3  }
0x47: {  	s11 =	simm.s32 $0x20;
	v32 =	vld.idx.msk [tilespmem:v2+s4+$0x0], $0xffff;
	v29 =	vbroadcast v4, $0x0;
	v2 =	vmov s26;
	v4 =	vor.u32 v1, v10  }
0x48: {  	[tilespmem:s25+$0x20] =	vst v16;
	v10 =	vld.idx.msk [tilespmem:v25+s4+$0x0], $0xffff;
	v25 =	vmov s11;
	s11 =	simm.s32 $0x24;
	v15 =	vand.u32 $0x7A, v15;
	v33 =	vor.u32 v0, v14  }
0x49: {  	[tilespmem:s25+$0xA0] =	vst v20;
	v22 =	vld.idx.msk [tilespmem:v22+s4+$0x0], $0xffff;
	s26 =	simm.s32 $0x2C;
	v2 =	vand.u32 $0x7B, v2;
	v25 =	vand.u32 $0x70, v25;
	v31 =	vmov s11  }
0x4a: {  	[tilespmem:s24+$0xFFFFFF80] =	vst v23;
	v12 =	vld.idx.msk [tilespmem:v12+s4+$0x0], $0xffff;
	v60 =	vmov s26;
	v35 =	vbroadcast v15, $0x0;
	v14 =	vor.u32 v1, v14  }
0x4b: {  	s12 =	simm.s32 $0x28;
	[tilespmem:s24+$0x0] =	vst v11;
	v9 =	vor.u32 v0, v29;
	v21 =	vbroadcast v2, $0x0;
	v2 =	vor.u32 v1, v30  }
0x4c: {  	v13 =	vld.idx.msk [tilespmem:v13+s4+$0x0], $0xffff;
	v30 =	vmov s12;
	v16 =	vbroadcast v25, $0x0;
	v25 =	vand.u32 $0x74, v31;
	[tilespmem:s24+$0xFFFFFF10] =	vst v27  }
0x4d: {  	v17 =	vld.idx.msk [tilespmem:v17+s4+$0x0], $0xffff;
	v23 =	vor.u32 v1, v29;
	v27 =	vand.u32 $0x78, v30;
	v25 =	vbroadcast v25, $0x0;
	[tilespmem:s25+$0xFFFFFF30] =	vst v32  }
0x4e: {  	s3 =	simm.s32 $0x3;
	s12 =	simm.s32 $0xE;
	v34 =	vor.u32 v0, v21;
	v30 =	vld.idx.msk [tilespmem:v6+s4+$0x0], $0xffff;
	v31 =	vor.u32 v0, v16;
	v27 =	vbroadcast v27, $0x0;
	[tilespmem:s25+$0xFFFFFFB0] =	vst v22  }
0x4f: {  	v6 =	vmov s12;
	v38 =	vor.u32 v1, v16;
	v16 =	vmov s3;
	[tilespmem:s25+$0x30] =	vst v12;
	v15 =	vld.idx.msk [tilespmem:v33+s4+$0x0], $0xffff  }
0x50: {  	v21 =	vor.u32 v1, v21;
	v6 =	vand.u32 $0x7E, v6;
	v22 =	vand.u32 $0x7C, v60;
	[tilespmem:s24+$0x80] =	vst v10;
	v26 =	vld.idx.msk [tilespmem:v26+s4+$0x0], $0xffff  }
0x51: {  	s26 =	simm.s32 $0x29;
	v36 =	vor.u32 v0, v25;
	v16 =	vand.u32 $0x73, v16;
	v20 =	vbroadcast v6, $0x0;
	v44 =	vld.idx.msk [tilespmem:v7+s4+$0x0], $0xffff  }
0x52: {  	[tilespmem:s25+$0xB0] =	vst v13;
	v13 =	vmov s26;
	v61 =	vor.u32 v0, v27;
	v22 =	vbroadcast v22, $0x0;
	v62 =	vld.idx.msk [tilespmem:v9+s4+$0x0], $0xffff  }
0x53: {  	v13 =	vand.u32 $0x79, v13;
	[tilespmem:s24+$0x10] =	vst v17;
	v9 =	vor.u32 v1, v25;
	v25 =	vld.idx.msk [tilespmem:v28+s4+$0x0], $0xffff;
	v29 =	vor.u32 v0, v20  }
0x54: {  	s12 =	simm.s32 $0x25;
	v6 =	vor.u32 v0, v35;
	v39 =	vbroadcast v16, $0x0;
	v41 =	vbroadcast v13, $0x0;
	v33 =	vld.idx.msk [tilespmem:v18+s4+$0x0], $0xffff  }
0x55: {  	v37 =	vor.u32 v0, v22;
	v28 =	vor.u32 v1, v20;
	v20 =	vmov s12;
	v31 =	vld.idx.msk [tilespmem:v31+s4+$0x0], $0xffff;
	[tilespmem:s24+$0xFFFFFF20] =	vst v30  }
0x56: {  	s11 =	simm.s32 $0x21;
	v10 =	vor.u32 v1, v22;
	v40 =	vor.u32 v0, v39;
	v16 =	vand.u32 $0x75, v20;
	v20 =	vld.idx.msk [tilespmem:v8+s4+$0x0], $0xffff  }
0x57: {  	v13 =	vor.u32 v0, v41;
	v17 =	vor.u32 v1, v41;
	v36 =	vld.idx.msk [tilespmem:v36+s4+$0x0], $0xffff;
	[tilespmem:s25+$0xFFFFFF40] =	vst v15;
	v15 =	vmov s11  }
0x58: {  	s3 =	simm.s32 $0xF;
	v8 =	vor.u32 v1, v35;
	[tilespmem:s25+$0x40] =	vst v26;
	v26 =	vbroadcast v16, $0x0;
	s11 =	simm.s32 $0x2D;
	v15 =	vand.u32 $0x71, v15;
	v29 =	vld.idx.msk [tilespmem:v29+s4+$0x0], $0xffff  }
0x59: {  	s12 =	simm.s32 $0x7;
	v63 =	vld.idx.msk [tilespmem:v14+s4+$0x0], $0xffff;
	v14 =	vor.u32 v1, v27;
	[tilespmem:s24+$0xFFFFFF90] =	vst v25;
	v25 =	vmov s3;
	v27 =	vmov s11  }
0x5a: {  	[tilespmem:s24+$0x90] =	vst v44;
	s11 =	simm.s32 $0x12;
	v15 =	vbroadcast v15, $0x0;
	v11 =	vor.u32 v0, v26;
	v42 =	vld.idx.msk [tilespmem:v19+s4+$0x0], $0xffff;
	v19 =	vmov s12  }
0x5b: {  	s29 =	simm.s32 $0x2500;
	v24 =	vld.idx.msk [tilespmem:v24+s4+$0x0], $0xffff;
	[tilespmem:s25+$0xFFFFFFC0] =	vst v62;
	v25 =	vand.u32 $0x7F, v25;
	v27 =	vand.u32 $0x7D, v27;
	v30 =	vmov s11  }
0x5c: {  	v43 =	vld.idx.msk [tilespmem:v23+s4+$0x0], $0xffff;
	s12 =	simm.s32 $0x16;
	[tilespmem:s29+$0xFFFFFF00] =	vst v31;
	v23 =	vand.u32 $0x77, v19;
	v19 =	vbroadcast v27, $0x0;
	v27 =	vand.u32 $0x72, v30  }
0x5d: {  	v12 =	vld.idx.msk [tilespmem:v61+s4+$0x0], $0xffff;
	v7 =	vmov s12;
	v32 =	vbroadcast v25, $0x0;
	v16 =	vor.u32 v0, v15;
	[tilespmem:s25+$0xC0] =	vst v29  }
0x5e: {  	v45 =	vbroadcast v23, $0x0;
	[tilespmem:s24+$0xFFFFFF30] =	vst v20;
	v20 =	vbroadcast v27, $0x0;
	v7 =	vand.u32 $0x76, v7;
	v35 =	vld.idx.msk [tilespmem:v28+s4+$0x0], $0xffff  }
0x5f: {  	s26 =	simm.s32 $0x1B;
	v22 =	vld.idx.msk [tilespmem:v37+s4+$0x0], $0xffff;
	v25 =	vor.u32 v0, v19;
	v23 =	vbroadcast v7, $0x0;
	v37 =	vor.u32 v0, v32;
	[tilespmem:s25+$0xFFFFFF50] =	vst v63  }
0x60: {  	v31 =	vld.idx.msk [tilespmem:v38+s4+$0x0], $0xffff;
	v7 =	vmov s26;
	v30 =	vor.u32 v0, v45;
	[tilespmem:s25+$0x50] =	vst v24;
	v27 =	vor.u32 v0, v20  }
0x61: {  	s30 =	simm.s32 $0x1F;
	s28 =	simm.s32 $0x2F;
	s31 =	simm.s32 $0x8;
	v24 =	vor.u32 v1, v26;
	v7 =	vand.u32 $0x7B, v7;
	v34 =	vld.idx.msk [tilespmem:v34+s4+$0x0], $0xffff;
	[tilespmem:s24+$0xFFFFFFA0] =	vst v42;
	v29 =	vor.u32 v1, v39  }
0x62: {  	s2 =	simm.s32 $0x3F;
	s3 =	simm.s32 $0x2A;
	s26 =	simm.s32 $0x2500;
	v26 =	vor.u32 v0, v23;
	v38 =	vld.idx.msk [tilespmem:v40+s4+$0x0], $0xffff;
	[tilespmem:s25+$0xFFFFFFD0] =	vst v43;
	v7 =	vbroadcast v7, $0x0;
	v28 =	vor.u32 v1, v45  }
.LBB2_4:
0x63: {  	s11 =	sadd.s32 $0xFFFFFFF1, s2;
	s12 =	sadd.s32 $0xFFFFFFF9, s2;
	s31 =	sadd.s32 $0x4, s31;
	v39 =	vmov s3;
	v19 =	vor.u32 v1, v19;
	v40 =	vld.idx.msk [tilespmem:v3+s4+$0x0], $0xffff;
	[tilespmem:s25+$0xD0] =	vst v35;
	v32 =	vor.u32 v1, v32;
	v3 =	vmovc v25  }
0x64: {  	s3 =	sadd.s32 $0xFFFFFFF5, s2;
	v25 =	vmov s11;
	v35 =	vmov s12;
	p1 =	slt.u32 s31, $0x1C;
	[tilespmem:s29+$0x80] =	vst v22;
	v22 =	vld.idx.msk [tilespmem:v5+s4+$0x0], $0xffff;
	v18 =	vor.u32 v0, v7;
	v5 =	vmovc v24  }
0x65: {  	v24 =	vand.u32 $0x70, v25;
	v25 =	vmov s3;
	[tilespmem:s29+$0xFFFFFF10] =	vst v31;
	v31 =	vand.u32 $0x7A, v39;
	v37 =	vld.idx.msk [tilespmem:v37+s4+$0x0], $0xffff  }
0x66: {  	v35 =	vand.u32 $0x78, v35;
	s3 =	sadd.s32 $0xFFFFFFFD, s2;
	v24 =	vbroadcast v24, $0x0;
	v25 =	vand.u32 $0x74, v25;
	v16 =	vld.idx.msk [tilespmem:v16+s4+$0x0], $0xffff;
	[tilespmem:s25+$0x60] =	vst v34  }
0x67: {  	v34 =	vmov s3;
	v31 =	vbroadcast v31, $0x0;
	v25 =	vbroadcast v25, $0x0;
	[tilespmem:s25+$0xFFFFFF60] =	vst v38;
	v38 =	vld.idx.msk [tilespmem:v21+s4+$0x0], $0xffff  }
0x68: {  	v35 =	vbroadcast v35, $0x0;
	v34 =	vand.u32 $0x7C, v34;
	v39 =	vor.u32 v0, v24;
	[tilespmem:s24+$0x20] =	vst v33;
	v30 =	vld.idx.msk [tilespmem:v30+s4+$0x0], $0xffff  }
0x69: {  	v23 =	vor.u32 v1, v23;
	v33 =	vbroadcast v34, $0x0;
	v21 =	vor.u32 v0, v25;
	[tilespmem:s29+$0xFFFFFF80] =	vst v36;
	v34 =	vld.idx.msk [tilespmem:v4+s4+$0x0], $0xffff  }
0x6a: {  	v20 =	vor.u32 v1, v20;
	s3 =	sadd.s32 $0xFFFFFFFF, s30;
	v36 =	vor.u32 v0, v35;
	v4 =	vmov v17;
	v27 =	vld.idx.msk [tilespmem:v27+s4+$0x0], $0xffff;
	[tilespmem:s24+$0xFFFFFFB0] =	vst v22  }
0x6b: {  	v17 =	vor.u32 v0, v33;
	v22 =	vmov s3;
	v29 =	vld.idx.msk [tilespmem:v29+s4+$0x0], $0xffff;
	[tilespmem:s25+$0xE0] =	vst v37  }
0x6c: {  	[tilespmem:s29+$0xFFFFFF20] =	vst v16;
	v16 =	vand.u32 $0x7E, v22;
	v22 =	vld.idx.msk [tilespmem:v32+s4+$0x0], $0xffff  }
0x6d: {  	v26 =	vld.idx.msk [tilespmem:v26+s4+$0x0], $0xffff;
	[tilespmem:s24+$0xA0] =	vst v40;
	v16 =	vbroadcast v16, $0x0  }
0x6e: {  	v32 =	vor.u32 v0, v31;
	v37 =	vld.idx.msk [tilespmem:v2+s4+$0x0], $0xffff;
	[tilespmem:s25+$0xFFFFFFE0] =	vst v30;
	v2 =	vmov v19  }
0x6f: {  	v24 =	vor.u32 v1, v24;
	[tilespmem:s24+$0x30] =	vst v34;
	v19 =	vor.u32 v0, v16;
	v28 =	vld.idx.msk [tilespmem:v28+s4+$0x0], $0xffff  }
0x70: {  	v25 =	vor.u32 v1, v25;
	s3 =	sadd.s32 $0xFFFFFFF4, s30;
	v30 =	vor.u32 v1, v15;
	[tilespmem:s24+$0xFFFFFF40] =	vst v27;
	v27 =	vld.idx.msk [tilespmem:v6+s4+$0x0], $0xffff;
	v6 =	vmov v32  }
0x71: {  	s11 =	sadd.s32 $0xFFFFFFF2, s2;
	v15 =	vmov s3;
	v34 =	vor.u32 v1, v16;
	v32 =	vld.idx.msk [tilespmem:v39+s4+$0x0], $0xffff;
	[tilespmem:s25+$0x70] =	vst v38  }
0x72: {  	v33 =	vor.u32 v1, v33;
	s29 =	sadd.s32 $0x200, s29;
	s3 =	sadd.s32 $0xFFFFFFF6, s2;
	v16 =	vmov s11;
	v15 =	vand.u32 $0x73, v15;
	v38 =	vld.idx.msk [tilespmem:v9+s4+$0x0], $0xffff;
	[tilespmem:s25+$0xFFFFFF70] =	vst v29;
	v9 =	vmovc v25  }
0x73: {  	v16 =	vand.u32 $0x71, v16;
	v25 =	vmov s3;
	v29 =	vld.idx.msk [tilespmem:v36+s4+$0x0], $0xffff;
	v36 =	vbroadcast v15, $0x0;
	[tilespmem:s25+$0xF0] =	vst v22  }
0x74: {  	s3 =	sadd.s32 $0xFFFFFFFA, s2;
	v15 =	vbroadcast v16, $0x0;
	v16 =	vand.u32 $0x75, v25;
	v25 =	vor.u32 v1, v35;
	v20 =	vld.idx.msk [tilespmem:v20+s4+$0x0], $0xffff;
	[tilespmem:s24+$0xB0] =	vst v37  }
0x75: {  	v22 =	vmov s3;
	v39 =	vbroadcast v16, $0x0;
	v40 =	vor.u32 v0, v36;
	v35 =	vld.idx.msk [tilespmem:v19+s4+$0x0], $0xffff;
	[tilespmem:s25+$0xFFFFFFF0] =	vst v28;
	s25 =	smov.u32 s24;
	s24 =	smov.u32 s26;
	s26 =	smov.u32 s29  }
0x76: {  	v16 =	vor.u32 v0, v15;
	v19 =	vand.u32 $0x79, v22;
	v22 =	vor.u32 v1, v31;
	v28 =	vld.idx.msk [tilespmem:v30+s4+$0x0], $0xffff;
	[tilespmem:s25+$0x40] =	vst v27  }
0x77: {  	v27 =	vor.u32 v0, v39;
	v41 =	vbroadcast v19, $0x0;
	[tilespmem:s29+$0xFFFFFF00] =	vst v32;
	v37 =	vld.idx.msk [tilespmem:v8+s4+$0x0], $0xffff;
	v8 =	vmov v22  }
0x78: {  	v22 =	vld.idx.msk [tilespmem:v17+s4+$0x0], $0xffff;
	[tilespmem:s24+$0x0] =	vst v12  }
0x79: {  	s11 =	sadd.s32 $0xFFFFFFF8, s30;
	s3 =	sadd.s32 $0xFFFFFFFE, s2;
	v19 =	vmov s30;
	s30 =	smov.u32 s28;
	v42 =	vor.u32 v0, v41;
	v12 =	vmovc v29;
	[tilespmem:s24+$0xFFFFFF90] =	vst v38;
	v17 =	vld.idx.msk [tilespmem:v14+s4+$0x0], $0xffff;
	v14 =	vmov v25  }
0x7a: {  	s28 =	smov.u32 s2;
	v30 =	vand.u32 $0x7F, v19;
	v25 =	vmov s3;
	s3 =	sadd.s32 $0xFFFFFFF3, s30;
	v29 =	vld.idx.msk [tilespmem:v11+s4+$0x0], $0xffff;
	[tilespmem:s25+$0xFFFFFFC0] =	vst v26;
	v26 =	vmov s11;
	v11 =	vmovc v27  }
0x7b: {  	v19 =	vand.u32 $0x7D, v25;
	v25 =	vmov s3;
	[tilespmem:s25+$0xFFFFFF50] =	vst v20;
	v43 =	vld.idx.msk [tilespmem:v23+s4+$0x0], $0xffff;
	v20 =	vand.u32 $0x77, v26  }
0x7c: {  	s3 =	sadd.s32 $0xFFFFFFF7, s30;
	v19 =	vbroadcast v19, $0x0;
	v23 =	vand.u32 $0x72, v25;
	v44 =	vld.idx.msk [tilespmem:v10+s4+$0x0], $0xffff;
	v45 =	vbroadcast v20, $0x0;
	[tilespmem:s25+$0xC0] =	vst v35;
	v10 =	vmovc v33  }
0x7d: {  	v32 =	vbroadcast v30, $0x0;
	v20 =	vbroadcast v23, $0x0;
	v23 =	vmov s3;
	[tilespmem:s24+$0xFFFFFF30] =	vst v28;
	v35 =	vld.idx.msk [tilespmem:v34+s4+$0x0], $0xffff  }
.Ltmp5:
0x7e: {  	v25 =	vor.u32 v0, v19;
	v23 =	vand.u32 $0x76, v23;
	v31 =	vld.idx.msk [tilespmem:v24+s4+$0x0], $0xffff;
	v30 =	vor.u32 v0, v45;
	[tilespmem:s25+$0x50] =	vst v37;
	(pc) =	sbr.rel @p1 .LBB2_4-.Ltmp5, $4  }
0x7f: {  	s3 =	sadd.s32 $0xFFFFFFFC, s30;
	v27 =	vor.u32 v0, v20;
	v23 =	vbroadcast v23, $0x0;
	v37 =	vor.u32 v0, v32;
	[tilespmem:s24+$0x10] =	vst v17;
	v34 =	vld.idx.msk [tilespmem:v18+s4+$0x0], $0xffff  }
0x80: {  	v17 =	vor.u32 v1, v41;
	v18 =	vmov s3;
	[tilespmem:s24+$0xFFFFFFA0] =	vst v29;
	v33 =	vld.idx.msk [tilespmem:v13+s4+$0x0], $0xffff;
	v29 =	vor.u32 v1, v36;
	v13 =	vmovc v42  }
0x81: {  	v24 =	vor.u32 v1, v39;
	v26 =	vor.u32 v0, v23;
	v18 =	vand.u32 $0x7B, v18;
	v38 =	vld.idx.msk [tilespmem:v40+s4+$0x0], $0xffff;
	[tilespmem:s25+$0xFFFFFFD0] =	vst v43  }
0x82: {  	s2 =	sadd.s32 $0x10, s2;
	v28 =	vor.u32 v1, v45;
	s3 =	sadd.s32 $0xFFFFFFFB, s28;
	v36 =	vld.idx.msk [tilespmem:v21+s4+$0x0], $0xffff;
	[tilespmem:s24+$0x90] =	vst v44;
	v21 =	vor.u32 v1, v7;
	v7 =	vbroadcast v18, $0x0  }
0x83: {  	_ = 	snop  }
0x84: {  	[tilespmem:s25+$0xD0] =	vst v35  }
0x85: {  	[tilespmem:s29+$0x80] =	vst v22  }
0x86: {  	[tilespmem:s29+$0xFFFFFF10] =	vst v31  }
0x87: {  	v5 =	vld.idx.msk [tilespmem:v5+s4+$0x0], $0xffff;
	[tilespmem:s26+$0x0] =	vst v12  }
0x88: {  	v3 =	vld.idx.msk [tilespmem:v3+s4+$0x0], $0xffff;
	[tilespmem:s25+$0x60] =	vst v34  }
0x89: {  	v45 =	vld.idx.msk [tilespmem:v30+s4+$0x0], $0xffff;
	[tilespmem:s24+$0x20] =	vst v33  }
0x8a: {  	v47 =	vld.idx.msk [tilespmem:v27+s4+$0x0], $0xffff;
	[tilespmem:s25+$0xFFFFFF60] =	vst v38  }
0x8b: {  	v18 =	vld.idx.msk [tilespmem:v37+s4+$0x0], $0xffff;
	[tilespmem:s29+$0xFFFFFF80] =	vst v36  }
0x8c: {  	v16 =	vld.idx.msk [tilespmem:v16+s4+$0x0], $0xffff;
	[tilespmem:s24+$0xFFFFFFB0] =	vst v5  }
0x8d: {  	v48 =	vld.idx.msk [tilespmem:v21+s4+$0x0], $0xffff;
	[tilespmem:s24+$0xA0] =	vst v3  }
0x8e: {  	v4 =	vld.idx.msk [tilespmem:v4+s4+$0x0], $0xffff;
	[tilespmem:s25+$0xFFFFFFE0] =	vst v45  }
0x8f: {  	v53 =	vor.u32 v1, v20;
	v3 =	vld.idx.msk [tilespmem:v29+s4+$0x0], $0xffff;
	[tilespmem:s24+$0xFFFFFF40] =	vst v47  }
0x90: {  	v9 =	vld.idx.msk [tilespmem:v9+s4+$0x0], $0xffff;
	[tilespmem:s25+$0xE0] =	vst v18  }
0x91: {  	v46 =	vor.u32 v1, v32;
	[tilespmem:s29+$0xFFFFFF20] =	vst v16;
	v2 =	vld.idx.msk [tilespmem:v2+s4+$0x0], $0xffff  }
0x92: {  	s2 =	sadd.s32 $0xFFFFFFFF, s30;
	v52 =	vld.idx.msk [tilespmem:v28+s4+$0x0], $0xffff;
	[tilespmem:s25+$0x70] =	vst v48  }
0x93: {  	v49 =	vmov s2;
	v56 =	vld.idx.msk [tilespmem:v26+s4+$0x0], $0xffff;
	[tilespmem:s24+$0x30] =	vst v4  }
0x94: {  	v55 =	vor.u32 v1, v15;
	v51 =	vand.u32 $0x7E, v49;
	v57 =	vld.idx.msk [tilespmem:v53+s4+$0x0], $0xffff;
	[tilespmem:s25+$0xFFFFFF70] =	vst v3  }
0x95: {  	s29 =	sadd.s32 $0xFFFFFFF4, s30;
	v4 =	vbroadcast v51, $0x0;
	v3 =	vld.idx.msk [tilespmem:v14+s4+$0x0], $0xffff;
	[tilespmem:s26+$0xFFFFFF90] =	vst v9  }
0x96: {  	v50 =	vld.idx.msk [tilespmem:v46+s4+$0x0], $0xffff;
	v60 =	vmov s29;
	[tilespmem:s24+$0xB0] =	vst v2  }
0x97: {  	v62 =	vand.u32 $0x73, v60;
	v54 =	vor.u32 v0, v4;
	v2 =	vld.idx.msk [tilespmem:v10+s4+$0x0], $0xffff;
	[tilespmem:s25+$0xFFFFFFF0] =	vst v52  }
0x98: {  	v6 =	vld.idx.msk [tilespmem:v6+s4+$0x0], $0xffff;
	v63 =	vbroadcast v62, $0x0;
	[tilespmem:s24+$0xFFFFFFC0] =	vst v56  }
0x99: {  	v14 =	vld.idx.msk [tilespmem:v55+s4+$0x0], $0xffff;
	[tilespmem:s24+$0xFFFFFF50] =	vst v57  }
0x9a: {  	s31 =	sadd.s32 $0xFFFFFFF3, s28;
	v11 =	vld.idx.msk [tilespmem:v11+s4+$0x0], $0xffff;
	v30 =	vor.u32 v0, v63;
	[tilespmem:s26+$0x10] =	vst v3  }
0x9b: {  	s11 =	sadd.s32 $0xFFFFFFF7, s28;
	v31 =	vmov s31;
	[tilespmem:s25+$0xF0] =	vst v50;
	v3 =	vmov s3;
	v61 =	vld.idx.msk [tilespmem:v13+s4+$0x0], $0xffff  }
0x9c: {  	v35 =	vmov s11;
	v18 =	vand.u32 $0x72, v31;
	v58 =	vld.idx.msk [tilespmem:v54+s4+$0x0], $0xffff;
	v3 =	vand.u32 $0x7A, v3;
	[tilespmem:s26+$0x90] =	vst v2  }
0x9d: {  	v34 =	vbroadcast v18, $0x0;
	[tilespmem:s24+$0x40] =	vst v6;
	v2 =	vbroadcast v3, $0x0;
	v3 =	vor.u32 v1, v4;
	v26 =	vld.idx.msk [tilespmem:v25+s4+$0x0], $0xffff  }
0x9e: {  	v27 =	vor.u32 v1, v19;
	v18 =	vand.u32 $0x76, v35;
	v8 =	vld.idx.msk [tilespmem:v8+s4+$0x0], $0xffff;
	[tilespmem:s26+$0xFFFFFF30] =	vst v14  }
0x9f: {  	v18 =	vbroadcast v18, $0x0;
	v37 =	vor.u32 v0, v34;
	s3 =	sadd.s32 $0xFFFFFFFF, s28;
	[tilespmem:s26+$0xFFFFFFA0] =	vst v11;
	v16 =	vld.idx.msk [tilespmem:v30+s4+$0x0], $0xffff  }
0xa0: {  	v59 =	vor.u32 v1, v23;
	v33 =	vmov s3;
	v40 =	vld.idx.msk [tilespmem:v24+s4+$0x0], $0xffff;
	[tilespmem:s26+$0x20] =	vst v61  }
0xa1: {  	v42 =	vor.u32 v0, v18;
	v9 =	vand.u32 $0x7E, v33;
	[tilespmem:s24+$0xC0] =	vst v58;
	v17 =	vld.idx.msk [tilespmem:v17+s4+$0x0], $0xffff  }
0xa2: {  	v9 =	vbroadcast v9, $0x0;
	v29 =	vor.u32 v0, v2;
	v3 =	vld.idx.msk [tilespmem:v3+s4+$0x0], $0xffff;
	[tilespmem:s26+$0xA0] =	vst v26  }
0xa3: {  	s12 =	sadd.s32 $0xFFFFFFF8, s30;
	v28 =	vor.u32 v0, v7;
	[tilespmem:s24+$0x50] =	vst v8;
	v38 =	vld.idx.msk [tilespmem:v27+s4+$0x0], $0xffff  }
0xa4: {  	v36 =	vmov s12;
	v45 =	vld.idx.msk [tilespmem:v37+s4+$0x0], $0xffff;
	v41 =	vor.u32 v0, v9;
	[tilespmem:s24+$0xFFFFFF60] =	vst v16  }
0xa5: {  	v39 =	vand.u32 $0x77, v36;
	v47 =	vor.u32 v1, v34;
	v12 =	vld.idx.msk [tilespmem:v59+s4+$0x0], $0xffff;
	[tilespmem:s26+$0xFFFFFFB0] =	vst v40  }
0xa6: {  	v32 =	vmov s30;
	v13 =	vbroadcast v39, $0x0;
	v4 =	vor.u32 v1, v63;
	v49 =	vld.idx.msk [tilespmem:v42+s4+$0x0], $0xffff;
	[tilespmem:s26+$0x30] =	vst v17  }
0xa7: {  	s29 =	sadd.s32 $0xFFFFFFF4, s28;
	v50 =	vor.u32 v1, v18;
	v6 =	vand.u32 $0x7F, v32;
	[tilespmem:s24+$0xD0] =	vst v3;
	v3 =	vld.idx.msk [tilespmem:v29+s4+$0x0], $0xffff  }
0xa8: {  	s30 =	sadd.s32 $0xFFFFFFF8, s28;
	v51 =	vmov s29;
	v6 =	vbroadcast v6, $0x0;
	v44 =	vor.u32 v0, v13;
	v15 =	vld.idx.msk [tilespmem:v28+s4+$0x0], $0xffff;
	[tilespmem:s26+$0xB0] =	vst v38  }
0xa9: {  	v54 =	vmov s30;
	v2 =	vor.u32 v1, v2;
	v16 =	vand.u32 $0x73, v51;
	[tilespmem:s26+$0xFFFFFF40] =	vst v45;
	v48 =	vld.idx.msk [tilespmem:v41+s4+$0x0], $0xffff  }
0xaa: {  	s25 =	sadd.s32 $0xFFFFFFFC, s28;
	[tilespmem:s24+$0xFFFFFFD0] =	vst v12;
	v9 =	vor.u32 v1, v9;
	v53 =	vbroadcast v16, $0x0;
	v11 =	vld.idx.msk [tilespmem:v47+s4+$0x0], $0xffff;
	v16 =	vand.u32 $0x77, v54  }
0xab: {  	v46 =	vmov s25;
	v43 =	vor.u32 v0, v6;
	v4 =	vld.idx.msk [tilespmem:v4+s4+$0x0], $0xffff;
	v57 =	vbroadcast v16, $0x0;
	[tilespmem:s26+$0xFFFFFFC0] =	vst v49  }
0xac: {  	v10 =	vand.u32 $0x7B, v46;
	v56 =	vor.u32 v0, v53;
	v58 =	vld.idx.msk [tilespmem:v50+s4+$0x0], $0xffff;
	[tilespmem:s26+$0x40] =	vst v3;
	v3 =	vmov s28  }
0xad: {  	v10 =	vbroadcast v10, $0x0;
	v16 =	vor.u32 v0, v57;
	[tilespmem:s24+$0x60] =	vst v15;
	v17 =	vld.idx.msk [tilespmem:v44+s4+$0x0], $0xffff;
	v3 =	vand.u32 $0x7F, v3  }
0xae: {  	v52 =	vor.u32 v1, v7;
	v2 =	vld.idx.msk [tilespmem:v2+s4+$0x0], $0xffff;
	[tilespmem:s26+$0xC0] =	vst v48;
	v3 =	vbroadcast v3, $0x0  }
0xaf: {  	v55 =	vor.u32 v0, v10;
	[tilespmem:s26+$0xFFFFFF50] =	vst v11;
	v9 =	vld.idx.msk [tilespmem:v9+s4+$0x0], $0xffff  }
0xb0: {  	[tilespmem:s24+$0xFFFFFF70] =	vst v4;
	v12 =	vld.idx.msk [tilespmem:v43+s4+$0x0], $0xffff;
	v59 =	vor.u32 v0, v3  }
0xb1: {  	v6 =	vor.u32 v1, v6;
	v8 =	vld.idx.msk [tilespmem:v56+s4+$0x0], $0xffff;
	[tilespmem:s26+$0xFFFFFFD0] =	vst v58  }
0xb2: {  	v5 =	vor.u32 v1, v53;
	[tilespmem:s24+$0xFFFFFFE0] =	vst v17;
	v61 =	vld.idx.msk [tilespmem:v16+s4+$0x0], $0xffff  }
0xb3: {  	v62 =	vor.u32 v1, v57;
	v7 =	vld.idx.msk [tilespmem:v52+s4+$0x0], $0xffff;
	[tilespmem:s26+$0x50] =	vst v2  }
0xb4: {  	v2 =	vor.u32 v1, v13;
	v60 =	vld.idx.msk [tilespmem:v55+s4+$0x0], $0xffff;
	[tilespmem:s26+$0xD0] =	vst v9  }
0xb5: {  	v10 =	vor.u32 v1, v10;
	[tilespmem:s24+$0xE0] =	vst v12;
	v9 =	vld.idx.msk [tilespmem:v59+s4+$0x0], $0xffff  }
0xb6: {  	v6 =	vld.idx.msk [tilespmem:v6+s4+$0x0], $0xffff;
	[tilespmem:s26+$0xFFFFFF60] =	vst v8;
	v3 =	vor.u32 v1, v3  }
0xb7: {  	v5 =	vld.idx.msk [tilespmem:v5+s4+$0x0], $0xffff;
	[tilespmem:s26+$0xFFFFFFE0] =	vst v61  }
0xb8: {  	[tilespmem:s24+$0x70] =	vst v7;
	v4 =	vld.idx.msk [tilespmem:v62+s4+$0x0], $0xffff  }
0xb9: {  	v2 =	vld.idx.msk [tilespmem:v2+s4+$0x0], $0xffff;
	[tilespmem:s26+$0x60] =	vst v60  }
0xba: {  	v63 =	vld.idx.msk [tilespmem:v10+s4+$0x0], $0xffff;
	[tilespmem:s26+$0xE0] =	vst v9  }
0xbb: {  	[tilespmem:s24+$0xF0] =	vst v6;
	v3 =	vld.idx.msk [tilespmem:v3+s4+$0x0], $0xffff  }
0xbc: {  	[tilespmem:s26+$0xFFFFFF70] =	vst v5  }
0xbd: {  	s31 =	sadd.s32 s6, s23;
	[tilespmem:s26+$0xFFFFFFF0] =	vst v4  }
0xbe: {  	s2 =	sshll.u32 s31, $0x9;
	[tilespmem:s24+$0xFFFFFFF0] =	vst v2  }
0xbf: {  	s2 =	sand.u32 $0x1FFFFE00, s2;
	[tilespmem:s26+$0x70] =	vst v63  }
0xc0: {  	s2 =	sadd.s32 s5, s2;
	[tilespmem:s26+$0xF0] =	vst v3  }
0xc1: {  	[hbm4b:s2+s4] =	stream.linear.scatter [tilespmem:s14], [sflag:$0x3], $0x1000, $0x38;
	[tilespmem:$0x4000] =	vst v63  }
.LBB2_6:
0xc2: {  	p1 =	sge.u32 s22, s7  }
.Ltmp6:
0xc3: {  	_ = 	snop;
	(pc) =	sbr.rel @p1 .LBB2_10-.Ltmp6, $1  }
0xc4: {  	_ =	sdelay $0x3  }
0xc5: {  	s2 =	sadd.s32 $0x2, s23;
	s3 =	simm.s32 $0x0  }
0xc6: {  	s25 =	simm.s32 $0x8;
	s11 =	simm.s32 $0x4;
	_ =	swait.ge [sflag:s15], $0x1000  }
0xc7: {  	s26 =	simm.s32 $0xC;
	s31 =	simm.s32 $0x1;
	p1 =	sge.u32 s2, s7;
	v2 =	vmov s3  }
0xc8: {  	s23 =	simm.s32 $0x9;
	s24 =	simm.s32 $0xD;
	v3 =	vmov s25;
	v4 =	vmov s11;
	v5 =	vmov s26;
	s2 =	sadd.s32 @!p1 s6, s2  }
0xc9: {  	[sflag:s15] =	ssyncset.done $0x0;
	v9 =	vmov s31;
	v12 =	vmov s23;
	s26 =	simm.s32 $0x10;
	v2 =	vand.u32 $0x70, v2;
	s2 =	sshll.u32 @!p1 s2, $0x7  }
0xca: {  	v13 =	vmov s24;
	v4 =	vand.u32 $0x74, v4;
	v3 =	vand.u32 $0x78, v3;
	[sflag:s15] =	ssyncadd.s32 $0xFFFFF000;
	s3 =	simm.s32 @!p1 $0x400;
	s2 =	sand.u32 @!p1 $0x1FFFFF80, s2  }
0xcb: {  	v5 =	vand.u32 $0x7C, v5;
	s11 =	simm.s32 @!p1 $0x7A1400;
	s12 =	simm.s32 @!p1 $0x0;
	v9 =	vand.u32 $0x71, v9;
	v2 =	vbroadcast v2, $0x0;
	s2 =	sadd.s32 @!p1 s1, s2  }
0xcc: {  	v12 =	vand.u32 $0x79, v12;
	v13 =	vand.u32 $0x7D, v13;
	v4 =	vbroadcast v4, $0x0;
	[tilespmem:s12], [sflag:$0x1] =	stream.strided.gather @!p1 [hbm4b:s2+s3], $0x1000, s11, s3, $0x38;
	[tilespmem:$0x4000] =	vst v63  }
0xcd: {  	s31 =	simm.s32 $0x18;
	v17 =	vmov s26;
	v3 =	vbroadcast v3, $0x0;
	v6 =	vor.u32 v0, v2;
	p1 =	seq.s32 s21, $0x0  }
0xce: {  	v18 =	vmov s31;
	v5 =	vbroadcast v5, $0x0;
	v7 =	vor.u32 v0, v4;
	s3 =	simm.s32 @!p1 $0x4  }
0xcf: {  	v9 =	vbroadcast v9, $0x0;
	v12 =	vbroadcast v12, $0x0;
	v8 =	vor.u32 v0, v3;
	_ =	swait.ge @!p1 [sflag:s3], $0x1000  }
0xd0: {  	v13 =	vbroadcast v13, $0x0;
	v17 =	vand.u32 $0x70, v17;
	v10 =	vor.u32 v0, v5;
	s12 =	simm.s32 $0x5;
	[sflag:s3] =	ssyncset.done @!p1 $0x0  }
0xd1: {  	v17 =	vbroadcast v17, $0x0;
	v2 =	vor.u32 v1, v2;
	v11 =	vmov s12;
	[sflag:s3] =	ssyncadd.s32 @!p1 $0xFFFFF000  }
0xd2: {  	v4 =	vor.u32 v1, v4;
	v5 =	vor.u32 v1, v5;
	v11 =	vand.u32 $0x75, v11;
	v6 =	vld.idx.msk [tilespmem:v6+s16+$0x0], $0xffff  }
0xd3: {  	v3 =	vor.u32 v1, v3;
	v14 =	vor.u32 v0, v9;
	v11 =	vbroadcast v11, $0x0;
	v7 =	vld.idx.msk [tilespmem:v7+s16+$0x0], $0xffff  }
0xd4: {  	v16 =	vor.u32 v0, v12;
	v20 =	vor.u32 v0, v13;
	v12 =	vor.u32 v1, v12;
	s11 =	simm.s32 $0x1C;
	s3 =	simm.s32 $0x14;
	v8 =	vld.idx.msk [tilespmem:v8+s16+$0x0], $0xffff  }
0xd5: {  	s25 =	simm.s32 $0xA;
	v21 =	vmov s11;
	v15 =	vor.u32 v0, v11;
	v19 =	vmov s3;
	v10 =	vld.idx.msk [tilespmem:v10+s16+$0x0], $0xffff  }
0xd6: {  	s24 =	simm.s32 $0x31F0;
	v22 =	vor.u32 v1, v11;
	v11 =	vmov s25;
	v19 =	vand.u32 $0x74, v19  }
0xd7: {  	v11 =	vand.u32 $0x7A, v11;
	[tilespmem:s24+$0xFFFFFE10] =	vst v6;
	v6 =	vand.u32 $0x78, v18;
	v18 =	vbroadcast v19, $0x0  }
0xd8: {  	v19 =	vand.u32 $0x7C, v21;
	v21 =	vbroadcast v11, $0x0;
	v11 =	vor.u32 v0, v17;
	[tilespmem:s24+$0xFFFFFE90] =	vst v7;
	v2 =	vld.idx.msk [tilespmem:v2+s16+$0x0], $0xffff  }
0xd9: {  	s23 =	simm.s32 $0x15;
	v13 =	vor.u32 v1, v13;
	v27 =	vor.u32 v1, v17;
	s12 =	simm.s32 $0x11;
	[tilespmem:s24+$0xFFFFFF10] =	vst v8;
	v4 =	vld.idx.msk [tilespmem:v4+s16+$0x0], $0xffff  }
0xda: {  	s3 =	simm.s32 $0x6;
	v7 =	vmov s12;
	v17 =	vmov s23;
	[tilespmem:s24+$0xFFFFFF90] =	vst v10;
	v6 =	vbroadcast v6, $0x0;
	v3 =	vld.idx.msk [tilespmem:v3+s16+$0x0], $0xffff  }
0xdb: {  	v19 =	vbroadcast v19, $0x0;
	v7 =	vand.u32 $0x71, v7;
	v31 =	vld.idx.msk [tilespmem:v5+s16+$0x0], $0xffff;
	v5 =	vmov s3  }
0xdc: {  	s25 =	simm.s32 $0x19;
	v23 =	vor.u32 v0, v18;
	v26 =	vor.u32 v0, v21;
	v28 =	vor.u32 v1, v18  }
0xdd: {  	v8 =	vbroadcast v7, $0x0;
	v18 =	vmov s25;
	v24 =	vor.u32 v0, v6;
	v29 =	vld.idx.msk [tilespmem:v11+s16+$0x0], $0xffff;
	[tilespmem:s24+$0xFFFFFE20] =	vst v2  }
0xde: {  	s31 =	simm.s32 $0x2;
	v25 =	vor.u32 v0, v19;
	v7 =	vor.u32 v1, v19;
	v18 =	vand.u32 $0x79, v18;
	[tilespmem:s24+$0xFFFFFEA0] =	vst v4;
	v14 =	vld.idx.msk [tilespmem:v14+s16+$0x0], $0xffff  }
0xdf: {  	s26 =	simm.s32 $0x1D;
	v10 =	vbroadcast v18, $0x0;
	v18 =	vmov s31;
	v2 =	vor.u32 v1, v9;
	[tilespmem:s24+$0xFFFFFF20] =	vst v3;
	v15 =	vld.idx.msk [tilespmem:v15+s16+$0x0], $0xffff  }
0xe0: {  	s31 =	simm.s32 $0x24;
	v9 =	vand.u32 $0x75, v17;
	v17 =	vor.u32 v1, v6;
	v4 =	vmov s26;
	[tilespmem:s24+$0xFFFFFFA0] =	vst v31;
	v16 =	vld.idx.msk [tilespmem:v16+s16+$0x0], $0xffff  }
0xe1: {  	v6 =	vor.u32 v0, v8;
	v31 =	vmov s31;
	v4 =	vand.u32 $0x7D, v4;
	v20 =	vld.idx.msk [tilespmem:v20+s16+$0x0], $0xffff  }
0xe2: {  	s23 =	simm.s32 $0x33F0;
	v8 =	vor.u32 v1, v8;
	v9 =	vbroadcast v9, $0x0;
	v23 =	vld.idx.msk [tilespmem:v23+s16+$0x0], $0xffff;
	v30 =	vbroadcast v4, $0x0  }
0xe3: {  	v11 =	vld.idx.msk [tilespmem:v24+s16+$0x0], $0xffff;
	v24 =	vor.u32 v1, v21;
	v4 =	vand.u32 $0x72, v18;
	v18 =	vor.u32 v0, v10;
	[tilespmem:s23+$0xFFFFFE10] =	vst v29  }
0xe4: {  	s12 =	simm.s32 $0x1A;
	v19 =	vor.u32 v0, v9;
	v3 =	vor.u32 v0, v30;
	v27 =	vld.idx.msk [tilespmem:v27+s16+$0x0], $0xffff;
	[tilespmem:s24+$0xFFFFFE30] =	vst v14;
	v14 =	vbroadcast v4, $0x0  }
0xe5: {  	s11 =	simm.s32 $0xB;
	v4 =	vand.u32 $0x76, v5;
	[tilespmem:s24+$0xFFFFFEB0] =	vst v15;
	v5 =	vor.u32 v1, v9;
	v15 =	vmov s12;
	v32 =	vld.idx.msk [tilespmem:v2+s16+$0x0], $0xffff  }
0xe6: {  	s25 =	simm.s32 $0x20;
	[tilespmem:s24+$0xFFFFFF30] =	vst v16;
	v29 =	vbroadcast v4, $0x0;
	v2 =	vmov s11;
	v4 =	vor.u32 v1, v10;
	v10 =	vld.idx.msk [tilespmem:v25+s16+$0x0], $0xffff  }
0xe7: {  	[tilespmem:s24+$0xFFFFFFB0] =	vst v20;
	v25 =	vmov s25;
	v12 =	vld.idx.msk [tilespmem:v12+s16+$0x0], $0xffff;
	v15 =	vand.u32 $0x7A, v15;
	s11 =	simm.s32 $0x2C;
	v33 =	vor.u32 v0, v14  }
0xe8: {  	[tilespmem:s23+$0xFFFFFE90] =	vst v23;
	v22 =	vld.idx.msk [tilespmem:v22+s16+$0x0], $0xffff;
	v2 =	vand.u32 $0x7B, v2;
	v25 =	vand.u32 $0x70, v25;
	v60 =	vmov s11  }
0xe9: {  	s26 =	simm.s32 $0x28;
	v13 =	vld.idx.msk [tilespmem:v13+s16+$0x0], $0xffff;
	[tilespmem:s23+$0xFFFFFF10] =	vst v11;
	v35 =	vbroadcast v15, $0x0;
	v14 =	vor.u32 v1, v14;
	v9 =	vor.u32 v0, v29  }
0xea: {  	v17 =	vld.idx.msk [tilespmem:v17+s16+$0x0], $0xffff;
	v21 =	vbroadcast v2, $0x0;
	v2 =	vor.u32 v1, v30;
	v30 =	vmov s26;
	[tilespmem:s23+$0xFFFFFE20] =	vst v27  }
0xeb: {  	v16 =	vbroadcast v25, $0x0;
	v25 =	vand.u32 $0x74, v31;
	v27 =	vand.u32 $0x78, v30;
	v30 =	vld.idx.msk [tilespmem:v6+s16+$0x0], $0xffff;
	[tilespmem:s24+$0xFFFFFE40] =	vst v32  }
0xec: {  	s3 =	simm.s32 $0xE;
	v23 =	vor.u32 v1, v29;
	v25 =	vbroadcast v25, $0x0;
	v34 =	vor.u32 v0, v21;
	[tilespmem:s24+$0xFFFFFF40] =	vst v12;
	v15 =	vld.idx.msk [tilespmem:v33+s16+$0x0], $0xffff  }
0xed: {  	s12 =	simm.s32 $0x3;
	v31 =	vor.u32 v0, v16;
	v27 =	vbroadcast v27, $0x0;
	v6 =	vmov s3;
	[tilespmem:s23+$0xFFFFFF90] =	vst v10;
	v26 =	vld.idx.msk [tilespmem:v26+s16+$0x0], $0xffff  }
0xee: {  	v38 =	vor.u32 v1, v16;
	v16 =	vmov s12;
	v21 =	vor.u32 v1, v21;
	[tilespmem:s24+$0xFFFFFEC0] =	vst v22;
	v44 =	vld.idx.msk [tilespmem:v7+s16+$0x0], $0xffff  }
0xef: {  	v6 =	vand.u32 $0x7E, v6;
	v22 =	vand.u32 $0x7C, v60;
	v36 =	vor.u32 v0, v25;
	v62 =	vld.idx.msk [tilespmem:v9+s16+$0x0], $0xffff  }
0xf0: {  	s31 =	simm.s32 $0x29;
	v61 =	vor.u32 v0, v27;
	v20 =	vbroadcast v6, $0x0;
	[tilespmem:s23+$0xFFFFFF20] =	vst v17;
	v9 =	vor.u32 v1, v25;
	v25 =	vld.idx.msk [tilespmem:v28+s16+$0x0], $0xffff  }
0xf1: {  	s26 =	simm.s32 $0x25;
	v16 =	vand.u32 $0x73, v16;
	[tilespmem:s24+$0xFFFFFFC0] =	vst v13;
	v13 =	vmov s31;
	v22 =	vbroadcast v22, $0x0;
	v33 =	vld.idx.msk [tilespmem:v18+s16+$0x0], $0xffff  }
0xf2: {  	v29 =	vor.u32 v0, v20;
	v28 =	vor.u32 v1, v20;
	v20 =	vmov s26;
	v31 =	vld.idx.msk [tilespmem:v31+s16+$0x0], $0xffff;
	[tilespmem:s23+$0xFFFFFE30] =	vst v30  }
0xf3: {  	v39 =	vbroadcast v16, $0x0;
	v13 =	vand.u32 $0x79, v13;
	v16 =	vand.u32 $0x75, v20;
	v20 =	vld.idx.msk [tilespmem:v8+s16+$0x0], $0xffff  }
0xf4: {  	v6 =	vor.u32 v0, v35;
	v41 =	vbroadcast v13, $0x0;
	v37 =	vor.u32 v0, v22;
	v36 =	vld.idx.msk [tilespmem:v36+s16+$0x0], $0xffff  }
0xf5: {  	v10 =	vor.u32 v1, v22;
	v40 =	vor.u32 v0, v39;
	s26 =	simm.s32 $0x16;
	[tilespmem:s24+$0xFFFFFE50] =	vst v15;
	v12 =	vld.idx.msk [tilespmem:v61+s16+$0x0], $0xffff  }
0xf6: {  	s25 =	simm.s32 $0x21;
	v13 =	vor.u32 v0, v41;
	v7 =	vmov s26;
	v17 =	vor.u32 v1, v41;
	v63 =	vld.idx.msk [tilespmem:v14+s16+$0x0], $0xffff  }
0xf7: {  	v8 =	vor.u32 v1, v35;
	v7 =	vand.u32 $0x76, v7;
	v15 =	vmov s25;
	[tilespmem:s24+$0xFFFFFF50] =	vst v26;
	v29 =	vld.idx.msk [tilespmem:v29+s16+$0x0], $0xffff  }
0xf8: {  	s11 =	simm.s32 $0x2D;
	s3 =	simm.s32 $0xF;
	v26 =	vbroadcast v16, $0x0;
	s25 =	simm.s32 $0x12;
	[tilespmem:s23+$0xFFFFFFA0] =	vst v44;
	v15 =	vand.u32 $0x71, v15;
	v14 =	vor.u32 v1, v27;
	v24 =	vld.idx.msk [tilespmem:v24+s16+$0x0], $0xffff  }
0xf9: {  	s12 =	simm.s32 $0x7;
	[tilespmem:s23+$0xFFFFFEA0] =	vst v25;
	v25 =	vmov s3;
	v27 =	vmov s11;
	v30 =	vmov s25  }
0xfa: {  	s28 =	simm.s32 $0x35F0;
	[tilespmem:s24+$0xFFFFFED0] =	vst v62;
	v15 =	vbroadcast v15, $0x0;
	v11 =	vor.u32 v0, v26;
	v42 =	vld.idx.msk [tilespmem:v19+s16+$0x0], $0xffff;
	v19 =	vmov s12  }
0xfb: {  	v25 =	vand.u32 $0x7F, v25;
	v27 =	vand.u32 $0x7D, v27;
	v43 =	vld.idx.msk [tilespmem:v23+s16+$0x0], $0xffff;
	[tilespmem:s28+$0xFFFFFE10] =	vst v31;
	v23 =	vand.u32 $0x77, v19  }
0xfc: {  	v22 =	vld.idx.msk [tilespmem:v37+s16+$0x0], $0xffff;
	v19 =	vbroadcast v27, $0x0;
	v27 =	vand.u32 $0x72, v30;
	v32 =	vbroadcast v25, $0x0;
	[tilespmem:s24+$0xFFFFFFD0] =	vst v29  }
0xfd: {  	s31 =	simm.s32 $0x1B;
	v16 =	vor.u32 v0, v15;
	v45 =	vbroadcast v23, $0x0;
	[tilespmem:s23+$0xFFFFFE40] =	vst v20;
	v20 =	vbroadcast v27, $0x0;
	v35 =	vld.idx.msk [tilespmem:v28+s16+$0x0], $0xffff  }
0xfe: {  	v31 =	vld.idx.msk [tilespmem:v38+s16+$0x0], $0xffff;
	v23 =	vbroadcast v7, $0x0;
	v7 =	vmov s31;
	v25 =	vor.u32 v0, v19;
	[tilespmem:s24+$0xFFFFFE60] =	vst v63  }
0xff: {  	v37 =	vor.u32 v0, v32;
	v30 =	vor.u32 v0, v45;
	[tilespmem:s24+$0xFFFFFF60] =	vst v24;
	v27 =	vor.u32 v0, v20  }
0x100: {  	s29 =	simm.s32 $0x1F;
	s30 =	simm.s32 $0x8;
	s2 =	simm.s32 $0x3F;
	v7 =	vand.u32 $0x7B, v7;
	v24 =	vor.u32 v1, v26;
	v26 =	vor.u32 v0, v23;
	v34 =	vld.idx.msk [tilespmem:v34+s16+$0x0], $0xffff;
	[tilespmem:s23+$0xFFFFFEB0] =	vst v42  }
0x101: {  	s26 =	simm.s32 $0x2F;
	s3 =	simm.s32 $0x2A;
	s25 =	simm.s32 $0x35F0;
	v7 =	vbroadcast v7, $0x0;
	v29 =	vor.u32 v1, v39;
	v38 =	vld.idx.msk [tilespmem:v40+s16+$0x0], $0xffff;
	[tilespmem:s24+$0xFFFFFEE0] =	vst v43;
	v28 =	vor.u32 v1, v45  }
.LBB2_8:
0x102: {  	s11 =	sadd.s32 $0xFFFFFFF1, s2;
	s12 =	sadd.s32 $0xFFFFFFF9, s2;
	s30 =	sadd.s32 $0x4, s30;
	v39 =	vmov s3;
	v19 =	vor.u32 v1, v19;
	v40 =	vld.idx.msk [tilespmem:v3+s16+$0x0], $0xffff;
	[tilespmem:s24+$0xFFFFFFE0] =	vst v35;
	v32 =	vor.u32 v1, v32;
	v3 =	vmovc v25  }
0x103: {  	s3 =	sadd.s32 $0xFFFFFFF5, s2;
	v25 =	vmov s11;
	v35 =	vmov s12;
	p1 =	slt.u32 s30, $0x1C;
	[tilespmem:s28+$0xFFFFFF90] =	vst v22;
	v22 =	vld.idx.msk [tilespmem:v5+s16+$0x0], $0xffff;
	v18 =	vor.u32 v0, v7;
	v5 =	vmovc v24  }
0x104: {  	v24 =	vand.u32 $0x70, v25;
	v25 =	vmov s3;
	[tilespmem:s28+$0xFFFFFE20] =	vst v31;
	v31 =	vand.u32 $0x7A, v39;
	v37 =	vld.idx.msk [tilespmem:v37+s16+$0x0], $0xffff  }
0x105: {  	v35 =	vand.u32 $0x78, v35;
	s3 =	sadd.s32 $0xFFFFFFFD, s2;
	v24 =	vbroadcast v24, $0x0;
	v25 =	vand.u32 $0x74, v25;
	v16 =	vld.idx.msk [tilespmem:v16+s16+$0x0], $0xffff;
	[tilespmem:s24+$0xFFFFFF70] =	vst v34  }
0x106: {  	v34 =	vmov s3;
	v31 =	vbroadcast v31, $0x0;
	v25 =	vbroadcast v25, $0x0;
	[tilespmem:s24+$0xFFFFFE70] =	vst v38;
	v38 =	vld.idx.msk [tilespmem:v21+s16+$0x0], $0xffff  }
0x107: {  	v35 =	vbroadcast v35, $0x0;
	v34 =	vand.u32 $0x7C, v34;
	v39 =	vor.u32 v0, v24;
	[tilespmem:s23+$0xFFFFFF30] =	vst v33;
	v30 =	vld.idx.msk [tilespmem:v30+s16+$0x0], $0xffff  }
0x108: {  	v23 =	vor.u32 v1, v23;
	v33 =	vbroadcast v34, $0x0;
	v21 =	vor.u32 v0, v25;
	[tilespmem:s28+$0xFFFFFE90] =	vst v36;
	v34 =	vld.idx.msk [tilespmem:v4+s16+$0x0], $0xffff  }
0x109: {  	v20 =	vor.u32 v1, v20;
	s3 =	sadd.s32 $0xFFFFFFFF, s29;
	v36 =	vor.u32 v0, v35;
	v4 =	vmov v17;
	v27 =	vld.idx.msk [tilespmem:v27+s16+$0x0], $0xffff;
	[tilespmem:s23+$0xFFFFFEC0] =	vst v22  }
0x10a: {  	v17 =	vor.u32 v0, v33;
	v22 =	vmov s3;
	v29 =	vld.idx.msk [tilespmem:v29+s16+$0x0], $0xffff;
	[tilespmem:s24+$0xFFFFFFF0] =	vst v37  }
0x10b: {  	[tilespmem:s28+$0xFFFFFE30] =	vst v16;
	v16 =	vand.u32 $0x7E, v22;
	v22 =	vld.idx.msk [tilespmem:v32+s16+$0x0], $0xffff  }
0x10c: {  	v26 =	vld.idx.msk [tilespmem:v26+s16+$0x0], $0xffff;
	[tilespmem:s23+$0xFFFFFFB0] =	vst v40;
	v16 =	vbroadcast v16, $0x0  }
0x10d: {  	v32 =	vor.u32 v0, v31;
	v37 =	vld.idx.msk [tilespmem:v2+s16+$0x0], $0xffff;
	[tilespmem:s24+$0xFFFFFEF0] =	vst v30;
	v2 =	vmov v19  }
0x10e: {  	v24 =	vor.u32 v1, v24;
	[tilespmem:s23+$0xFFFFFF40] =	vst v34;
	v19 =	vor.u32 v0, v16;
	v28 =	vld.idx.msk [tilespmem:v28+s16+$0x0], $0xffff  }
0x10f: {  	v25 =	vor.u32 v1, v25;
	s3 =	sadd.s32 $0xFFFFFFF4, s29;
	v30 =	vor.u32 v1, v15;
	[tilespmem:s23+$0xFFFFFE50] =	vst v27;
	v27 =	vld.idx.msk [tilespmem:v6+s16+$0x0], $0xffff;
	v6 =	vmov v32  }
0x110: {  	s11 =	sadd.s32 $0xFFFFFFF2, s2;
	v15 =	vmov s3;
	v34 =	vor.u32 v1, v16;
	v32 =	vld.idx.msk [tilespmem:v39+s16+$0x0], $0xffff;
	[tilespmem:s24+$0xFFFFFF80] =	vst v38  }
0x111: {  	v33 =	vor.u32 v1, v33;
	s28 =	sadd.s32 $0x200, s28;
	s3 =	sadd.s32 $0xFFFFFFF6, s2;
	v16 =	vmov s11;
	v15 =	vand.u32 $0x73, v15;
	v38 =	vld.idx.msk [tilespmem:v9+s16+$0x0], $0xffff;
	[tilespmem:s24+$0xFFFFFE80] =	vst v29;
	v9 =	vmovc v25  }
0x112: {  	v16 =	vand.u32 $0x71, v16;
	v25 =	vmov s3;
	v29 =	vld.idx.msk [tilespmem:v36+s16+$0x0], $0xffff;
	v36 =	vbroadcast v15, $0x0;
	[tilespmem:s24+$0x0] =	vst v22  }
0x113: {  	s3 =	sadd.s32 $0xFFFFFFFA, s2;
	v15 =	vbroadcast v16, $0x0;
	v16 =	vand.u32 $0x75, v25;
	v25 =	vor.u32 v1, v35;
	v20 =	vld.idx.msk [tilespmem:v20+s16+$0x0], $0xffff;
	[tilespmem:s23+$0xFFFFFFC0] =	vst v37  }
0x114: {  	v22 =	vmov s3;
	v39 =	vbroadcast v16, $0x0;
	v40 =	vor.u32 v0, v36;
	v35 =	vld.idx.msk [tilespmem:v19+s16+$0x0], $0xffff;
	[tilespmem:s24+$0xFFFFFF00] =	vst v28;
	s24 =	smov.u32 s23;
	s23 =	smov.u32 s25;
	s25 =	smov.u32 s28  }
0x115: {  	v16 =	vor.u32 v0, v15;
	v19 =	vand.u32 $0x79, v22;
	v22 =	vor.u32 v1, v31;
	v28 =	vld.idx.msk [tilespmem:v30+s16+$0x0], $0xffff;
	[tilespmem:s24+$0xFFFFFF50] =	vst v27  }
0x116: {  	v27 =	vor.u32 v0, v39;
	v41 =	vbroadcast v19, $0x0;
	[tilespmem:s28+$0xFFFFFE10] =	vst v32;
	v37 =	vld.idx.msk [tilespmem:v8+s16+$0x0], $0xffff;
	v8 =	vmov v22  }
0x117: {  	v22 =	vld.idx.msk [tilespmem:v17+s16+$0x0], $0xffff;
	[tilespmem:s23+$0xFFFFFF10] =	vst v12  }
0x118: {  	s11 =	sadd.s32 $0xFFFFFFF8, s29;
	s3 =	sadd.s32 $0xFFFFFFFE, s2;
	v19 =	vmov s29;
	s29 =	smov.u32 s26;
	v42 =	vor.u32 v0, v41;
	v12 =	vmovc v29;
	[tilespmem:s23+$0xFFFFFEA0] =	vst v38;
	v17 =	vld.idx.msk [tilespmem:v14+s16+$0x0], $0xffff;
	v14 =	vmov v25  }
0x119: {  	s26 =	smov.u32 s2;
	v30 =	vand.u32 $0x7F, v19;
	v25 =	vmov s3;
	s3 =	sadd.s32 $0xFFFFFFF3, s29;
	v29 =	vld.idx.msk [tilespmem:v11+s16+$0x0], $0xffff;
	[tilespmem:s24+$0xFFFFFED0] =	vst v26;
	v26 =	vmov s11;
	v11 =	vmovc v27  }
0x11a: {  	v19 =	vand.u32 $0x7D, v25;
	v25 =	vmov s3;
	[tilespmem:s24+$0xFFFFFE60] =	vst v20;
	v43 =	vld.idx.msk [tilespmem:v23+s16+$0x0], $0xffff;
	v20 =	vand.u32 $0x77, v26  }
0x11b: {  	s3 =	sadd.s32 $0xFFFFFFF7, s29;
	v19 =	vbroadcast v19, $0x0;
	v23 =	vand.u32 $0x72, v25;
	v44 =	vld.idx.msk [tilespmem:v10+s16+$0x0], $0xffff;
	v45 =	vbroadcast v20, $0x0;
	[tilespmem:s24+$0xFFFFFFD0] =	vst v35;
	v10 =	vmovc v33  }
0x11c: {  	v32 =	vbroadcast v30, $0x0;
	v20 =	vbroadcast v23, $0x0;
	v23 =	vmov s3;
	[tilespmem:s23+$0xFFFFFE40] =	vst v28;
	v35 =	vld.idx.msk [tilespmem:v34+s16+$0x0], $0xffff  }
.Ltmp7:
0x11d: {  	v25 =	vor.u32 v0, v19;
	v23 =	vand.u32 $0x76, v23;
	v31 =	vld.idx.msk [tilespmem:v24+s16+$0x0], $0xffff;
	v30 =	vor.u32 v0, v45;
	[tilespmem:s24+$0xFFFFFF60] =	vst v37;
	(pc) =	sbr.rel @p1 .LBB2_8-.Ltmp7, $4  }
0x11e: {  	s3 =	sadd.s32 $0xFFFFFFFC, s29;
	v27 =	vor.u32 v0, v20;
	v23 =	vbroadcast v23, $0x0;
	v37 =	vor.u32 v0, v32;
	[tilespmem:s23+$0xFFFFFF20] =	vst v17;
	v34 =	vld.idx.msk [tilespmem:v18+s16+$0x0], $0xffff  }
0x11f: {  	v17 =	vor.u32 v1, v41;
	v18 =	vmov s3;
	[tilespmem:s23+$0xFFFFFEB0] =	vst v29;
	v33 =	vld.idx.msk [tilespmem:v13+s16+$0x0], $0xffff;
	v29 =	vor.u32 v1, v36;
	v13 =	vmovc v42  }
0x120: {  	v24 =	vor.u32 v1, v39;
	v26 =	vor.u32 v0, v23;
	v18 =	vand.u32 $0x7B, v18;
	v38 =	vld.idx.msk [tilespmem:v40+s16+$0x0], $0xffff;
	[tilespmem:s24+$0xFFFFFEE0] =	vst v43  }
0x121: {  	s2 =	sadd.s32 $0x10, s2;
	v28 =	vor.u32 v1, v45;
	s3 =	sadd.s32 $0xFFFFFFFB, s26;
	v36 =	vld.idx.msk [tilespmem:v21+s16+$0x0], $0xffff;
	[tilespmem:s23+$0xFFFFFFA0] =	vst v44;
	v21 =	vor.u32 v1, v7;
	v7 =	vbroadcast v18, $0x0  }
0x122: {  	_ = 	snop  }
0x123: {  	[tilespmem:s24+$0xFFFFFFE0] =	vst v35  }
0x124: {  	[tilespmem:s28+$0xFFFFFF90] =	vst v22  }
0x125: {  	[tilespmem:s28+$0xFFFFFE20] =	vst v31  }
0x126: {  	v5 =	vld.idx.msk [tilespmem:v5+s16+$0x0], $0xffff;
	[tilespmem:s25+$0xFFFFFF10] =	vst v12  }
0x127: {  	v3 =	vld.idx.msk [tilespmem:v3+s16+$0x0], $0xffff;
	[tilespmem:s24+$0xFFFFFF70] =	vst v34  }
0x128: {  	v45 =	vld.idx.msk [tilespmem:v30+s16+$0x0], $0xffff;
	[tilespmem:s23+$0xFFFFFF30] =	vst v33  }
0x129: {  	v47 =	vld.idx.msk [tilespmem:v27+s16+$0x0], $0xffff;
	[tilespmem:s24+$0xFFFFFE70] =	vst v38  }
0x12a: {  	v18 =	vld.idx.msk [tilespmem:v37+s16+$0x0], $0xffff;
	[tilespmem:s28+$0xFFFFFE90] =	vst v36  }
0x12b: {  	v16 =	vld.idx.msk [tilespmem:v16+s16+$0x0], $0xffff;
	[tilespmem:s23+$0xFFFFFEC0] =	vst v5  }
0x12c: {  	v48 =	vld.idx.msk [tilespmem:v21+s16+$0x0], $0xffff;
	[tilespmem:s23+$0xFFFFFFB0] =	vst v3  }
0x12d: {  	v4 =	vld.idx.msk [tilespmem:v4+s16+$0x0], $0xffff;
	[tilespmem:s24+$0xFFFFFEF0] =	vst v45  }
0x12e: {  	v53 =	vor.u32 v1, v20;
	v3 =	vld.idx.msk [tilespmem:v29+s16+$0x0], $0xffff;
	[tilespmem:s23+$0xFFFFFE50] =	vst v47  }
0x12f: {  	v9 =	vld.idx.msk [tilespmem:v9+s16+$0x0], $0xffff;
	[tilespmem:s24+$0xFFFFFFF0] =	vst v18  }
0x130: {  	v46 =	vor.u32 v1, v32;
	[tilespmem:s28+$0xFFFFFE30] =	vst v16;
	v2 =	vld.idx.msk [tilespmem:v2+s16+$0x0], $0xffff  }
0x131: {  	s2 =	sadd.s32 $0xFFFFFFFF, s29;
	v52 =	vld.idx.msk [tilespmem:v28+s16+$0x0], $0xffff;
	[tilespmem:s24+$0xFFFFFF80] =	vst v48  }
0x132: {  	v49 =	vmov s2;
	v56 =	vld.idx.msk [tilespmem:v26+s16+$0x0], $0xffff;
	[tilespmem:s23+$0xFFFFFF40] =	vst v4  }
0x133: {  	v55 =	vor.u32 v1, v15;
	v51 =	vand.u32 $0x7E, v49;
	v57 =	vld.idx.msk [tilespmem:v53+s16+$0x0], $0xffff;
	[tilespmem:s24+$0xFFFFFE80] =	vst v3  }
0x134: {  	v4 =	vbroadcast v51, $0x0;
	v3 =	vld.idx.msk [tilespmem:v14+s16+$0x0], $0xffff;
	[tilespmem:s25+$0xFFFFFEA0] =	vst v9  }
0x135: {  	v50 =	vld.idx.msk [tilespmem:v46+s16+$0x0], $0xffff;
	[tilespmem:s23+$0xFFFFFFC0] =	vst v2  }
0x136: {  	v54 =	vor.u32 v0, v4;
	v2 =	vld.idx.msk [tilespmem:v10+s16+$0x0], $0xffff;
	[tilespmem:s24+$0xFFFFFF00] =	vst v52  }
0x137: {  	v6 =	vld.idx.msk [tilespmem:v6+s16+$0x0], $0xffff;
	[tilespmem:s23+$0xFFFFFED0] =	vst v56  }
0x138: {  	s31 =	sadd.s32 $0xFFFFFFF4, s29;
	v59 =	vor.u32 v1, v23;
	v14 =	vld.idx.msk [tilespmem:v55+s16+$0x0], $0xffff;
	[tilespmem:s23+$0xFFFFFE60] =	vst v57  }
0x139: {  	s12 =	sadd.s32 $0xFFFFFFF7, s26;
	v60 =	vmov s31;
	v11 =	vld.idx.msk [tilespmem:v11+s16+$0x0], $0xffff;
	[tilespmem:s25+$0xFFFFFF20] =	vst v3  }
0x13a: {  	v35 =	vmov s12;
	v62 =	vand.u32 $0x73, v60;
	[tilespmem:s24+$0x0] =	vst v50;
	v3 =	vmov s3;
	s3 =	sadd.s32 $0xFFFFFFF3, s26;
	v61 =	vld.idx.msk [tilespmem:v13+s16+$0x0], $0xffff  }
0x13b: {  	v63 =	vbroadcast v62, $0x0;
	v58 =	vld.idx.msk [tilespmem:v54+s16+$0x0], $0xffff;
	v3 =	vand.u32 $0x7A, v3;
	[tilespmem:s25+$0xFFFFFFA0] =	vst v2;
	v31 =	vmov s3  }
0x13c: {  	[tilespmem:s23+$0xFFFFFF50] =	vst v6;
	v2 =	vbroadcast v3, $0x0;
	v3 =	vor.u32 v1, v4;
	v26 =	vld.idx.msk [tilespmem:v25+s16+$0x0], $0xffff;
	v18 =	vand.u32 $0x72, v31  }
0x13d: {  	v27 =	vor.u32 v1, v19;
	v12 =	vld.idx.msk [tilespmem:v59+s16+$0x0], $0xffff;
	[tilespmem:s25+$0xFFFFFE40] =	vst v14;
	v34 =	vbroadcast v18, $0x0;
	v18 =	vand.u32 $0x76, v35  }
0x13e: {  	s11 =	sadd.s32 $0xFFFFFFFF, s26;
	v30 =	vor.u32 v0, v63;
	v8 =	vld.idx.msk [tilespmem:v8+s16+$0x0], $0xffff;
	[tilespmem:s25+$0xFFFFFEB0] =	vst v11;
	v18 =	vbroadcast v18, $0x0  }
0x13f: {  	v33 =	vmov s11;
	v40 =	vld.idx.msk [tilespmem:v24+s16+$0x0], $0xffff;
	v37 =	vor.u32 v0, v34;
	[tilespmem:s25+$0xFFFFFF30] =	vst v61  }
0x140: {  	v9 =	vand.u32 $0x7E, v33;
	[tilespmem:s23+$0xFFFFFFD0] =	vst v58;
	v42 =	vor.u32 v0, v18;
	v17 =	vld.idx.msk [tilespmem:v17+s16+$0x0], $0xffff  }
0x141: {  	v9 =	vbroadcast v9, $0x0;
	s24 =	sadd.s32 $0xFFFFFFF8, s29;
	v29 =	vor.u32 v0, v2;
	v3 =	vld.idx.msk [tilespmem:v3+s16+$0x0], $0xffff;
	[tilespmem:s25+$0xFFFFFFB0] =	vst v26  }
0x142: {  	v28 =	vor.u32 v0, v7;
	v36 =	vmov s24;
	[tilespmem:s23+$0xFFFFFEE0] =	vst v12;
	v38 =	vld.idx.msk [tilespmem:v27+s16+$0x0], $0xffff  }
0x143: {  	v16 =	vld.idx.msk [tilespmem:v30+s16+$0x0], $0xffff;
	v41 =	vor.u32 v0, v9;
	v39 =	vand.u32 $0x77, v36;
	[tilespmem:s23+$0xFFFFFF60] =	vst v8  }
0x144: {  	v13 =	vbroadcast v39, $0x0;
	v4 =	vor.u32 v1, v63;
	[tilespmem:s25+$0xFFFFFEC0] =	vst v40;
	v45 =	vld.idx.msk [tilespmem:v37+s16+$0x0], $0xffff  }
0x145: {  	s28 =	sadd.s32 $0xFFFFFFFC, s26;
	v47 =	vor.u32 v1, v34;
	v49 =	vld.idx.msk [tilespmem:v42+s16+$0x0], $0xffff;
	[tilespmem:s25+$0xFFFFFF40] =	vst v17  }
0x146: {  	v32 =	vmov s29;
	v46 =	vmov s28;
	s29 =	sadd.s32 $0xFFFFFFF4, s26;
	v44 =	vor.u32 v0, v13;
	[tilespmem:s23+$0xFFFFFFE0] =	vst v3;
	v3 =	vld.idx.msk [tilespmem:v29+s16+$0x0], $0xffff  }
0x147: {  	v51 =	vmov s29;
	v6 =	vand.u32 $0x7F, v32;
	v15 =	vld.idx.msk [tilespmem:v28+s16+$0x0], $0xffff;
	v50 =	vor.u32 v1, v18;
	[tilespmem:s25+$0xFFFFFFC0] =	vst v38  }
0x148: {  	s30 =	sadd.s32 $0xFFFFFFF8, s26;
	v6 =	vbroadcast v6, $0x0;
	[tilespmem:s23+$0xFFFFFE70] =	vst v16;
	v16 =	vand.u32 $0x73, v51;
	v2 =	vor.u32 v1, v2;
	v48 =	vld.idx.msk [tilespmem:v41+s16+$0x0], $0xffff  }
0x149: {  	v9 =	vor.u32 v1, v9;
	v54 =	vmov s30;
	v53 =	vbroadcast v16, $0x0;
	v4 =	vld.idx.msk [tilespmem:v4+s16+$0x0], $0xffff;
	[tilespmem:s25+$0xFFFFFE50] =	vst v45  }
0x14a: {  	v10 =	vand.u32 $0x7B, v46;
	v43 =	vor.u32 v0, v6;
	v16 =	vand.u32 $0x77, v54;
	v11 =	vld.idx.msk [tilespmem:v47+s16+$0x0], $0xffff;
	[tilespmem:s25+$0xFFFFFED0] =	vst v49  }
0x14b: {  	v57 =	vbroadcast v16, $0x0;
	v56 =	vor.u32 v0, v53;
	v17 =	vld.idx.msk [tilespmem:v44+s16+$0x0], $0xffff;
	[tilespmem:s25+$0xFFFFFF50] =	vst v3;
	v3 =	vmov s26  }
0x14c: {  	v52 =	vor.u32 v1, v7;
	v10 =	vbroadcast v10, $0x0;
	[tilespmem:s23+$0xFFFFFF70] =	vst v15;
	v58 =	vld.idx.msk [tilespmem:v50+s16+$0x0], $0xffff;
	v3 =	vand.u32 $0x7F, v3  }
0x14d: {  	v16 =	vor.u32 v0, v57;
	v2 =	vld.idx.msk [tilespmem:v2+s16+$0x0], $0xffff;
	[tilespmem:s25+$0xFFFFFFD0] =	vst v48;
	v3 =	vbroadcast v3, $0x0  }
0x14e: {  	v55 =	vor.u32 v0, v10;
	[tilespmem:s23+$0xFFFFFE80] =	vst v4;
	v9 =	vld.idx.msk [tilespmem:v9+s16+$0x0], $0xffff  }
0x14f: {  	v12 =	vld.idx.msk [tilespmem:v43+s16+$0x0], $0xffff;
	[tilespmem:s25+$0xFFFFFE60] =	vst v11;
	v59 =	vor.u32 v0, v3  }
0x150: {  	v6 =	vor.u32 v1, v6;
	[tilespmem:s23+$0xFFFFFEF0] =	vst v17;
	v8 =	vld.idx.msk [tilespmem:v56+s16+$0x0], $0xffff  }
0x151: {  	v5 =	vor.u32 v1, v53;
	v7 =	vld.idx.msk [tilespmem:v52+s16+$0x0], $0xffff;
	[tilespmem:s25+$0xFFFFFEE0] =	vst v58  }
0x152: {  	v61 =	vld.idx.msk [tilespmem:v16+s16+$0x0], $0xffff;
	[tilespmem:s25+$0xFFFFFF60] =	vst v2;
	v2 =	vor.u32 v1, v13  }
0x153: {  	v62 =	vor.u32 v1, v57;
	v60 =	vld.idx.msk [tilespmem:v55+s16+$0x0], $0xffff;
	[tilespmem:s25+$0xFFFFFFE0] =	vst v9  }
0x154: {  	v10 =	vor.u32 v1, v10;
	[tilespmem:s23+$0xFFFFFFF0] =	vst v12;
	v9 =	vld.idx.msk [tilespmem:v59+s16+$0x0], $0xffff  }
0x155: {  	v6 =	vld.idx.msk [tilespmem:v6+s16+$0x0], $0xffff;
	v3 =	vor.u32 v1, v3;
	[tilespmem:s25+$0xFFFFFE70] =	vst v8  }
0x156: {  	[tilespmem:s23+$0xFFFFFF80] =	vst v7;
	v5 =	vld.idx.msk [tilespmem:v5+s16+$0x0], $0xffff  }
0x157: {  	[tilespmem:s25+$0xFFFFFEF0] =	vst v61;
	v2 =	vld.idx.msk [tilespmem:v2+s16+$0x0], $0xffff  }
0x158: {  	v4 =	vld.idx.msk [tilespmem:v62+s16+$0x0], $0xffff;
	[tilespmem:s25+$0xFFFFFF70] =	vst v60  }
0x159: {  	v63 =	vld.idx.msk [tilespmem:v10+s16+$0x0], $0xffff;
	[tilespmem:s25+$0xFFFFFFF0] =	vst v9  }
0x15a: {  	[tilespmem:s23+$0x0] =	vst v6;
	v3 =	vld.idx.msk [tilespmem:v3+s16+$0x0], $0xffff  }
0x15b: {  	[tilespmem:s25+$0xFFFFFE80] =	vst v5  }
.Ltmp8:
0x15c: {  	s31 =	sadd.s32 s6, s22;
	[tilespmem:s23+$0xFFFFFF00] =	vst v2;
	(pc) =	sbr.rel .LBB2_10-.Ltmp8, $4  }
0x15d: {  	s2 =	sshll.u32 s31, $0x9;
	[tilespmem:s25+$0xFFFFFF00] =	vst v4  }
0x15e: {  	s2 =	sand.u32 $0x1FFFFE00, s2;
	[tilespmem:s25+$0xFFFFFF80] =	vst v63  }
0x15f: {  	s2 =	sadd.s32 s5, s2;
	[tilespmem:s25+$0x0] =	vst v3  }
0x160: {  	[hbm4b:s2+s4] =	stream.linear.scatter [tilespmem:s17], [sflag:$0x4], $0x1000, $0x38;
	[tilespmem:$0x4000] =	vst v63  }
.LBB2_12:
0x161: {  	_ =	sfence.sel $0x180000  }
0x162: {  	[bflag:$0x0] =	sbarrier.arrive $0xFFFF  }
0x163: {  	_ =	strace $0x90000047  }
0x164: {  	[bflag:$0x2] =	sbarrier.arrive $0xFFFF  }
0x165: {  	p0 =	sne.s32 s0, $0x0;
	s0 =	rddreg [dreg:$0x3]  }
0x166: {  	s0 =	sadd.s32 @!p0 $0x100000, s0  }
0x167: {  	[sflag:s0] =	ssyncadd.tile.s32 @!p0 $0x1;
	_ =	shalt  }
.Lfunc_end2:
_tile_overlayer_lowered:
.L_overlay_start_2:
0x168: {  	(tag) =	ssettag $0x2  }
0x169: {  	s0 =	rddreg [dreg:$0x0];
	s2 =	stileid.u32  }
0x16a: {  	s1 =	rddreg [dreg:$0x1];
	p0 =	sne.s32 s2, $0x0  }
0x16b: {  	s3 =	rddreg [dreg:$0x2];
	[bflag:$0x3] =	sbarrier.arrive $0xFFFF;
	s2 =	simm.s32 @!p0 $0x1C05  }
0x16c: {  	[timem:s3], [sflag:s2] =	dma.local @!p0 [hbm:s0], s1  }
0x16d: {  	s0 =	simm.s32 @!p0 $0x5  }
0x16e: {  	_ =	swait.ge @!p0 [sflag:s0], s1  }
0x16f: {  	s1 =	ssub.s32 @!p0 $0x0, s1;
	[sflag:s0] =	ssyncset.done @!p0 $0x0  }
0x170: {  	[sflag:s0] =	ssyncadd.s32 @!p0 s1  }
0x171: {  	[bflag:$0x3] =	sbarrier.arrive $0xFFFF  }
0x172: {  	_ =	shalt  }

// kernel: kernel.7.cloned.1.call-start
scs
__scs_entry_jumppad:
0x0: {  	(pc) =	sbr.rel $0x88, $3  }
0x1: {  	(tag) =	ssettag $0x0;
	lr =	simm.s32 $0x1  }
0x2: {  	[smem:$0x3F9F] =	sst lr;
	_ =	strace $0xD0000000  }
0x3: {  	_ = 	snop  }
0x4: {  	_ = 	snop  }
0x5: {  	_ = 	snop  }
0x6: {  	_ = 	snop  }
0x7: {  	_ = 	snop  }
__scs_overlays_trampoline_lowered:
0x8: {  	[smem:$0x3FAE] =	sst s0  }
0x9: {  	[smem:$0x3FAF] =	sst s1  }
0xa: {  	[smem:$0x3FB0] =	sst s2  }
0xb: {  	[smem:$0x3FB1] =	sst s3  }
0xc: {  	[smem:$0x3FB2] =	sst s4  }
0xd: {  	[smem:$0x3FB3] =	sst s5  }
0xe: {  	[smem:$0x3FB4] =	sst s6  }
0xf: {  	[smem:$0x3FB5] =	sst s7  }
0x10: {  	[smem:$0x3FB6] =	sst s8  }
0x11: {  	[smem:$0x3FB7] =	sst s9;
	s0 =	simm.s32 @!p0 $0x0  }
0x12: {  	s1 =	sld [smem:$0x3F9D];
	s0 =	simm.s32 @p0 $0x1  }
0x13: {  	[smem:$0x3FB8] =	sst s0;
	s0 =	simm.s32 @!p1 $0x0  }
0x14: {  	s2 =	sld [smem:$0x3F9C];
	s0 =	simm.s32 @p1 $0x1  }
0x15: {  	[smem:$0x3FB9] =	sst s0;
	s0 =	simm.s32 @!p2 $0x0  }
0x16: {  	s3 =	sld [smem:$0x3FDB];
	s0 =	simm.s32 @p2 $0x1  }
0x17: {  	s4 =	simm.s32 $0x1BF5;
	[smem:$0x3FBB] =	sst s0  }
0x18: {  	s0 =	sld [smem:$0x3F9E];
	_ =	swait.ge [sflag:s4], $0x0  }
0x19: {  	s7 =	sld [smem:$0x3F9F]  }
0x1a: {  	s8 =	sadd.s32 $0xFFFFE003, lr  }
0x1b: {  	s9 =	sadd.s32 $0xFFFFFEF7, lr;
	s5 =	simm.s32 $0xFFFFFFFF;
	p2 =	slt.u32 s8, $0xFFFFF086  }
0x1c: {  	p1 =	slt.u32 s9, $0xF7A;
	s5 =	simm.s32 @!p2 $0x0  }
0x1d: {  	s5 =	simm.s32 @p1 $0x1;
	p0 =	seq.s32 s7, s2  }
0x1e: {  	s7 =	smul.u32 @!p0 $0xF7A, s2;
	p2 =	seq.s32 @!p0 s5, $0x0  }
0x1f: {  	s9 =	smul.u32 $0xF7A, s1;
	s8 =	simm.s32 @!p0 $0x1BF5;
	p2 =	por !p2, p0  }
0x20: {  	[sflag:s8] =	ssyncset.s32 @!p0 $0xFFFFF086;
	s6 =	sadd.s32 @!p0 s3, s7;
	s7 =	simm.s32 @!p0 $0x108  }
0x21: {  	s3 =	sadd.s32 s3, s9;
	s6 =	sadd.s32 @!p0 $0x88, s6;
	s7 =	simm.s32 @p2 $0x1082  }
0x22: {  	[simem:s7], [sflag:s8] =	dma.local @!p0 [hbm:s6], $0xF7A  }
0x23: {  	s9 =	sor.u32 $0xD0000000, s2;
	s6 =	simm.s32 $0x108;
	_ =	swait.ge @!p0 [sflag:s8], $0x0  }
0x24: {  	s3 =	sadd.s32 $0x88, s3;
	s6 =	simm.s32 @!p1 $0x1082;
	[sflag:s4] =	ssyncset.s32 $0xFFFFF086  }
0x25: {  	[simem:s6], [sflag:s4] =	dma.local [hbm:s3], $0xF7A  }
0x26: {  	[smem:$0x3F9F] =	sst s1;
	(tag) =	ssettag s2;
	_ =	strace s9  }
0x27: {  	s1 =	sld [smem:$0x3FAF]  }
0x28: {  	s2 =	sld [smem:$0x3FB0]  }
0x29: {  	s4 =	sld [smem:$0x3FB2]  }
0x2a: {  	p0 =	seq.s32 s5, $0x0;
	s5 =	sld [smem:$0x3FB3]  }
0x2b: {  	s6 =	sld [smem:$0x3FB4]  }
0x2c: {  	s7 =	sld [smem:$0x3FB5]  }
0x2d: {  	s3 =	simm.s32 $0x108;
	s8 =	sld [smem:$0x3FB6]  }
0x2e: {  	s3 =	simm.s32 @!p0 $0x1082;
	s9 =	sld [smem:$0x3FB7]  }
0x2f: {  	lr =	sadd.s32 s0, s3;
	s0 =	sld [smem:$0x3FAE]  }
0x30: {  	s3 =	sld [smem:$0x3FB1]  }
0x31: {  	[smem:$0x3FBA] =	sst s10  }
0x32: {  	s10 =	sld [smem:$0x3FB8];
	_ =	sdelay $0x3  }
0x33: {  	p0 =	seq.s32 s10, $0x1;
	s10 =	sld [smem:$0x3FBA];
	_ =	sdelay $0x3  }
0x34: {  	[smem:$0x3FBA] =	sst s10  }
0x35: {  	s10 =	sld [smem:$0x3FB9];
	_ =	sdelay $0x3  }
0x36: {  	p1 =	seq.s32 s10, $0x1;
	s10 =	sld [smem:$0x3FBA];
	_ =	sdelay $0x3  }
0x37: {  	[smem:$0x3FBA] =	sst s10  }
0x38: {  	s10 =	sld [smem:$0x3FBB]  }
0x39: {  	_ = 	snop;
	(pc) =	sbr.ind lr, $3  }
0x3a: {  	_ = 	snop  }
0x3b: {  	_ = 	snop  }
0x3c: {  	p2 =	seq.s32 s10, $0x1;
	s10 =	sld [smem:$0x3FBA]  }
0x3d: {  	_ =	shalt  }
0x3e: {  	_ =	shalt  }
0x3f: {  	_ =	shalt  }
0x40: {  	_ =	shalt  }
0x41: {  	_ =	shalt  }
0x42: {  	_ =	shalt  }
0x43: {  	_ =	shalt  }
0x44: {  	_ =	shalt  }
0x45: {  	_ =	shalt  }
0x46: {  	_ =	shalt  }
0x47: {  	_ =	shalt  }
0x48: {  	_ =	shalt  }
0x49: {  	_ =	shalt  }
0x4a: {  	_ =	shalt  }
0x4b: {  	_ =	shalt  }
0x4c: {  	_ =	shalt  }
0x4d: {  	_ =	shalt  }
0x4e: {  	_ =	shalt  }
0x4f: {  	_ =	shalt  }
0x50: {  	_ =	shalt  }
0x51: {  	_ =	shalt  }
0x52: {  	_ =	shalt  }
0x53: {  	_ =	shalt  }
0x54: {  	_ =	shalt  }
0x55: {  	_ =	shalt  }
0x56: {  	_ =	shalt  }
0x57: {  	_ =	shalt  }
0x58: {  	_ =	shalt  }
0x59: {  	_ =	shalt  }
0x5a: {  	_ =	shalt  }
0x5b: {  	_ =	shalt  }
0x5c: {  	_ =	shalt  }
0x5d: {  	_ =	shalt  }
0x5e: {  	_ =	shalt  }
0x5f: {  	_ =	shalt  }
0x60: {  	_ =	shalt  }
0x61: {  	_ =	shalt  }
0x62: {  	_ =	shalt  }
0x63: {  	_ =	shalt  }
0x64: {  	_ =	shalt  }
0x65: {  	_ =	shalt  }
0x66: {  	_ =	shalt  }
0x67: {  	_ =	shalt  }
0x68: {  	_ =	shalt  }
0x69: {  	_ =	shalt  }
0x6a: {  	_ =	shalt  }
0x6b: {  	_ =	shalt  }
0x6c: {  	_ =	shalt  }
0x6d: {  	_ =	shalt  }
0x6e: {  	_ =	shalt  }
0x6f: {  	_ =	shalt  }
0x70: {  	_ =	shalt  }
0x71: {  	_ =	shalt  }
0x72: {  	_ =	shalt  }
0x73: {  	_ =	shalt  }
0x74: {  	_ =	shalt  }
0x75: {  	_ =	shalt  }
0x76: {  	_ =	shalt  }
0x77: {  	_ =	shalt  }
0x78: {  	_ =	shalt  }
0x79: {  	_ =	shalt  }
0x7a: {  	_ =	shalt  }
0x7b: {  	_ =	shalt  }
0x7c: {  	_ =	shalt  }
0x7d: {  	_ =	shalt  }
0x7e: {  	_ =	shalt  }
0x7f: {  	_ =	shalt  }
0x80: {  	_ =	shalt  }
0x81: {  	_ =	shalt  }
0x82: {  	_ =	shalt  }
0x83: {  	_ =	shalt  }
0x84: {  	_ =	shalt  }
0x85: {  	_ =	shalt  }
0x86: {  	_ =	shalt  }
0x87: {  	_ =	shalt  }
.Lfunc_end0:
.L_simem_size_0:
called_computation.1_lowered:
.L_overlay_start_0:
0x88: {  	s2 =	sld [smem:$0x3FD9]  }
0x89: {  	s3 =	sld [smem:$0x3FFE];
	_ =	sdelay $0x1  }
0x8a: {  	s1 =	srdreg.scid  }
0x8b: {  	s0 =	sand.u32 $0x1, s1  }
0x8c: {  	s17 =	sshll.u32 s0, $0xA;
	s2 =	sadd.s32 s3, s2  }
0x8d: {  	s2 =	sadd.s32 s2, s17  }
0x8e: {  	[smem:$0x3FC6] =	sst s2  }
0x8f: {  	_ = 	snop  }
0x90: {  	s2 =	sld [smem:$0x3FD0];
	(tm) =	ssettm $0x1  }
0x91: {  	s18 =	sld [smem:$0x3FFB];
	_ =	sdelay $0x3  }
0x92: {  	_ =	strace s18  }
0x93: {  	s3 =	sld [smem:$0x3FFC];
	_ =	sdelay $0x3  }
0x94: {  	_ =	strace s3  }
0x95: {  	s3 =	sld [smem:$0x3FFD];
	_ =	sdelay $0x3  }
0x96: {  	_ =	strace s3  }
0x97: {  	_ =	strace $0x8FFFFFFF  }
0x98: {  	s19 =	sld [smem:$0x3FDB];
	_ =	sdelay $0x1  }
0x99: {  	s4 =	simm.s32 $_scs_section_size  }
0x9a: {  	s5 =	simm.s32 $_size__tile_overlayer_lowered;
	s6 =	simm.s32 $_tile_overlayer_lowered  }
0x9b: {  	s22 =	simm.s32 $0x1BFF;
	s21 =	sshll.u32 s6, $0x1;
	s3 =	sadd.s32 s4, s19  }
0x9c: {  	s7 =	simm.s32 $0x0;
	s20 =	sshll.u32 s5, $0x1;
	s5 =	sadd.s32 s21, s3  }
0x9d: {  	[timem:s7], [sflag:s22] =	dma.local [hbm:s5], s20  }
0x9e: {  	_ =	swait.ge [sflag:s22], s20  }
0x9f: {  	s4 =	ssub.s32 $0x0, s20;
	[sflag:s22] =	ssyncset.done $0x0  }
0xa0: {  	[sflag:s22] =	ssyncadd.s32 s4;
	_ =	sdelay $0x1  }
0xa1: {  	s23 =	simm.s32 $0x1B8B  }
0xa2: {  	_ =	swait.ge [sflag:s23], $0x1  }
0xa3: {  	[sflag:s23] =	ssyncset.done $0x0  }
0xa4: {  	s25 =	simm.s32 $0x1B8E;
	s24 =	sld [smem:$0x3FFE];
	[sflag:s23] =	ssyncadd.s32 $0xFFFFFFFF  }
0xa5: {  	s26 =	simm.s32 $execute0_lowered;
	[smem:$0x3FD2] =	sst s25  }
0xa6: {  	s5 =	sshll.u32 s26, $0x1;
	_ =	strace $0x80000049;
	[dreg:$0x1] =	wrdreg $0xFFFFFFFF  }
0xa7: {  	s28 =	simm.s32 $_size_execute0_lowered;
	s3 =	sadd.s32 s3, s5;
	[dreg:$0x0] =	wrdreg $0x0  }
0xa8: {  	s5 =	sshll.u32 s28, $0x1;
	[dreg:$0x2] =	wrdreg s3  }
0xa9: {  	[dreg:$0x3] =	wrdreg s5  }
0xaa: {  	[dreg:$0x4] =	wrdreg $0xC0  }
0xab: {  	_ =	task [dreg:s7], $0x5FFFF  }
0xac: {  	[dreg:$0x1] =	wrdreg $0xFFFFFFFF  }
0xad: {  	[dreg:$0x0] =	wrdreg $0x60  }
0xae: {  	[dreg:$0x2] =	wrdreg s24  }
0xaf: {  	[dreg:$0x3] =	wrdreg s2  }
0xb0: {  	[dreg:$0x4] =	wrdreg $0x9  }
0xb1: {  	_ =	task.clear_ibuf [dreg:s7], $0x5FFFF;
	_ =	strace $0x90000049  }
0xb2: {  	s29 =	simm.s32 $0x9;
	_ =	strace $0x8000004B  }
0xb3: {  	_ =	swait.ge [sflag:s29], $0x1  }
0xb4: {  	[sflag:s29] =	ssyncadd.s32 $0xFFFFFFFF  }
0xb5: {  	_ =	strace $0x9000004B  }
0xb6: {  	_ =	sfence  }
0xb7: {  	s30 =	sld [smem:$0x0];
	_ =	sdelay $0x2  }
0xb8: {  	s31 =	sshll.u32 s1, $0xD;
	s1 =	sshrl.u32 s1, $0x2  }
0xb9: {  	s3 =	sand.u32 $0x4000, s31;
	s1 =	sadd.s32 s1, s30  }
0xba: {  	s0 =	sor.u32 s3, s0;
	s1 =	sshll.u32 s1, $0x11  }
0xbb: {  	s0 =	sor.u32 s1, s0  }
0xbc: {  	s0 =	sadd.s32 $0x8F2B, s0  }
0xbd: {  	[sflag:s0] =	ssyncadd.remote.s32 $0x1  }
0xbe: {  	_ =	sfence.sel $0xFFFF  }
0xbf: {  	[dreg:$0x0] =	wrdreg $0xFFFFFFFF;
	(pc) =	sbr.abs _section_cstart, $3  }
0xc0: {  	[dreg:$0x1] =	wrdreg $0xFFFFFFFF  }
0xc1: {  	_ =	task.clear_ibuf [dreg:s7], $0x2FFFF;
	_ =	strace $0x9FFFFFFF  }
0xc2: {  	(tm) =	ssettm $0x7FFFFFFF  }
0xc3: {  	_ =	shalt  }
tec
execute0_lowered:
.L_overlay_start_1:
0x0: {  	(tag) =	ssettag $0x1  }
0x1: {  	s0 =	rddreg [dreg:$0x0]  }
0x2: {  	s1 =	srdreg.scid;
	s2 =	stileid.u32  }
0x3: {  	s4 =	simm.s32 $0x0;
	s11 =	simm.s32 $0x80;
	s12 =	simm.s32 $0x3400  }
0x4: {  	s13 =	simm.s32 $0x1;
	s14 =	simm.s32 $0x4400;
	s15 =	simm.s32 $0x400  }
0x5: {  	s16 =	simm.s32 $0x20000;
	s1 =	sand.u32 $0x1, s1;
	s3 =	sshll.u32 s2, $0x1  }
0x6: {  	v0 =	vlaneseq.u32;
	s18 =	simm.s32 $0x2;
	s19 =	simm.s32 $0x6400;
	s3 =	sor.u32 s1, s3  }
0x7: {  	[smem:$0x7FF] =	sst s4;
	v0 =	vmul.u32 $0x20, v0;
	s1 =	ssub.s32 $0x2, s1;
	s5 =	sshll.u32 s3, $0x6  }
0x8: {  	s4 =	sadd.s32 $0xA00, s0;
	s6 =	sshrl.u32 s1, $0x1;
	s0 =	sadd.s32 s5, s0  }
0x9: {  	s21 =	simm.s32 $0x4;
	v1 =	vor.u32 $0x200, v0;
	s1 =	ssub.s32 s1, s6;
	s0 =	sadd.s32 $0x3D1400, s0  }
0xa: {  	_ =	strace $0x8000004A;
	v2 =	vor.u32 $0x400, v0;
	v3 =	vor.u32 $0x600, v0;
	v4 =	vor.u32 $0x800, v0;
	s31 =	smax.u32 s1, $0x1;
	[dreg:$0x3] =	wrdreg s0  }
0xb: {  	v5 =	vor.u32 $0xA00, v0;
	v6 =	vor.u32 $0xC00, v0;
	v7 =	vor.u32 $0xE00, v0;
	s6 =	sshll.u32 s3, $0x2;
	s1 =	simm.s32 $0x0;
	[dreg:$0x4] =	wrdreg s31  }
.LBB2_1:
0xc: {  	[dreg:$0x5] =	wrdreg s1  }
0xd: {  	s0 =	simm.s32 $0x0;
	s30 =	rddreg [dreg:$0x3]  }
0xe: {  	s2 =	simm.s32 $0x200;
	s3 =	simm.s32 $0x4000;
	s31 =	simm.s32 $0x5  }
0xf: {  	[tilespmem:s0], [sflag:$0x5] =	stream.strided.gather [hbm4b:s30+s2], $0x3400, s3, s2, $0x38;
	[tilespmem:$0x7400] =	vst v63  }
0x10: {  	_ =	swait.ge [sflag:s31], $0x3400  }
0x11: {  	[sflag:s31] =	ssyncset.done $0x0  }
0x12: {  	s23 =	simm.s32 $0x0;
	[sflag:s31] =	ssyncadd.s32 $0xFFFFCC00  }
0x13: {  	[tilespmem:s12], [sflag:$0x1] =	stream.indirect.gather [hbm4b:s4+s11], $0x20, s0, s11, $0xb8;
	[tilespmem:$0x7400] =	vst v63  }
.LBB2_2:
0x14: {  	s0 =	simm.s32 $0x0  }
0x15: {  	s10 =	simm.s32 $0x1;
	v8 =	vmov s0  }
0x16: {  	_ =	swait.ge [sflag:s13], $0x1000;
	s24 =	sshllo.u32 s23, $0x1;
	v9 =	vmov s10;
	v8 =	vand.u32 $0x1C, v8  }
0x17: {  	s1 =	sshll.u32 s23, $0x8;
	p0 =	seq.s32 s23, $0x0;
	s3 =	sshll.u32 s24, $0x7;
	v15 =	vbroadcast v8, $0x0;
	v8 =	vand.u32 $0x1D, v9  }
0x18: {  	[sflag:s13] =	ssyncset.done $0x0;
	s1 =	sand.u32 $0x3E00, s1;
	s3 =	sand.u32 $0x180, s3;
	v17 =	vbroadcast v8, $0x0  }
0x19: {  	s0 =	simm.s32 @!p0 $0x3;
	[sflag:s13] =	ssyncadd.s32 $0xFFFFF000;
	s17 =	sor.u32 s3, s1;
	v8 =	vor.u32 v0, v15  }
0x1a: {  	[tilespmem:s14], [sflag:$0x2] =	stream.indirect.gather [hbm4b:s4+s11], $0x20, s17, s11, $0xb8;
	v9 =	vor.u32 v0, v17;
	[tilespmem:$0x7400] =	vst v63  }
0x1b: {  	_ =	swait.ge @!p0 [sflag:s0], $0x1000  }
0x1c: {  	[sflag:s0] =	ssyncset.done @!p0 $0x0  }
0x1d: {  	[sflag:s0] =	ssyncadd.s32 @!p0 $0xFFFFF000  }
0x1e: {  	v8 =	vld.idx.msk [tilespmem:v8+s12+$0x0], $0xffff  }
0x1f: {  	s20 =	simm.s32 $0x2;
	v10 =	vor.u32 v1, v15;
	v9 =	vld.idx.msk [tilespmem:v9+s12+$0x0], $0xffff  }
0x20: {  	s22 =	simm.s32 $0x0;
	v11 =	vmov s20;
	v12 =	vor.u32 v1, v17  }
0x21: {  	s25 =	simm.s32 $0x80;
	v11 =	vand.u32 $0x1E, v11;
	s0 =	sand.u32 $0xC00, s22  }
0x22: {  	s26 =	simm.s32 $0x5440;
	v16 =	vbroadcast v11, $0x0;
	s1 =	sand.u32 $0x280, s25;
	s0 =	sadd.s32 $0x5400, s0  }
0x23: {  	s2 =	simm.s32 $0x3;
	s3 =	sor.u32 s1, s0;
	[tilespmem:s26+$0xFFFFFFC0] =	vst v8  }
0x24: {  	v8 =	vor.u32 v0, v16;
	[tilespmem:s3+$0x0] =	vst v9;
	v9 =	vld.idx.msk [tilespmem:v10+s12+$0x0], $0xffff;
	v10 =	vmov s2  }
0x25: {  	v11 =	vld.idx.msk [tilespmem:v12+s12+$0x0], $0xffff;
	v12 =	vor.u32 v2, v15;
	v10 =	vand.u32 $0x1F, v10  }
0x26: {  	v13 =	vor.u32 v2, v17;
	v18 =	vbroadcast v10, $0x0;
	_ =	sdelay $0x1  }
0x27: {  	s5 =	simm.s32 $0x4;
	v14 =	vor.u32 v0, v18  }
0x28: {  	v19 =	vld.idx.msk [tilespmem:v8+s12+$0x0], $0xffff;
	v8 =	vmov s5;
	[tilespmem:s26+$0xFFFFFFD0] =	vst v9  }
0x29: {  	s7 =	simm.s32 $0x5;
	v20 =	vor.u32 v1, v16;
	v8 =	vand.u32 $0x1C, v8;
	[tilespmem:s3+$0x10] =	vst v11;
	v11 =	vld.idx.msk [tilespmem:v12+s12+$0x0], $0xffff  }
0x2a: {  	s8 =	simm.s32 $0x6;
	s5 =	simm.s32 $0x100;
	v9 =	vmov s7;
	v8 =	vbroadcast v8, $0x0;
	v12 =	vld.idx.msk [tilespmem:v13+s12+$0x0], $0xffff;
	v13 =	vor.u32 v3, v15  }
0x2b: {  	v22 =	vmov s8;
	v21 =	vor.u32 v3, v17;
	s5 =	sand.u32 $0x300, s5;
	v9 =	vand.u32 $0x1D, v9  }
0x2c: {  	s31 =	sor.u32 s5, s0;
	v10 =	vbroadcast v9, $0x0;
	v9 =	vand.u32 $0x1E, v22;
	v22 =	vor.u32 v0, v8;
	v14 =	vld.idx.msk [tilespmem:v14+s12+$0x0], $0xffff  }
0x2d: {  	v9 =	vbroadcast v9, $0x0;
	[tilespmem:s31+$0x0] =	vst v19;
	v19 =	vor.u32 v1, v18  }
0x2e: {  	s9 =	simm.s32 $0x180;
	v23 =	vor.u32 v0, v10;
	v20 =	vld.idx.msk [tilespmem:v20+s12+$0x0], $0xffff;
	[tilespmem:s26+$0xFFFFFFE0] =	vst v11  }
0x2f: {  	s1 =	sand.u32 $0x380, s9;
	v11 =	vor.u32 v0, v9;
	[tilespmem:s3+$0x20] =	vst v12;
	v12 =	vld.idx.msk [tilespmem:v13+s12+$0x0], $0xffff  }
0x30: {  	s30 =	sor.u32 s1, s0;
	v13 =	vld.idx.msk [tilespmem:v21+s12+$0x0], $0xffff;
	v21 =	vor.u32 v4, v15  }
0x31: {  	v24 =	vor.u32 v4, v17;
	v22 =	vld.idx.msk [tilespmem:v22+s12+$0x0], $0xffff;
	[tilespmem:s30+$0x0] =	vst v14  }
0x32: {  	v14 =	vor.u32 v2, v16;
	v19 =	vld.idx.msk [tilespmem:v19+s12+$0x0], $0xffff  }
0x33: {  	v25 =	vor.u32 v2, v18;
	v23 =	vld.idx.msk [tilespmem:v23+s12+$0x0], $0xffff  }
0x34: {  	v26 =	vor.u32 v1, v8;
	v11 =	vld.idx.msk [tilespmem:v11+s12+$0x0], $0xffff;
	[tilespmem:s26+$0xFFFFFFF0] =	vst v12  }
0x35: {  	s10 =	simm.s32 $0x200;
	v12 =	vor.u32 v1, v10;
	[tilespmem:s3+$0x30] =	vst v13;
	v13 =	vld.idx.msk [tilespmem:v21+s12+$0x0], $0xffff  }
0x36: {  	s17 =	simm.s32 $0x280;
	s0 =	sand.u32 $0xC00, s10;
	[tilespmem:s31+$0x10] =	vst v20;
	v21 =	vor.u32 v5, v15;
	v20 =	vld.idx.msk [tilespmem:v24+s12+$0x0], $0xffff  }
0x37: {  	s25 =	simm.s32 $0x5640;
	s1 =	sand.u32 $0x280, s17;
	s0 =	sadd.s32 $0x5400, s0;
	v24 =	vor.u32 v1, v9;
	v14 =	vld.idx.msk [tilespmem:v14+s12+$0x0], $0xffff;
	[tilespmem:s30+$0x10] =	vst v19  }
0x38: {  	s20 =	simm.s32 $0x300;
	s29 =	sor.u32 s1, s0;
	[tilespmem:s25+$0xFFFFFFC0] =	vst v22;
	v19 =	vor.u32 v3, v16;
	v22 =	vld.idx.msk [tilespmem:v25+s12+$0x0], $0xffff  }
0x39: {  	s22 =	sand.u32 $0x300, s20;
	[tilespmem:s29+$0x0] =	vst v23;
	v23 =	vld.idx.msk [tilespmem:v26+s12+$0x0], $0xffff;
	v25 =	vor.u32 v3, v18  }
0x3a: {  	s2 =	simm.s32 $0x7;
	s28 =	sor.u32 s22, s0;
	v12 =	vld.idx.msk [tilespmem:v12+s12+$0x0], $0xffff;
	[tilespmem:s26+$0x0] =	vst v13;
	v13 =	vor.u32 v5, v17  }
0x3b: {  	v27 =	vor.u32 v2, v10;
	v26 =	vmov s2;
	[tilespmem:s28+$0x0] =	vst v11;
	v21 =	vld.idx.msk [tilespmem:v21+s12+$0x0], $0xffff  }
0x3c: {  	v11 =	vand.u32 $0x1F, v26;
	v24 =	vld.idx.msk [tilespmem:v24+s12+$0x0], $0xffff;
	[tilespmem:s31+$0x20] =	vst v14;
	v14 =	vor.u32 v2, v8  }
0x3d: {  	v11 =	vbroadcast v11, $0x0;
	v19 =	vld.idx.msk [tilespmem:v19+s12+$0x0], $0xffff;
	[tilespmem:s30+$0x20] =	vst v22;
	v22 =	vor.u32 v6, v15  }
0x3e: {  	v28 =	vor.u32 v4, v16;
	[tilespmem:s3+$0x40] =	vst v20;
	v20 =	vld.idx.msk [tilespmem:v25+s12+$0x0], $0xffff  }
0x3f: {  	s5 =	simm.s32 $0x8;
	v25 =	vor.u32 v0, v11;
	[tilespmem:s29+$0x10] =	vst v12;
	v26 =	vld.idx.msk [tilespmem:v13+s12+$0x0], $0xffff  }
0x40: {  	v29 =	vor.u32 v4, v18;
	s7 =	simm.s32 $0x9;
	[tilespmem:s25+$0xFFFFFFD0] =	vst v23;
	v12 =	vmov s5;
	v23 =	vld.idx.msk [tilespmem:v27+s12+$0x0], $0xffff  }
0x41: {  	v12 =	vand.u32 $0x1C, v12;
	v13 =	vmov s7;
	v27 =	vor.u32 v3, v10;
	[tilespmem:s26+$0x10] =	vst v21;
	v21 =	vld.idx.msk [tilespmem:v14+s12+$0x0], $0xffff  }
0x42: {  	s8 =	simm.s32 $0xA;
	v30 =	vor.u32 v6, v17;
	v12 =	vbroadcast v12, $0x0;
	v13 =	vand.u32 $0x1D, v13;
	[tilespmem:s31+$0x30] =	vst v19;
	v22 =	vld.idx.msk [tilespmem:v22+s12+$0x0], $0xffff  }
0x43: {  	v14 =	vmov s8;
	v13 =	vbroadcast v13, $0x0;
	v19 =	vor.u32 v3, v8;
	v28 =	vld.idx.msk [tilespmem:v28+s12+$0x0], $0xffff  }
0x44: {  	v14 =	vand.u32 $0x1E, v14;
	v25 =	vld.idx.msk [tilespmem:v25+s12+$0x0], $0xffff;
	[tilespmem:s30+$0x30] =	vst v20;
	v20 =	vor.u32 v0, v12  }
0x45: {  	v14 =	vbroadcast v14, $0x0;
	v31 =	vor.u32 v0, v13;
	[tilespmem:s29+$0x20] =	vst v23;
	v23 =	vld.idx.msk [tilespmem:v29+s12+$0x0], $0xffff  }
0x46: {  	v29 =	vor.u32 v1, v11;
	[tilespmem:s3+$0x50] =	vst v26;
	v27 =	vld.idx.msk [tilespmem:v27+s12+$0x0], $0xffff  }
0x47: {  	s9 =	simm.s32 $0x380;
	v26 =	vor.u32 v0, v14;
	[tilespmem:s25+$0xFFFFFFE0] =	vst v21;
	v21 =	vld.idx.msk [tilespmem:v30+s12+$0x0], $0xffff  }
0x48: {  	s1 =	sand.u32 $0x380, s9;
	[tilespmem:s28+$0x10] =	vst v24;
	v24 =	vor.u32 v4, v10;
	v19 =	vld.idx.msk [tilespmem:v19+s12+$0x0], $0xffff  }
0x49: {  	s0 =	sor.u32 s1, s0;
	v17 =	vor.u32 v7, v17;
	[tilespmem:s31+$0x40] =	vst v28;
	v20 =	vld.idx.msk [tilespmem:v20+s12+$0x0], $0xffff  }
0x4a: {  	v28 =	vor.u32 v5, v16;
	[tilespmem:s0+$0x0] =	vst v25;
	v25 =	vld.idx.msk [tilespmem:v31+s12+$0x0], $0xffff  }
0x4b: {  	v30 =	vor.u32 v5, v18;
	v29 =	vld.idx.msk [tilespmem:v29+s12+$0x0], $0xffff;
	[tilespmem:s30+$0x40] =	vst v23  }
0x4c: {  	v23 =	vld.idx.msk [tilespmem:v26+s12+$0x0], $0xffff;
	v26 =	vor.u32 v4, v8;
	[tilespmem:s29+$0x30] =	vst v27  }
0x4d: {  	s10 =	simm.s32 $0x400;
	v27 =	vor.u32 v1, v12;
	[tilespmem:s3+$0x60] =	vst v21;
	v24 =	vld.idx.msk [tilespmem:v24+s12+$0x0], $0xffff  }
0x4e: {  	s17 =	sand.u32 $0xC00, s10;
	s1 =	simm.s32 $0x5840;
	s7 =	simm.s32 $0x480;
	v21 =	vor.u32 v2, v9;
	[tilespmem:s25+$0xFFFFFFF0] =	vst v19;
	v17 =	vld.idx.msk [tilespmem:v17+s12+$0x0], $0xffff  }
0x4f: {  	s8 =	sand.u32 $0x280, s7;
	s7 =	sadd.s32 $0x5400, s17;
	v19 =	vor.u32 v1, v13;
	[tilespmem:s1+$0xFFFFFFC0] =	vst v20;
	v20 =	vld.idx.msk [tilespmem:v28+s12+$0x0], $0xffff  }
0x50: {  	v15 =	vor.u32 v7, v15;
	s8 =	sor.u32 s8, s7;
	[tilespmem:s26+$0x20] =	vst v22;
	v28 =	vld.idx.msk [tilespmem:v30+s12+$0x0], $0xffff  }
0x51: {  	[tilespmem:s8+$0x0] =	vst v25;
	v25 =	vor.u32 v2, v11;
	v26 =	vld.idx.msk [tilespmem:v26+s12+$0x0], $0xffff  }
0x52: {  	v22 =	vor.u32 v6, v16;
	[tilespmem:s0+$0x10] =	vst v29;
	v30 =	vld.idx.msk [tilespmem:v27+s12+$0x0], $0xffff  }
0x53: {  	v27 =	vor.u32 v5, v8;
	v21 =	vld.idx.msk [tilespmem:v21+s12+$0x0], $0xffff;
	[tilespmem:s29+$0x40] =	vst v24  }
0x54: {  	v32 =	vor.u32 v5, v10;
	v29 =	vld.idx.msk [tilespmem:v19+s12+$0x0], $0xffff;
	[tilespmem:s3+$0x70] =	vst v17  }
0x55: {  	s20 =	simm.s32 $0x500;
	v24 =	vor.u32 v1, v14;
	v19 =	vld.idx.msk [tilespmem:v15+s12+$0x0], $0xffff;
	[tilespmem:s31+$0x50] =	vst v20  }
0x56: {  	v17 =	vor.u32 v3, v9;
	s3 =	sand.u32 $0x300, s20;
	v25 =	vld.idx.msk [tilespmem:v25+s12+$0x0], $0xffff;
	[tilespmem:s30+$0x50] =	vst v28  }
0x57: {  	s5 =	sor.u32 s3, s7;
	v20 =	vor.u32 v6, v18;
	v22 =	vld.idx.msk [tilespmem:v22+s12+$0x0], $0xffff;
	[tilespmem:s25+$0x0] =	vst v26  }
0x58: {  	s22 =	simm.s32 $0xB;
	[tilespmem:s5+$0x0] =	vst v23;
	v26 =	vor.u32 v3, v11;
	v23 =	vld.idx.msk [tilespmem:v27+s12+$0x0], $0xffff  }
0x59: {  	v15 =	vmov s22;
	v28 =	vor.u32 v7, v16;
	[tilespmem:s28+$0x20] =	vst v21;
	v21 =	vld.idx.msk [tilespmem:v32+s12+$0x0], $0xffff  }
0x5a: {  	v33 =	vor.u32 v2, v13;
	v15 =	vand.u32 $0x1F, v15;
	[tilespmem:s1+$0xFFFFFFD0] =	vst v30;
	v31 =	vld.idx.msk [tilespmem:v24+s12+$0x0], $0xffff  }
0x5b: {  	v15 =	vbroadcast v15, $0x0;
	[tilespmem:s8+$0x10] =	vst v29;
	v27 =	vld.idx.msk [tilespmem:v17+s12+$0x0], $0xffff  }
0x5c: {  	v16 =	vor.u32 v4, v11;
	v29 =	vor.u32 v2, v12;
	[tilespmem:s0+$0x20] =	vst v25;
	v25 =	vld.idx.msk [tilespmem:v20+s12+$0x0], $0xffff  }
0x5d: {  	v30 =	vor.u32 v0, v15;
	v20 =	vor.u32 v6, v8;
	v26 =	vld.idx.msk [tilespmem:v26+s12+$0x0], $0xffff;
	[tilespmem:s31+$0x60] =	vst v22  }
0x5e: {  	s10 =	simm.s32 $0x580;
	v17 =	vor.u32 v2, v14;
	v22 =	vor.u32 v7, v18;
	v24 =	vld.idx.msk [tilespmem:v28+s12+$0x0], $0xffff;
	[tilespmem:s25+$0x10] =	vst v23  }
0x5f: {  	s9 =	sshll.u32 s23, $0xA;
	s20 =	simm.s32 $0xC;
	s3 =	sshll.u32 s23, $0x1;
	v18 =	vor.u32 v4, v15;
	v23 =	vld.idx.msk [tilespmem:v33+s12+$0x0], $0xffff;
	v28 =	vor.u32 v4, v9;
	[tilespmem:s5+$0x10] =	vst v31  }
.LBB2_3:
0x60: {  	s2 =	sadd.s32 $0x1, s20  }
0x61: {  	v31 =	vmov s20;
	p0 =	slt.u32 s20, $0x1C;
	v29 =	vld.idx.msk [tilespmem:v29+s12+$0x0], $0xffff;
	v32 =	vor.u32 v6, v10;
	[tilespmem:s28+$0x30] =	vst v27;
	s22 =	smov.u32 s20;
	s20 =	sadd.s32 $0x4, s20  }
0x62: {  	v33 =	vor.u32 v3, v13;
	v27 =	vand.u32 $0x1C, v31;
	v31 =	vmov s2;
	s2 =	sadd.s32 $0x2, s22;
	v20 =	vld.idx.msk [tilespmem:v20+s12+$0x0], $0xffff;
	[tilespmem:s30+$0x60] =	vst v25  }
0x63: {  	v25 =	vbroadcast v27, $0x0;
	v27 =	vand.u32 $0x1D, v31;
	v31 =	vmov s2;
	[tilespmem:s0+$0x30] =	vst v26;
	v22 =	vld.idx.msk [tilespmem:v22+s12+$0x0], $0xffff  }
0x64: {  	v26 =	vbroadcast v27, $0x0;
	v27 =	vand.u32 $0x1E, v31;
	v31 =	vor.u32 v3, v12;
	v30 =	vld.idx.msk [tilespmem:v30+s12+$0x0], $0xffff;
	[tilespmem:s31+$0x70] =	vst v24;
	s31 =	smov.u32 s28;
	s28 =	smov.u32 s5  }
0x65: {  	v24 =	vor.u32 v0, v25;
	v27 =	vbroadcast v27, $0x0;
	v28 =	vld.idx.msk [tilespmem:v28+s12+$0x0], $0xffff;
	[tilespmem:s26+$0x30] =	vst v19;
	s26 =	smov.u32 s25;
	s25 =	smov.u32 s1  }
0x66: {  	v19 =	vor.u32 v0, v26;
	[tilespmem:s8+$0x20] =	vst v23;
	v23 =	vld.idx.msk [tilespmem:v16+s12+$0x0], $0xffff;
	v16 =	vmov v18  }
0x67: {  	v34 =	vor.u32 v1, v15;
	v18 =	vor.u32 v0, v27;
	v33 =	vld.idx.msk [tilespmem:v33+s12+$0x0], $0xffff;
	[tilespmem:s29+$0x50] =	vst v21  }
0x68: {  	s2 =	sand.u32 $0x380, s10;
	[tilespmem:s1+$0xFFFFFFE0] =	vst v29;
	v21 =	vld.idx.msk [tilespmem:v32+s12+$0x0], $0xffff  }
0x69: {  	v29 =	vld.idx.msk [tilespmem:v31+s12+$0x0], $0xffff;
	v31 =	vor.u32 v4, v13;
	[tilespmem:s30+$0x70] =	vst v22;
	s30 =	smov.u32 s0;
	s0 =	sor.u32 s2, s7  }
0x6a: {  	v22 =	vld.idx.msk [tilespmem:v24+s12+$0x0], $0xffff;
	[tilespmem:s0+$0x0] =	vst v30;
	v24 =	vor.u32 v7, v10;
	v10 =	vmov v13;
	v13 =	vmov v26  }
0x6b: {  	v26 =	vor.u32 v5, v9;
	v19 =	vld.idx.msk [tilespmem:v19+s12+$0x0], $0xffff;
	[tilespmem:s31+$0x40] =	vst v28;
	v28 =	vor.u32 v5, v11  }
0x6c: {  	s10 =	sadd.s32 $0x200, s10;
	v30 =	vor.u32 v1, v25;
	v32 =	vld.idx.msk [tilespmem:v34+s12+$0x0], $0xffff;
	[tilespmem:s30+$0x40] =	vst v23  }
0x6d: {  	s2 =	sadd.s32 $0xFFFFFE80, s10;
	v23 =	vor.u32 v1, v13;
	v34 =	vor.u32 v4, v12;
	v18 =	vld.idx.msk [tilespmem:v18+s12+$0x0], $0xffff;
	[tilespmem:s8+$0x30] =	vst v33  }
0x6e: {  	s5 =	sadd.s32 $0xFFFFFF00, s10;
	s1 =	sadd.s32 $0x200, s1;
	s2 =	sand.u32 $0xC00, s2;
	v33 =	vor.u32 v1, v27;
	v31 =	vld.idx.msk [tilespmem:v31+s12+$0x0], $0xffff;
	[tilespmem:s29+$0x60] =	vst v21  }
0x6f: {  	s5 =	sand.u32 $0x280, s5;
	s7 =	sadd.s32 $0x5400, s2;
	s2 =	sadd.s32 $0xFFFFFF80, s10;
	[tilespmem:s25+$0xFFFFFFF0] =	vst v29;
	v21 =	vld.idx.msk [tilespmem:v24+s12+$0x0], $0xffff  }
0x70: {  	s17 =	sor.u32 s5, s7;
	s2 =	sand.u32 $0x300, s2;
	[tilespmem:s1+$0xFFFFFFC0] =	vst v22;
	v22 =	vld.idx.msk [tilespmem:v26+s12+$0x0], $0xffff  }
0x71: {  	s5 =	sor.u32 s2, s7;
	[tilespmem:s17+$0x0] =	vst v19;
	v19 =	vor.u32 v2, v15;
	v24 =	vld.idx.msk [tilespmem:v28+s12+$0x0], $0xffff  }
0x72: {  	v26 =	vld.idx.msk [tilespmem:v34+s12+$0x0], $0xffff;
	[tilespmem:s26+$0x20] =	vst v20;
	v20 =	vor.u32 v6, v9  }
0x73: {  	v29 =	vor.u32 v7, v8;
	v8 =	vmov v12;
	v12 =	vmov v25;
	v28 =	vld.idx.msk [tilespmem:v30+s12+$0x0], $0xffff;
	[tilespmem:s0+$0x10] =	vst v32  }
0x74: {  	v25 =	vor.u32 v5, v8;
	v32 =	vor.u32 v2, v13;
	[tilespmem:s8+$0x40] =	vst v31;
	v30 =	vld.idx.msk [tilespmem:v17+s12+$0x0], $0xffff  }
0x75: {  	v17 =	vor.u32 v2, v27;
	v23 =	vld.idx.msk [tilespmem:v23+s12+$0x0], $0xffff;
	[tilespmem:s29+$0x70] =	vst v21;
	s29 =	smov.u32 s8;
	s8 =	smov.u32 s17  }
0x76: {  	v34 =	vor.u32 v6, v11;
	v21 =	vor.u32 v3, v14;
	v31 =	vld.idx.msk [tilespmem:v19+s12+$0x0], $0xffff;
	[tilespmem:s31+$0x50] =	vst v22  }
0x77: {  	v35 =	vld.idx.msk [tilespmem:v20+s12+$0x0], $0xffff;
	[tilespmem:s30+$0x50] =	vst v24  }
0x78: {  	v24 =	vor.u32 v3, v15;
	[tilespmem:s25+$0x0] =	vst v26;
	v19 =	vld.idx.msk [tilespmem:v29+s12+$0x0], $0xffff  }
0x79: {  	[tilespmem:s5+$0x0] =	vst v18;
	v36 =	vld.idx.msk [tilespmem:v25+s12+$0x0], $0xffff;
	v18 =	vor.u32 v7, v9;
	v9 =	vmov v14;
	v14 =	vmov v27  }
0x7a: {  	v37 =	vor.u32 v5, v10;
	s2 =	sadd.s32 $0x3, s22;
	v33 =	vld.idx.msk [tilespmem:v33+s12+$0x0], $0xffff;
	[tilespmem:s28+$0x20] =	vst v30  }
0x7b: {  	v22 =	vor.u32 v7, v11;
	v11 =	vmov v15;
	v20 =	vmov s2;
	[tilespmem:s8+$0x10] =	vst v23;
	v27 =	vld.idx.msk [tilespmem:v21+s12+$0x0], $0xffff  }
.Ltmp0:
0x7c: {  	v29 =	vor.u32 v2, v12;
	v15 =	vand.u32 $0x1F, v20;
	[tilespmem:s0+$0x20] =	vst v31;
	v25 =	vld.idx.msk [tilespmem:v34+s12+$0x0], $0xffff;
	(pc) =	sbr.rel @p0 .LBB2_3-.Ltmp0, $4  }
0x7d: {  	v20 =	vor.u32 v6, v8;
	v15 =	vbroadcast v15, $0x0;
	v26 =	vld.idx.msk [tilespmem:v24+s12+$0x0], $0xffff;
	[tilespmem:s31+$0x60] =	vst v35  }
0x7e: {  	[tilespmem:s1+$0xFFFFFFD0] =	vst v28;
	v24 =	vld.idx.msk [tilespmem:v18+s12+$0x0], $0xffff  }
0x7f: {  	v30 =	vor.u32 v0, v15;
	v18 =	vor.u32 v4, v15;
	[tilespmem:s25+$0x10] =	vst v36;
	v21 =	vld.idx.msk [tilespmem:v37+s12+$0x0], $0xffff  }
0x80: {  	v28 =	vor.u32 v4, v9;
	v23 =	vld.idx.msk [tilespmem:v32+s12+$0x0], $0xffff;
	[tilespmem:s5+$0x10] =	vst v33  }
0x81: {  	_ =	sdelay $0x3  }
0x82: {  	v30 =	vld.idx.msk [tilespmem:v30+s12+$0x0], $0xffff  }
0x83: {  	v31 =	vor.u32 v1, v15;
	_ =	sdelay $0x1  }
0x84: {  	[tilespmem:s28+$0x30] =	vst v27;
	s2 =	sand.u32 $0x380, s10  }
0x85: {  	[tilespmem:s30+$0x60] =	vst v25;
	s7 =	sor.u32 s2, s7  }
0x86: {  	[tilespmem:s7+$0x0] =	vst v30  }
0x87: {  	[tilespmem:s0+$0x30] =	vst v26;
	v25 =	vld.idx.msk [tilespmem:v31+s12+$0x0], $0xffff  }
0x88: {  	v26 =	vld.idx.msk [tilespmem:v29+s12+$0x0], $0xffff;
	[tilespmem:s31+$0x70] =	vst v24;
	v24 =	vor.u32 v2, v15  }
0x89: {  	[tilespmem:s26+$0x30] =	vst v19;
	v19 =	vor.u32 v6, v10;
	v22 =	vld.idx.msk [tilespmem:v22+s12+$0x0], $0xffff  }
0x8a: {  	v17 =	vld.idx.msk [tilespmem:v17+s12+$0x0], $0xffff;
	[tilespmem:s8+$0x20] =	vst v23;
	v23 =	vor.u32 v3, v12  }
0x8b: {  	v27 =	vor.u32 v3, v13;
	v28 =	vld.idx.msk [tilespmem:v28+s12+$0x0], $0xffff;
	[tilespmem:s29+$0x50] =	vst v21  }
0x8c: {  	v16 =	vld.idx.msk [tilespmem:v16+s12+$0x0], $0xffff;
	v21 =	vor.u32 v3, v14;
	[tilespmem:s7+$0x10] =	vst v25  }
0x8d: {  	[tilespmem:s1+$0xFFFFFFE0] =	vst v26;
	v24 =	vld.idx.msk [tilespmem:v24+s12+$0x0], $0xffff  }
0x8e: {  	v19 =	vld.idx.msk [tilespmem:v19+s12+$0x0], $0xffff;
	[tilespmem:s30+$0x70] =	vst v22;
	v22 =	vor.u32 v3, v15  }
0x8f: {  	v10 =	vor.u32 v7, v10;
	[tilespmem:s5+$0x20] =	vst v17;
	v23 =	vld.idx.msk [tilespmem:v23+s12+$0x0], $0xffff  }
0x90: {  	[tilespmem:s28+$0x40] =	vst v28;
	v25 =	vld.idx.msk [tilespmem:v27+s12+$0x0], $0xffff;
	v27 =	vor.u32 v5, v9  }
0x91: {  	v26 =	vor.u32 v4, v13;
	[tilespmem:s0+$0x40] =	vst v16;
	v16 =	vld.idx.msk [tilespmem:v21+s12+$0x0], $0xffff  }
0x92: {  	v17 =	vld.idx.msk [tilespmem:v20+s12+$0x0], $0xffff;
	v20 =	vor.u32 v4, v14;
	[tilespmem:s7+$0x20] =	vst v24  }
0x93: {  	v21 =	vor.u32 v4, v12;
	[tilespmem:s29+$0x60] =	vst v19;
	v22 =	vld.idx.msk [tilespmem:v22+s12+$0x0], $0xffff  }
0x94: {  	v10 =	vld.idx.msk [tilespmem:v10+s12+$0x0], $0xffff;
	[tilespmem:s1+$0xFFFFFFF0] =	vst v23  }
0x95: {  	v19 =	vor.u32 v5, v11;
	[tilespmem:s8+$0x30] =	vst v25;
	v23 =	vld.idx.msk [tilespmem:v27+s12+$0x0], $0xffff  }
0x96: {  	[tilespmem:s5+$0x30] =	vst v16;
	v25 =	vor.u32 v6, v9;
	v24 =	vld.idx.msk [tilespmem:v26+s12+$0x0], $0xffff  }
0x97: {  	[tilespmem:s25+$0x20] =	vst v17;
	v16 =	vor.u32 v5, v13;
	v17 =	vld.idx.msk [tilespmem:v20+s12+$0x0], $0xffff  }
0x98: {  	v20 =	vld.idx.msk [tilespmem:v21+s12+$0x0], $0xffff;
	v21 =	vor.u32 v5, v14;
	[tilespmem:s7+$0x30] =	vst v22  }
0x99: {  	[tilespmem:s29+$0x70] =	vst v10;
	v22 =	vor.u32 v5, v12;
	v18 =	vld.idx.msk [tilespmem:v18+s12+$0x0], $0xffff  }
0x9a: {  	v19 =	vld.idx.msk [tilespmem:v19+s12+$0x0], $0xffff;
	[tilespmem:s28+$0x50] =	vst v23;
	v23 =	vor.u32 v5, v15  }
0x9b: {  	v10 =	vor.u32 v6, v11;
	[tilespmem:s8+$0x40] =	vst v24;
	v24 =	vld.idx.msk [tilespmem:v25+s12+$0x0], $0xffff  }
0x9c: {  	v9 =	vor.u32 v7, v9;
	[tilespmem:s5+$0x40] =	vst v17;
	v16 =	vld.idx.msk [tilespmem:v16+s12+$0x0], $0xffff  }
0x9d: {  	v17 =	vor.u32 v6, v13;
	[tilespmem:s1+$0x0] =	vst v20;
	v20 =	vld.idx.msk [tilespmem:v21+s12+$0x0], $0xffff  }
0x9e: {  	v21 =	vld.idx.msk [tilespmem:v22+s12+$0x0], $0xffff;
	[tilespmem:s7+$0x40] =	vst v18;
	v18 =	vor.u32 v6, v14  }
0x9f: {  	[tilespmem:s0+$0x50] =	vst v19;
	v19 =	vor.u32 v6, v12;
	v22 =	vld.idx.msk [tilespmem:v23+s12+$0x0], $0xffff  }
0xa0: {  	v10 =	vld.idx.msk [tilespmem:v10+s12+$0x0], $0xffff;
	[tilespmem:s28+$0x60] =	vst v24;
	v23 =	vor.u32 v6, v15  }
0xa1: {  	v8 =	vor.u32 v7, v8;
	v9 =	vld.idx.msk [tilespmem:v9+s12+$0x0], $0xffff;
	[tilespmem:s8+$0x50] =	vst v16  }
0xa2: {  	v11 =	vor.u32 v7, v11;
	[tilespmem:s5+$0x50] =	vst v20;
	v16 =	vld.idx.msk [tilespmem:v17+s12+$0x0], $0xffff  }
0xa3: {  	v13 =	vor.u32 v7, v13;
	[tilespmem:s1+$0x10] =	vst v21;
	v17 =	vld.idx.msk [tilespmem:v18+s12+$0x0], $0xffff  }
0xa4: {  	v14 =	vor.u32 v7, v14;
	v18 =	vld.idx.msk [tilespmem:v19+s12+$0x0], $0xffff;
	[tilespmem:s7+$0x50] =	vst v22  }
0xa5: {  	[tilespmem:s0+$0x60] =	vst v10;
	v10 =	vor.u32 v7, v12;
	v12 =	vld.idx.msk [tilespmem:v23+s12+$0x0], $0xffff  }
0xa6: {  	v8 =	vld.idx.msk [tilespmem:v8+s12+$0x0], $0xffff;
	[tilespmem:s28+$0x70] =	vst v9;
	v9 =	vor.u32 v7, v15  }
0xa7: {  	v11 =	vld.idx.msk [tilespmem:v11+s12+$0x0], $0xffff;
	[tilespmem:s8+$0x60] =	vst v16  }
0xa8: {  	v13 =	vld.idx.msk [tilespmem:v13+s12+$0x0], $0xffff;
	[tilespmem:s5+$0x60] =	vst v17  }
0xa9: {  	[tilespmem:s1+$0x20] =	vst v18;
	v14 =	vld.idx.msk [tilespmem:v14+s12+$0x0], $0xffff  }
0xaa: {  	v10 =	vld.idx.msk [tilespmem:v10+s12+$0x0], $0xffff;
	[tilespmem:s7+$0x60] =	vst v12  }
0xab: {  	[tilespmem:s25+$0x30] =	vst v8;
	v8 =	vld.idx.msk [tilespmem:v9+s12+$0x0], $0xffff  }
0xac: {  	[tilespmem:s0+$0x70] =	vst v11  }
0xad: {  	s17 =	sshll.u32 s23, $0xF;
	s20 =	sand.u32 $0x2, s3;
	s26 =	rddreg [dreg:$0x1];
	[tilespmem:s8+$0x70] =	vst v13  }
0xae: {  	p0 =	seq.s32 s23, $0x33;
	s2 =	sor.u32 s6, s20;
	s0 =	sand.u32 $0x1F0000, s17;
	[tilespmem:s5+$0x70] =	vst v14  }
0xaf: {  	s3 =	simm.s32 $0x0;
	s22 =	sshll.u32 s2, $0x7;
	s25 =	sadd.s32 s26, s0;
	[tilespmem:s1+$0x30] =	vst v10  }
0xb0: {  	s2 =	simm.s32 $0x5400;
	s0 =	sadd.s32 s22, s25;
	s5 =	simm.s32 $0x1;
	[tilespmem:s7+$0x70] =	vst v8  }
0xb1: {  	v8 =	vmov s3;
	[hbm4b:s0+s15] =	stream.strided.scatter [tilespmem:s2], [sflag:$0x3], $0x1000, s16, s15, $0x38;
	[tilespmem:$0x7400] =	vst v63  }
0xb2: {  	p1 =	seq.s32 @!p0 s23, $0x0;
	v9 =	vmov s5;
	s0 =	sadd.s32 @!p0 $0x400, s9;
	v8 =	vand.u32 $0x1C, v8;
	_ =	swait.ge [sflag:s18], $0x1000  }
0xb3: {  	s1 =	simm.s32 @!p0 $0x80;
	s0 =	sand.u32 @!p0 $0x1FC00, s0;
	v16 =	vbroadcast v8, $0x0;
	v8 =	vand.u32 $0x1D, v9;
	[sflag:s18] =	ssyncset.done $0x0  }
0xb4: {  	s2 =	simm.s32 @!p0 $0x3400;
	s0 =	sshrl.u32 @!p0 s0, $0x2;
	v17 =	vbroadcast v8, $0x0;
	[sflag:s18] =	ssyncadd.s32 $0xFFFFF000  }
0xb5: {  	v8 =	vor.u32 v0, v16;
	[tilespmem:s2], [sflag:$0x1] =	stream.indirect.gather @!p0 [hbm4b:s4+s1], $0x20, s0, s1, $0xb8;
	[tilespmem:$0x7400] =	vst v63  }
0xb6: {  	p0 =	por p0, !p1;
	v9 =	vor.u32 v0, v17  }
0xb7: {  	_ =	swait.ge @p0 [sflag:s21], $0x1000  }
0xb8: {  	[sflag:s21] =	ssyncset.done @p0 $0x0  }
0xb9: {  	[sflag:s21] =	ssyncadd.s32 @p0 $0xFFFFF000  }
0xba: {  	v8 =	vld.idx.msk [tilespmem:v8+s14+$0x0], $0xffff  }
0xbb: {  	s7 =	simm.s32 $0x2;
	v10 =	vor.u32 v1, v16;
	v9 =	vld.idx.msk [tilespmem:v9+s14+$0x0], $0xffff  }
0xbc: {  	s8 =	simm.s32 $0x0;
	v11 =	vmov s7;
	v12 =	vor.u32 v1, v17  }
0xbd: {  	s9 =	simm.s32 $0x80;
	v11 =	vand.u32 $0x1E, v11;
	s0 =	sand.u32 $0xC00, s8  }
0xbe: {  	s28 =	simm.s32 $0x6470;
	v15 =	vbroadcast v11, $0x0;
	s1 =	sand.u32 $0x280, s9;
	s10 =	sadd.s32 $0x6400, s0  }
0xbf: {  	s17 =	simm.s32 $0x3;
	s3 =	sor.u32 s1, s10;
	[tilespmem:s28+$0xFFFFFF90] =	vst v8  }
0xc0: {  	v8 =	vor.u32 v0, v15;
	[tilespmem:s3+$0x0] =	vst v9;
	v9 =	vld.idx.msk [tilespmem:v10+s14+$0x0], $0xffff;
	v10 =	vmov s17  }
0xc1: {  	v11 =	vld.idx.msk [tilespmem:v12+s14+$0x0], $0xffff;
	v12 =	vor.u32 v2, v16;
	v10 =	vand.u32 $0x1F, v10  }
0xc2: {  	v13 =	vor.u32 v2, v17;
	v18 =	vbroadcast v10, $0x0;
	_ =	sdelay $0x1  }
0xc3: {  	s20 =	simm.s32 $0x4;
	v14 =	vor.u32 v0, v18  }
0xc4: {  	v19 =	vld.idx.msk [tilespmem:v8+s14+$0x0], $0xffff;
	v8 =	vmov s20;
	[tilespmem:s28+$0xFFFFFFA0] =	vst v9  }
0xc5: {  	s22 =	simm.s32 $0x5;
	v20 =	vor.u32 v1, v15;
	v8 =	vand.u32 $0x1C, v8;
	[tilespmem:s3+$0x10] =	vst v11;
	v11 =	vld.idx.msk [tilespmem:v12+s14+$0x0], $0xffff  }
0xc6: {  	s26 =	simm.s32 $0x100;
	s5 =	simm.s32 $0x6;
	v9 =	vmov s22;
	v8 =	vbroadcast v8, $0x0;
	v12 =	vld.idx.msk [tilespmem:v13+s14+$0x0], $0xffff;
	v13 =	vor.u32 v3, v16  }
0xc7: {  	v22 =	vmov s5;
	v21 =	vor.u32 v3, v17;
	s1 =	sand.u32 $0x300, s26;
	v9 =	vand.u32 $0x1D, v9  }
0xc8: {  	s0 =	sor.u32 s1, s10;
	v10 =	vbroadcast v9, $0x0;
	v9 =	vand.u32 $0x1E, v22;
	v22 =	vor.u32 v0, v8;
	v14 =	vld.idx.msk [tilespmem:v14+s14+$0x0], $0xffff  }
0xc9: {  	v9 =	vbroadcast v9, $0x0;
	[tilespmem:s0+$0x0] =	vst v19;
	v19 =	vor.u32 v1, v18  }
0xca: {  	s7 =	simm.s32 $0x180;
	v23 =	vor.u32 v0, v10;
	v20 =	vld.idx.msk [tilespmem:v20+s14+$0x0], $0xffff;
	[tilespmem:s28+$0xFFFFFFB0] =	vst v11  }
0xcb: {  	s1 =	sand.u32 $0x380, s7;
	v11 =	vor.u32 v0, v9;
	[tilespmem:s3+$0x20] =	vst v12;
	v12 =	vld.idx.msk [tilespmem:v13+s14+$0x0], $0xffff  }
0xcc: {  	s31 =	sor.u32 s1, s10;
	v13 =	vld.idx.msk [tilespmem:v21+s14+$0x0], $0xffff;
	v21 =	vor.u32 v4, v16  }
0xcd: {  	v24 =	vor.u32 v4, v17;
	v22 =	vld.idx.msk [tilespmem:v22+s14+$0x0], $0xffff;
	[tilespmem:s31+$0x0] =	vst v14  }
0xce: {  	v14 =	vor.u32 v2, v15;
	v19 =	vld.idx.msk [tilespmem:v19+s14+$0x0], $0xffff  }
0xcf: {  	v25 =	vor.u32 v2, v18;
	v23 =	vld.idx.msk [tilespmem:v23+s14+$0x0], $0xffff  }
0xd0: {  	v26 =	vor.u32 v1, v8;
	v11 =	vld.idx.msk [tilespmem:v11+s14+$0x0], $0xffff;
	[tilespmem:s28+$0xFFFFFFC0] =	vst v12  }
0xd1: {  	s8 =	simm.s32 $0x200;
	v12 =	vor.u32 v1, v10;
	[tilespmem:s3+$0x30] =	vst v13;
	v13 =	vld.idx.msk [tilespmem:v21+s14+$0x0], $0xffff  }
0xd2: {  	s9 =	simm.s32 $0x280;
	s1 =	sand.u32 $0xC00, s8;
	[tilespmem:s0+$0x10] =	vst v20;
	v21 =	vor.u32 v5, v16;
	v20 =	vld.idx.msk [tilespmem:v24+s14+$0x0], $0xffff  }
0xd3: {  	s2 =	sand.u32 $0x280, s9;
	s26 =	simm.s32 $0x6670;
	s1 =	sadd.s32 $0x6400, s1;
	v24 =	vor.u32 v1, v9;
	v14 =	vld.idx.msk [tilespmem:v14+s14+$0x0], $0xffff;
	[tilespmem:s31+$0x10] =	vst v19  }
0xd4: {  	s10 =	simm.s32 $0x300;
	s30 =	sor.u32 s2, s1;
	[tilespmem:s26+$0xFFFFFF90] =	vst v22;
	v19 =	vor.u32 v3, v15;
	v22 =	vld.idx.msk [tilespmem:v25+s14+$0x0], $0xffff  }
0xd5: {  	s17 =	sand.u32 $0x300, s10;
	[tilespmem:s30+$0x0] =	vst v23;
	v23 =	vld.idx.msk [tilespmem:v26+s14+$0x0], $0xffff;
	v25 =	vor.u32 v3, v18  }
0xd6: {  	s29 =	sor.u32 s17, s1;
	s20 =	simm.s32 $0x7;
	v12 =	vld.idx.msk [tilespmem:v12+s14+$0x0], $0xffff;
	[tilespmem:s28+$0xFFFFFFD0] =	vst v13;
	v13 =	vor.u32 v5, v17  }
0xd7: {  	v27 =	vor.u32 v2, v10;
	v26 =	vmov s20;
	[tilespmem:s29+$0x0] =	vst v11;
	v21 =	vld.idx.msk [tilespmem:v21+s14+$0x0], $0xffff  }
0xd8: {  	v11 =	vand.u32 $0x1F, v26;
	v24 =	vld.idx.msk [tilespmem:v24+s14+$0x0], $0xffff;
	[tilespmem:s0+$0x20] =	vst v14;
	v14 =	vor.u32 v2, v8  }
0xd9: {  	v11 =	vbroadcast v11, $0x0;
	v19 =	vld.idx.msk [tilespmem:v19+s14+$0x0], $0xffff;
	[tilespmem:s31+$0x20] =	vst v22;
	v22 =	vor.u32 v6, v16  }
0xda: {  	v28 =	vor.u32 v4, v15;
	[tilespmem:s3+$0x40] =	vst v20;
	v20 =	vld.idx.msk [tilespmem:v25+s14+$0x0], $0xffff  }
0xdb: {  	s22 =	simm.s32 $0x8;
	v25 =	vor.u32 v0, v11;
	[tilespmem:s30+$0x10] =	vst v12;
	v26 =	vld.idx.msk [tilespmem:v13+s14+$0x0], $0xffff  }
0xdc: {  	s5 =	simm.s32 $0x9;
	v29 =	vor.u32 v4, v18;
	[tilespmem:s26+$0xFFFFFFA0] =	vst v23;
	v12 =	vmov s22;
	v23 =	vld.idx.msk [tilespmem:v27+s14+$0x0], $0xffff  }
0xdd: {  	v12 =	vand.u32 $0x1C, v12;
	v13 =	vmov s5;
	v27 =	vor.u32 v3, v10;
	[tilespmem:s28+$0xFFFFFFE0] =	vst v21;
	v21 =	vld.idx.msk [tilespmem:v14+s14+$0x0], $0xffff  }
0xde: {  	v30 =	vor.u32 v6, v17;
	s7 =	simm.s32 $0xA;
	v12 =	vbroadcast v12, $0x0;
	v13 =	vand.u32 $0x1D, v13;
	[tilespmem:s0+$0x30] =	vst v19;
	v22 =	vld.idx.msk [tilespmem:v22+s14+$0x0], $0xffff  }
0xdf: {  	v14 =	vmov s7;
	v13 =	vbroadcast v13, $0x0;
	v19 =	vor.u32 v3, v8;
	v28 =	vld.idx.msk [tilespmem:v28+s14+$0x0], $0xffff  }
0xe0: {  	v14 =	vand.u32 $0x1E, v14;
	v25 =	vld.idx.msk [tilespmem:v25+s14+$0x0], $0xffff;
	[tilespmem:s31+$0x30] =	vst v20;
	v20 =	vor.u32 v0, v12  }
0xe1: {  	v14 =	vbroadcast v14, $0x0;
	v31 =	vor.u32 v0, v13;
	[tilespmem:s30+$0x20] =	vst v23;
	v23 =	vld.idx.msk [tilespmem:v29+s14+$0x0], $0xffff  }
0xe2: {  	v29 =	vor.u32 v1, v11;
	[tilespmem:s3+$0x50] =	vst v26;
	v27 =	vld.idx.msk [tilespmem:v27+s14+$0x0], $0xffff  }
0xe3: {  	s8 =	simm.s32 $0x380;
	v26 =	vor.u32 v0, v14;
	[tilespmem:s26+$0xFFFFFFB0] =	vst v21;
	v21 =	vld.idx.msk [tilespmem:v30+s14+$0x0], $0xffff  }
0xe4: {  	s2 =	sand.u32 $0x380, s8;
	[tilespmem:s29+$0x10] =	vst v24;
	v24 =	vor.u32 v4, v10;
	v19 =	vld.idx.msk [tilespmem:v19+s14+$0x0], $0xffff  }
0xe5: {  	s1 =	sor.u32 s2, s1;
	v17 =	vor.u32 v7, v17;
	[tilespmem:s0+$0x40] =	vst v28;
	v20 =	vld.idx.msk [tilespmem:v20+s14+$0x0], $0xffff  }
0xe6: {  	v28 =	vor.u32 v5, v15;
	[tilespmem:s1+$0x0] =	vst v25;
	v25 =	vld.idx.msk [tilespmem:v31+s14+$0x0], $0xffff  }
0xe7: {  	v30 =	vor.u32 v5, v18;
	v29 =	vld.idx.msk [tilespmem:v29+s14+$0x0], $0xffff;
	[tilespmem:s31+$0x40] =	vst v23  }
0xe8: {  	v23 =	vld.idx.msk [tilespmem:v26+s14+$0x0], $0xffff;
	v26 =	vor.u32 v4, v8;
	[tilespmem:s30+$0x30] =	vst v27  }
0xe9: {  	s9 =	simm.s32 $0x400;
	v27 =	vor.u32 v1, v12;
	[tilespmem:s3+$0x60] =	vst v21;
	v24 =	vld.idx.msk [tilespmem:v24+s14+$0x0], $0xffff  }
0xea: {  	s8 =	simm.s32 $0x6870;
	s10 =	simm.s32 $0x480;
	s2 =	sand.u32 $0xC00, s9;
	v21 =	vor.u32 v2, v9;
	[tilespmem:s26+$0xFFFFFFC0] =	vst v19;
	v17 =	vld.idx.msk [tilespmem:v17+s14+$0x0], $0xffff  }
0xeb: {  	s17 =	sand.u32 $0x280, s10;
	s5 =	sadd.s32 $0x6400, s2;
	v19 =	vor.u32 v1, v13;
	[tilespmem:s8+$0xFFFFFF90] =	vst v20;
	v20 =	vld.idx.msk [tilespmem:v28+s14+$0x0], $0xffff  }
0xec: {  	v16 =	vor.u32 v7, v16;
	s9 =	sor.u32 s17, s5;
	[tilespmem:s28+$0xFFFFFFF0] =	vst v22;
	v28 =	vld.idx.msk [tilespmem:v30+s14+$0x0], $0xffff  }
0xed: {  	[tilespmem:s9+$0x0] =	vst v25;
	v25 =	vor.u32 v2, v11;
	v26 =	vld.idx.msk [tilespmem:v26+s14+$0x0], $0xffff  }
0xee: {  	s20 =	simm.s32 $0x500;
	v22 =	vor.u32 v6, v15;
	[tilespmem:s1+$0x10] =	vst v29;
	v30 =	vld.idx.msk [tilespmem:v27+s14+$0x0], $0xffff  }
0xef: {  	s2 =	sand.u32 $0x300, s20;
	v27 =	vor.u32 v5, v8;
	v21 =	vld.idx.msk [tilespmem:v21+s14+$0x0], $0xffff;
	[tilespmem:s30+$0x40] =	vst v24  }
0xf0: {  	v32 =	vor.u32 v5, v10;
	v29 =	vld.idx.msk [tilespmem:v19+s14+$0x0], $0xffff;
	[tilespmem:s3+$0x70] =	vst v17;
	s3 =	sor.u32 s2, s5  }
0xf1: {  	v24 =	vor.u32 v1, v14;
	v19 =	vld.idx.msk [tilespmem:v16+s14+$0x0], $0xffff;
	[tilespmem:s3+$0x0] =	vst v23  }
0xf2: {  	v17 =	vor.u32 v3, v9;
	v25 =	vld.idx.msk [tilespmem:v25+s14+$0x0], $0xffff;
	[tilespmem:s0+$0x50] =	vst v20  }
0xf3: {  	v20 =	vor.u32 v6, v18;
	v22 =	vld.idx.msk [tilespmem:v22+s14+$0x0], $0xffff;
	[tilespmem:s26+$0xFFFFFFD0] =	vst v26  }
0xf4: {  	[tilespmem:s31+$0x50] =	vst v28;
	v26 =	vor.u32 v3, v11;
	v23 =	vld.idx.msk [tilespmem:v27+s14+$0x0], $0xffff  }
0xf5: {  	s22 =	simm.s32 $0xB;
	v28 =	vor.u32 v7, v15;
	[tilespmem:s29+$0x20] =	vst v21;
	v21 =	vld.idx.msk [tilespmem:v32+s14+$0x0], $0xffff  }
0xf6: {  	v33 =	vor.u32 v2, v13;
	v15 =	vmov s22;
	[tilespmem:s8+$0xFFFFFFA0] =	vst v30;
	v31 =	vld.idx.msk [tilespmem:v24+s14+$0x0], $0xffff  }
0xf7: {  	v15 =	vand.u32 $0x1F, v15;
	[tilespmem:s9+$0x10] =	vst v29;
	v27 =	vld.idx.msk [tilespmem:v17+s14+$0x0], $0xffff  }
0xf8: {  	v16 =	vor.u32 v4, v11;
	v15 =	vbroadcast v15, $0x0;
	v29 =	vor.u32 v2, v12;
	[tilespmem:s1+$0x20] =	vst v25;
	v25 =	vld.idx.msk [tilespmem:v20+s14+$0x0], $0xffff  }
0xf9: {  	v17 =	vor.u32 v2, v14;
	v20 =	vor.u32 v6, v8;
	v26 =	vld.idx.msk [tilespmem:v26+s14+$0x0], $0xffff;
	[tilespmem:s0+$0x60] =	vst v22  }
0xfa: {  	v30 =	vor.u32 v0, v15;
	v22 =	vor.u32 v7, v18;
	v24 =	vld.idx.msk [tilespmem:v28+s14+$0x0], $0xffff;
	[tilespmem:s26+$0xFFFFFFE0] =	vst v23  }
0xfb: {  	s10 =	simm.s32 $0xC;
	s7 =	simm.s32 $0x580;
	v18 =	vor.u32 v4, v15;
	v23 =	vld.idx.msk [tilespmem:v33+s14+$0x0], $0xffff;
	v28 =	vor.u32 v4, v9;
	[tilespmem:s3+$0x10] =	vst v31  }
.LBB2_5:
0xfc: {  	s2 =	sadd.s32 $0x1, s10  }
0xfd: {  	v31 =	vmov s10;
	p0 =	slt.u32 s10, $0x1C;
	v29 =	vld.idx.msk [tilespmem:v29+s14+$0x0], $0xffff;
	v32 =	vor.u32 v6, v10;
	[tilespmem:s29+$0x30] =	vst v27;
	s20 =	smov.u32 s10;
	s10 =	sadd.s32 $0x4, s10  }
0xfe: {  	v33 =	vor.u32 v3, v13;
	v27 =	vand.u32 $0x1C, v31;
	v31 =	vmov s2;
	s2 =	sadd.s32 $0x2, s20;
	v20 =	vld.idx.msk [tilespmem:v20+s14+$0x0], $0xffff;
	[tilespmem:s31+$0x60] =	vst v25  }
0xff: {  	v25 =	vbroadcast v27, $0x0;
	v27 =	vand.u32 $0x1D, v31;
	v31 =	vmov s2;
	[tilespmem:s1+$0x30] =	vst v26;
	v22 =	vld.idx.msk [tilespmem:v22+s14+$0x0], $0xffff  }
0x100: {  	v26 =	vbroadcast v27, $0x0;
	v27 =	vand.u32 $0x1E, v31;
	v31 =	vor.u32 v3, v12;
	v30 =	vld.idx.msk [tilespmem:v30+s14+$0x0], $0xffff;
	[tilespmem:s0+$0x70] =	vst v24;
	s0 =	smov.u32 s29;
	s29 =	smov.u32 s3  }
0x101: {  	v24 =	vor.u32 v0, v25;
	v27 =	vbroadcast v27, $0x0;
	v28 =	vld.idx.msk [tilespmem:v28+s14+$0x0], $0xffff;
	[tilespmem:s28+$0x0] =	vst v19;
	s28 =	smov.u32 s26;
	s26 =	smov.u32 s8  }
0x102: {  	v19 =	vor.u32 v0, v26;
	[tilespmem:s9+$0x20] =	vst v23;
	v23 =	vld.idx.msk [tilespmem:v16+s14+$0x0], $0xffff;
	v16 =	vmov v18  }
0x103: {  	v34 =	vor.u32 v1, v15;
	v18 =	vor.u32 v0, v27;
	v33 =	vld.idx.msk [tilespmem:v33+s14+$0x0], $0xffff;
	[tilespmem:s30+$0x50] =	vst v21  }
0x104: {  	s2 =	sand.u32 $0x380, s7;
	[tilespmem:s8+$0xFFFFFFB0] =	vst v29;
	v21 =	vld.idx.msk [tilespmem:v32+s14+$0x0], $0xffff  }
0x105: {  	v29 =	vld.idx.msk [tilespmem:v31+s14+$0x0], $0xffff;
	v31 =	vor.u32 v4, v13;
	[tilespmem:s31+$0x70] =	vst v22;
	s31 =	smov.u32 s1;
	s1 =	sor.u32 s2, s5  }
0x106: {  	v22 =	vld.idx.msk [tilespmem:v24+s14+$0x0], $0xffff;
	[tilespmem:s1+$0x0] =	vst v30;
	v24 =	vor.u32 v7, v10;
	v10 =	vmov v13;
	v13 =	vmov v26  }
0x107: {  	v26 =	vor.u32 v5, v9;
	v19 =	vld.idx.msk [tilespmem:v19+s14+$0x0], $0xffff;
	[tilespmem:s0+$0x40] =	vst v28;
	v28 =	vor.u32 v5, v11  }
0x108: {  	s7 =	sadd.s32 $0x200, s7;
	v30 =	vor.u32 v1, v25;
	v32 =	vld.idx.msk [tilespmem:v34+s14+$0x0], $0xffff;
	[tilespmem:s31+$0x40] =	vst v23  }
0x109: {  	s2 =	sadd.s32 $0xFFFFFE80, s7;
	v23 =	vor.u32 v1, v13;
	v34 =	vor.u32 v4, v12;
	v18 =	vld.idx.msk [tilespmem:v18+s14+$0x0], $0xffff;
	[tilespmem:s9+$0x30] =	vst v33  }
0x10a: {  	s3 =	sadd.s32 $0xFFFFFF00, s7;
	s8 =	sadd.s32 $0x200, s8;
	s2 =	sand.u32 $0xC00, s2;
	v33 =	vor.u32 v1, v27;
	v31 =	vld.idx.msk [tilespmem:v31+s14+$0x0], $0xffff;
	[tilespmem:s30+$0x60] =	vst v21  }
0x10b: {  	s3 =	sand.u32 $0x280, s3;
	s5 =	sadd.s32 $0x6400, s2;
	s2 =	sadd.s32 $0xFFFFFF80, s7;
	[tilespmem:s26+$0xFFFFFFC0] =	vst v29;
	v21 =	vld.idx.msk [tilespmem:v24+s14+$0x0], $0xffff  }
0x10c: {  	s17 =	sor.u32 s3, s5;
	s2 =	sand.u32 $0x300, s2;
	[tilespmem:s8+$0xFFFFFF90] =	vst v22;
	v22 =	vld.idx.msk [tilespmem:v26+s14+$0x0], $0xffff  }
0x10d: {  	s3 =	sor.u32 s2, s5;
	[tilespmem:s17+$0x0] =	vst v19;
	v19 =	vor.u32 v2, v15;
	v24 =	vld.idx.msk [tilespmem:v28+s14+$0x0], $0xffff  }
0x10e: {  	v26 =	vld.idx.msk [tilespmem:v34+s14+$0x0], $0xffff;
	[tilespmem:s28+$0xFFFFFFF0] =	vst v20;
	v20 =	vor.u32 v6, v9  }
0x10f: {  	v29 =	vor.u32 v7, v8;
	v8 =	vmov v12;
	v12 =	vmov v25;
	v28 =	vld.idx.msk [tilespmem:v30+s14+$0x0], $0xffff;
	[tilespmem:s1+$0x10] =	vst v32  }
0x110: {  	v25 =	vor.u32 v5, v8;
	v32 =	vor.u32 v2, v13;
	[tilespmem:s9+$0x40] =	vst v31;
	v30 =	vld.idx.msk [tilespmem:v17+s14+$0x0], $0xffff  }
0x111: {  	v17 =	vor.u32 v2, v27;
	v23 =	vld.idx.msk [tilespmem:v23+s14+$0x0], $0xffff;
	[tilespmem:s30+$0x70] =	vst v21;
	s30 =	smov.u32 s9;
	s9 =	smov.u32 s17  }
0x112: {  	v34 =	vor.u32 v6, v11;
	v21 =	vor.u32 v3, v14;
	v31 =	vld.idx.msk [tilespmem:v19+s14+$0x0], $0xffff;
	[tilespmem:s0+$0x50] =	vst v22  }
0x113: {  	v35 =	vld.idx.msk [tilespmem:v20+s14+$0x0], $0xffff;
	[tilespmem:s31+$0x50] =	vst v24  }
0x114: {  	v24 =	vor.u32 v3, v15;
	[tilespmem:s26+$0xFFFFFFD0] =	vst v26;
	v19 =	vld.idx.msk [tilespmem:v29+s14+$0x0], $0xffff  }
0x115: {  	[tilespmem:s3+$0x0] =	vst v18;
	v36 =	vld.idx.msk [tilespmem:v25+s14+$0x0], $0xffff;
	v18 =	vor.u32 v7, v9;
	v9 =	vmov v14;
	v14 =	vmov v27  }
0x116: {  	v37 =	vor.u32 v5, v10;
	s2 =	sadd.s32 $0x3, s20;
	v33 =	vld.idx.msk [tilespmem:v33+s14+$0x0], $0xffff;
	[tilespmem:s29+$0x20] =	vst v30  }
0x117: {  	v22 =	vor.u32 v7, v11;
	v11 =	vmov v15;
	v20 =	vmov s2;
	[tilespmem:s9+$0x10] =	vst v23;
	v27 =	vld.idx.msk [tilespmem:v21+s14+$0x0], $0xffff  }
.Ltmp1:
0x118: {  	v29 =	vor.u32 v2, v12;
	v15 =	vand.u32 $0x1F, v20;
	[tilespmem:s1+$0x20] =	vst v31;
	v25 =	vld.idx.msk [tilespmem:v34+s14+$0x0], $0xffff;
	(pc) =	sbr.rel @p0 .LBB2_5-.Ltmp1, $4  }
0x119: {  	v20 =	vor.u32 v6, v8;
	v15 =	vbroadcast v15, $0x0;
	v26 =	vld.idx.msk [tilespmem:v24+s14+$0x0], $0xffff;
	[tilespmem:s0+$0x60] =	vst v35  }
0x11a: {  	[tilespmem:s8+$0xFFFFFFA0] =	vst v28;
	v24 =	vld.idx.msk [tilespmem:v18+s14+$0x0], $0xffff  }
0x11b: {  	v30 =	vor.u32 v0, v15;
	v18 =	vor.u32 v4, v15;
	[tilespmem:s26+$0xFFFFFFE0] =	vst v36;
	v21 =	vld.idx.msk [tilespmem:v37+s14+$0x0], $0xffff  }
0x11c: {  	v28 =	vor.u32 v4, v9;
	v23 =	vld.idx.msk [tilespmem:v32+s14+$0x0], $0xffff;
	[tilespmem:s3+$0x10] =	vst v33  }
0x11d: {  	_ =	sdelay $0x3  }
0x11e: {  	v30 =	vld.idx.msk [tilespmem:v30+s14+$0x0], $0xffff  }
0x11f: {  	v31 =	vor.u32 v1, v15;
	_ =	sdelay $0x1  }
0x120: {  	[tilespmem:s29+$0x30] =	vst v27;
	s2 =	sand.u32 $0x380, s7  }
0x121: {  	[tilespmem:s31+$0x60] =	vst v25;
	s5 =	sor.u32 s2, s5  }
0x122: {  	[tilespmem:s5+$0x0] =	vst v30  }
0x123: {  	[tilespmem:s28+$0x0] =	vst v19;
	v54 =	vld.idx.msk [tilespmem:v31+s14+$0x0], $0xffff  }
0x124: {  	v55 =	vld.idx.msk [tilespmem:v29+s14+$0x0], $0xffff;
	v56 =	vor.u32 v2, v15;
	[tilespmem:s1+$0x30] =	vst v26  }
0x125: {  	v17 =	vld.idx.msk [tilespmem:v17+s14+$0x0], $0xffff;
	[tilespmem:s0+$0x70] =	vst v24  }
0x126: {  	v57 =	vor.u32 v3, v13;
	v33 =	vld.idx.msk [tilespmem:v20+s14+$0x0], $0xffff;
	[tilespmem:s30+$0x50] =	vst v21  }
0x127: {  	v58 =	vor.u32 v6, v10;
	v22 =	vld.idx.msk [tilespmem:v22+s14+$0x0], $0xffff;
	[tilespmem:s9+$0x20] =	vst v23  }
0x128: {  	v60 =	vor.u32 v3, v14;
	v28 =	vld.idx.msk [tilespmem:v28+s14+$0x0], $0xffff;
	[tilespmem:s5+$0x10] =	vst v54  }
0x129: {  	v59 =	vor.u32 v3, v12;
	[tilespmem:s8+$0xFFFFFFB0] =	vst v55;
	v24 =	vld.idx.msk [tilespmem:v56+s14+$0x0], $0xffff  }
0x12a: {  	v62 =	vor.u32 v3, v15;
	v16 =	vld.idx.msk [tilespmem:v16+s14+$0x0], $0xffff;
	[tilespmem:s3+$0x20] =	vst v17  }
0x12b: {  	v8 =	vor.u32 v7, v8;
	v61 =	vld.idx.msk [tilespmem:v57+s14+$0x0], $0xffff;
	[tilespmem:s26+$0xFFFFFFF0] =	vst v33  }
0x12c: {  	v19 =	vld.idx.msk [tilespmem:v58+s14+$0x0], $0xffff;
	v30 =	vor.u32 v5, v9;
	[tilespmem:s31+$0x70] =	vst v22  }
0x12d: {  	v63 =	vor.u32 v4, v13;
	[tilespmem:s29+$0x40] =	vst v28;
	v32 =	vld.idx.msk [tilespmem:v60+s14+$0x0], $0xffff  }
0x12e: {  	v34 =	vor.u32 v4, v14;
	v23 =	vld.idx.msk [tilespmem:v59+s14+$0x0], $0xffff;
	[tilespmem:s5+$0x20] =	vst v24  }
0x12f: {  	v35 =	vor.u32 v4, v12;
	[tilespmem:s1+$0x40] =	vst v16;
	v22 =	vld.idx.msk [tilespmem:v62+s14+$0x0], $0xffff  }
0x130: {  	v8 =	vld.idx.msk [tilespmem:v8+s14+$0x0], $0xffff;
	[tilespmem:s9+$0x30] =	vst v61  }
0x131: {  	v37 =	vor.u32 v5, v11;
	[tilespmem:s30+$0x60] =	vst v19;
	v38 =	vld.idx.msk [tilespmem:v30+s14+$0x0], $0xffff  }
0x132: {  	v31 =	vor.u32 v7, v10;
	v36 =	vld.idx.msk [tilespmem:v63+s14+$0x0], $0xffff;
	[tilespmem:s3+$0x30] =	vst v32  }
0x133: {  	v40 =	vor.u32 v5, v13;
	[tilespmem:s8+$0xFFFFFFC0] =	vst v23;
	v41 =	vld.idx.msk [tilespmem:v34+s14+$0x0], $0xffff  }
0x134: {  	v43 =	vor.u32 v5, v14;
	v42 =	vld.idx.msk [tilespmem:v35+s14+$0x0], $0xffff;
	[tilespmem:s5+$0x30] =	vst v22  }
0x135: {  	v44 =	vor.u32 v5, v12;
	[tilespmem:s26+$0x0] =	vst v8;
	v18 =	vld.idx.msk [tilespmem:v18+s14+$0x0], $0xffff  }
0x136: {  	v45 =	vor.u32 v5, v15;
	v19 =	vld.idx.msk [tilespmem:v37+s14+$0x0], $0xffff;
	[tilespmem:s29+$0x50] =	vst v38  }
0x137: {  	v39 =	vor.u32 v6, v9;
	v10 =	vld.idx.msk [tilespmem:v31+s14+$0x0], $0xffff;
	[tilespmem:s9+$0x40] =	vst v36  }
0x138: {  	v46 =	vor.u32 v6, v11;
	v16 =	vld.idx.msk [tilespmem:v40+s14+$0x0], $0xffff;
	[tilespmem:s3+$0x40] =	vst v41  }
0x139: {  	v49 =	vor.u32 v6, v13;
	[tilespmem:s8+$0xFFFFFFD0] =	vst v42;
	v50 =	vld.idx.msk [tilespmem:v43+s14+$0x0], $0xffff  }
0x13a: {  	v52 =	vor.u32 v6, v14;
	v51 =	vld.idx.msk [tilespmem:v44+s14+$0x0], $0xffff;
	[tilespmem:s5+$0x40] =	vst v18  }
0x13b: {  	v53 =	vor.u32 v6, v12;
	[tilespmem:s1+$0x50] =	vst v19;
	v54 =	vld.idx.msk [tilespmem:v45+s14+$0x0], $0xffff  }
0x13c: {  	v55 =	vor.u32 v6, v15;
	[tilespmem:s30+$0x70] =	vst v10;
	v47 =	vld.idx.msk [tilespmem:v39+s14+$0x0], $0xffff  }
0x13d: {  	v48 =	vor.u32 v7, v9;
	v10 =	vld.idx.msk [tilespmem:v46+s14+$0x0], $0xffff;
	[tilespmem:s9+$0x50] =	vst v16  }
0x13e: {  	v56 =	vor.u32 v7, v11;
	v16 =	vld.idx.msk [tilespmem:v49+s14+$0x0], $0xffff;
	[tilespmem:s3+$0x50] =	vst v50  }
0x13f: {  	v57 =	vor.u32 v7, v13;
	[tilespmem:s8+$0xFFFFFFE0] =	vst v51;
	v58 =	vld.idx.msk [tilespmem:v52+s14+$0x0], $0xffff  }
0x140: {  	v60 =	vor.u32 v7, v14;
	v59 =	vld.idx.msk [tilespmem:v53+s14+$0x0], $0xffff;
	[tilespmem:s5+$0x50] =	vst v54  }
0x141: {  	v61 =	vor.u32 v7, v12;
	[tilespmem:s29+$0x60] =	vst v47;
	v62 =	vld.idx.msk [tilespmem:v55+s14+$0x0], $0xffff  }
0x142: {  	v63 =	vor.u32 v7, v15;
	[tilespmem:s1+$0x60] =	vst v10;
	v9 =	vld.idx.msk [tilespmem:v48+s14+$0x0], $0xffff  }
0x143: {  	v11 =	vld.idx.msk [tilespmem:v56+s14+$0x0], $0xffff;
	[tilespmem:s9+$0x60] =	vst v16  }
0x144: {  	v13 =	vld.idx.msk [tilespmem:v57+s14+$0x0], $0xffff;
	[tilespmem:s3+$0x60] =	vst v58  }
0x145: {  	[tilespmem:s8+$0xFFFFFFF0] =	vst v59;
	v14 =	vld.idx.msk [tilespmem:v60+s14+$0x0], $0xffff  }
0x146: {  	v10 =	vld.idx.msk [tilespmem:v61+s14+$0x0], $0xffff;
	[tilespmem:s5+$0x60] =	vst v62  }
0x147: {  	s23 =	sadd.s32 $0x1, s23;
	[tilespmem:s29+$0x70] =	vst v9;
	v8 =	vld.idx.msk [tilespmem:v63+s14+$0x0], $0xffff  }
0x148: {  	p0 =	sne.s32 s23, $0x34;
	[tilespmem:s1+$0x70] =	vst v11  }
.Ltmp2:
0x149: {  	s31 =	sand.u32 $0x3, s24;
	[tilespmem:s9+$0x70] =	vst v13;
	(pc) =	sbr.rel @p0 .LBB2_2-.Ltmp2, $4  }
0x14a: {  	s0 =	sor.u32 s6, s31;
	[tilespmem:s3+$0x70] =	vst v14  }
0x14b: {  	s0 =	sshll.u32 s0, $0x7;
	[tilespmem:s8+$0x0] =	vst v10  }
0x14c: {  	s0 =	sadd.s32 s0, s25;
	[tilespmem:s5+$0x70] =	vst v8  }
0x14d: {  	[hbm4b:s0+s15] =	stream.strided.scatter [tilespmem:s19], [sflag:$0x4], $0x1000, s16, s15, $0x38;
	[tilespmem:$0x7400] =	vst v63  }
0x14e: {  	s0 =	simm.s32 $0x3  }
0x14f: {  	_ =	swait.ge [sflag:s0], $0x1000  }
0x150: {  	[sflag:s0] =	ssyncset.done $0x0  }
0x151: {  	[sflag:s0] =	ssyncadd.s32 $0xFFFFF000  }
0x152: {  	_ =	swait.ge [sflag:s21], $0x1000  }
0x153: {  	s1 =	rddreg [dreg:$0x5]  }
0x154: {  	s31 =	rddreg [dreg:$0x4];
	s1 =	sadd.s32 $0x1, s1  }
0x155: {  	p0 =	sne.s32 s1, s31  }
.Ltmp3:
0x156: {  	_ = 	snop;
	(pc) =	sbr.rel @p0 .LBB2_1-.Ltmp3, $3  }
0x157: {  	_ =	sdelay $0x1  }
0x158: {  	[sflag:s21] =	ssyncset.done $0x0  }
0x159: {  	[sflag:s21] =	ssyncadd.s32 $0xFFFFF000  }
0x15a: {  	_ =	sfence.sel $0x180000  }
0x15b: {  	[bflag:$0x0] =	sbarrier.arrive $0xFFFF  }
0x15c: {  	_ =	strace $0x9000004A  }
0x15d: {  	s0 =	stileid.u32;
	[bflag:$0x2] =	sbarrier.arrive $0xFFFF  }
0x15e: {  	p0 =	sne.s32 s0, $0x0;
	s0 =	rddreg [dreg:$0x2]  }
0x15f: {  	s0 =	sadd.s32 @!p0 $0x100000, s0  }
0x160: {  	[sflag:s0] =	ssyncadd.tile.s32 @!p0 $0x1;
	_ =	shalt  }
.Lfunc_end2:
_tile_overlayer_lowered:
.L_overlay_start_2:
0x161: {  	(tag) =	ssettag $0x2  }
0x162: {  	s0 =	rddreg [dreg:$0x0];
	s2 =	stileid.u32  }
0x163: {  	s1 =	rddreg [dreg:$0x1];
	p0 =	sne.s32 s2, $0x0  }
0x164: {  	s3 =	rddreg [dreg:$0x2];
	[bflag:$0x3] =	sbarrier.arrive $0xFFFF;
	s2 =	simm.s32 @!p0 $0x1C05  }
0x165: {  	[timem:s3], [sflag:s2] =	dma.local @!p0 [hbm:s0], s1  }
0x166: {  	s0 =	simm.s32 @!p0 $0x5  }
0x167: {  	_ =	swait.ge @!p0 [sflag:s0], s1  }
0x168: {  	s1 =	ssub.s32 @!p0 $0x0, s1;
	[sflag:s0] =	ssyncset.done @!p0 $0x0  }
0x169: {  	[sflag:s0] =	ssyncadd.s32 @!p0 s1  }
0x16a: {  	[bflag:$0x3] =	sbarrier.arrive $0xFFFF  }
0x16b: {  	_ =	shalt  }

</sc_bundles>
